<compile_context>
chip_gen: v7x
topology: tpu7x:2x2x1
jax: 0.10.2.dev20260603
libtpu: 0.0.44.dev20260713+nightly
codegen_flags: <defaults>
</compile_context>

<pallas_src>
import functools

import jax
import jax.numpy as jnp
from jax import lax
from jax.experimental import pallas as pl
from jax.experimental.pallas import tpu as pltpu
from jax.experimental.pallas import tpu_sc as plsc

_B = 4096
_FD = 10000
_XW = 30000
_SCALE_TANH = 1.2
_BB = 128
_NW = 32
_RPW = _B // _NW
_RV = 16
_XROWS = _B * _XW // _RV
_L = 16


_CB = 2048
_NJ = -(-_FD // _CB)


def _tc_argmax_copy(x_ref, logits_ref, c_ref, m_s, i_s):
    j = pl.program_id(1)
    xb = x_ref[...]
    logits_ref[...] = xb
    col = j * _CB + lax.broadcasted_iota(jnp.int32, xb.shape, 1)
    valid = col < _FD
    xm = jnp.where(valid, xb, -jnp.inf)
    bm = jnp.max(xm, axis=1)
    cand = jnp.where(xm == bm[:, None], col, _FD - 1)
    bi = jnp.min(cand, axis=1)

    @pl.when(j == 0)
    def _():
        m_s[...] = bm
        i_s[...] = bi

    @pl.when(j > 0)
    def _():
        better = bm > m_s[...]
        m_s[...] = jnp.where(better, bm, m_s[...])
        i_s[...] = jnp.where(better, bi, i_s[...])

    @pl.when(j == _NJ - 1)
    def _():
        c_ref[...] = i_s[...]


def _sc_gather_tail(xf_hbm, c_hbm, ctrf_hbm, upf_hbm, dnf_hbm,
                    gps_hbm, inv_hbm, ctr_hbm, reg_hbm,
                    c_v, r0_v, r1_v, i20_v, i21_v,
                    x0_v, x1_v, ct0_v, ct1_v, up0_v, up1_v, dn0_v, dn1_v,
                    gps_v, inv_v, ctr_v, reg_v, sem):
    wid = lax.axis_index("s") * 2 + lax.axis_index("c")
    base = wid * _RPW

    pltpu.sync_copy(c_hbm.at[pl.ds(base, _RPW)], c_v)

    for j in range(_RPW // _L):
        sl = pl.ds(j * _L, _L)
        cj = c_v[sl]
        rows = base + j * _L + lax.iota(jnp.int32, _L)
        f = rows * _XW + _FD + 2 * cj
        r0_v[sl] = f
        r1_v[sl] = f + 1
        i20_v[sl] = 2 * cj
        i21_v[sl] = 2 * cj + 1

    cps = [
        pltpu.async_copy(xf_hbm.at[r0_v], x0_v, sem),
        pltpu.async_copy(xf_hbm.at[r1_v], x1_v, sem),
        pltpu.async_copy(ctrf_hbm.at[i20_v], ct0_v, sem),
        pltpu.async_copy(ctrf_hbm.at[i21_v], ct1_v, sem),
        pltpu.async_copy(upf_hbm.at[i20_v], up0_v, sem),
        pltpu.async_copy(upf_hbm.at[i21_v], up1_v, sem),
        pltpu.async_copy(dnf_hbm.at[i20_v], dn0_v, sem),
        pltpu.async_copy(dnf_hbm.at[i21_v], dn1_v, sem),
    ]
    for cp in cps:
        cp.wait()

    for comp in range(2):
        x_v = x0_v if comp == 0 else x1_v
        cc_v = ct0_v if comp == 0 else ct1_v
        uu_v = up0_v if comp == 0 else up1_v
        dd_v = dn0_v if comp == 0 else dn1_v
        deg = 90.0 if comp == 0 else 180.0
        for k in range(_RPW // _L):
            sl = pl.ds(k * _L, _L)
            osl = pl.ds(comp * _RPW + k * _L, _L)
            a = x_v[sl]
            absa = jnp.minimum(jnp.abs(a), 30.0)
            t = 1.0 - 2.0 / (jnp.exp(2.0 * absa) + 1.0)
            reg = _SCALE_TANH * jnp.sign(a) * t
            ctr = cc_v[sl]
            size = jnp.where(reg > 0, uu_v[sl], dd_v[sl])
            g = jnp.clip(ctr + reg * size, -1.0, 1.0) * deg
            gps_v[osl] = g
            inv_v[osl] = 1.0 / size
            ctr_v[osl] = ctr
            reg_v[osl] = reg

    for comp in range(2):
        ob = comp * _B + base
        isl = pl.ds(comp * _RPW, _RPW)
        osl = pl.ds(ob, _RPW)
        pltpu.sync_copy(gps_v.at[isl], gps_hbm.at[osl])
        pltpu.sync_copy(inv_v.at[isl], inv_hbm.at[osl])
        pltpu.sync_copy(ctr_v.at[isl], ctr_hbm.at[osl])
        pltpu.sync_copy(reg_v.at[isl], reg_hbm.at[osl])


def kernel(x, gt_label, cell_center, cell_size_up, cell_size_down):
    del gt_label

    logits, cidx = pl.pallas_call(
        _tc_argmax_copy,
        grid=(_B // _BB, _NJ),
        in_specs=[pl.BlockSpec((_BB, _CB), lambda i, j: (i, j))],
        out_specs=[
            pl.BlockSpec((_BB, _CB), lambda i, j: (i, j)),
            pl.BlockSpec((_BB,), lambda i, j: (i,)),
        ],
        out_shape=[
            jax.ShapeDtypeStruct((_B, _FD), jnp.float32),
            jax.ShapeDtypeStruct((_B,), jnp.int32),
        ],
        scratch_shapes=[
            pltpu.VMEM((_BB,), jnp.float32),
            pltpu.VMEM((_BB,), jnp.int32),
        ],
        compiler_params=pltpu.CompilerParams(
            dimension_semantics=("parallel", "arbitrary"),
        ),
    )(x)

    f32 = jnp.float32
    sc = pl.kernel(
        _sc_gather_tail,
        mesh=plsc.VectorSubcoreMesh(core_axis_name="c", subcore_axis_name="s"),
        out_type=[
            jax.ShapeDtypeStruct((2 * _B,), f32),
            jax.ShapeDtypeStruct((2 * _B,), f32),
            jax.ShapeDtypeStruct((2 * _B,), f32),
            jax.ShapeDtypeStruct((2 * _B,), f32),
        ],
        scratch_types=(
            [pltpu.VMEM((_RPW,), jnp.int32)] * 5
            + [pltpu.VMEM((_RPW,), f32)] * 8
            + [pltpu.VMEM((2 * _RPW,), f32)] * 4
            + [pltpu.SemaphoreType.DMA]
        ),
    )
    gps_f, inv_f, ctr_f, reg_f = sc(
        x.reshape(-1), cidx,
        cell_center.reshape(-1), cell_size_up.reshape(-1),
        cell_size_down.reshape(-1))

    return (logits,
            gps_f.reshape(2, _B).T,
            inv_f.reshape(2, _B).T,
            ctr_f.reshape(2, _B).T,
            reg_f.reshape(2, _B).T)

# --- scband reference (transcript-rebuilt; emitter-appended) ---
"""Pipeline reference for scband-hybrid-head-centroid-6794638262678 (READ-ONLY COPY).

The authoritative reference and input builder live on the scoring server;
editing this copy changes nothing except your own understanding.
"""

import jax, jax.numpy as jnp
import numpy as np

B = 4096
FINAL_DIM = 10000
SCALE_TANH = 1.2


def setup_inputs(seed: int = 0) -> dict:
    key = jax.random.key(seed)
    k1, k2, k3, k4, k5 = jax.random.split(key, 5)
    x = jax.random.normal(k1, (B, 3 * FINAL_DIM), dtype=jnp.float32)
    gt_label = jax.random.randint(k2, (B,), 0, FINAL_DIM, dtype=jnp.int32)
    # Buffers normally loaded from the quadtree CSV; materialize with plausible
    # normalized values: centers in [-1, 1], half-sizes small and positive.
    cell_center = jax.random.uniform(k3, (FINAL_DIM, 2), minval=-1.0, maxval=1.0, dtype=jnp.float32)
    cell_size_up = jax.random.uniform(k4, (FINAL_DIM, 2), minval=1e-4, maxval=0.01, dtype=jnp.float32)
    cell_size_down = jax.random.uniform(k5, (FINAL_DIM, 2), minval=1e-4, maxval=0.01, dtype=jnp.float32)
    return {
        "x": x,
        "gt_label": gt_label,
        "cell_center": cell_center,
        "cell_size_up": cell_size_up,
        "cell_size_down": cell_size_down,
    }


def _unorm_gps(gps):
    # UnormGPS: clamp to valid normalized range, then rescale to degrees.
    gps = jnp.clip(gps, -1.0, 1.0)
    return gps * jnp.array([90.0, 180.0], dtype=gps.dtype)


def reference(x, gt_label, cell_center, cell_size_up, cell_size_down):
    # is_training = False -> eval branch (gather by argmax classification)
    classification_logits = x[..., :FINAL_DIM]
    classification = jnp.argmax(classification_logits, axis=-1)
    regression = x[..., FINAL_DIM:]
    regression = SCALE_TANH * jnp.tanh(regression)
    regression = regression.reshape(regression.shape[0], -1, 2)
    idx = jnp.broadcast_to(classification[:, None, None], (regression.shape[0], 1, 2))
    reg = jnp.take_along_axis(regression, idx, axis=1)[:, 0, :]
    size = jnp.where(reg > 0, cell_size_up[classification], cell_size_down[classification])
    center = cell_center[classification]
    gps = center + reg * size
    gps = _unorm_gps(gps)
    return (classification_logits, gps, 1.0 / size, center, reg)

if __name__ == "__main__":
    import jax
    _d = setup_inputs()
    print(jax.jit(kernel)(*tuple(_d.values())))

</pallas_src>

<mosaic_0001>
#map = affine_map<(d0, d1) -> (0)>
module attributes {stable_mosaic.version = 14 : i64} {
  func.func @_sc_gather_tail(%arg0: i32, %arg1: i32, %arg2: memref<122880000xf32, #tpu.memory_space<hbm>>, %arg3: memref<4096xi32, #tpu.memory_space<hbm>>, %arg4: memref<20000xf32, #tpu.memory_space<hbm>>, %arg5: memref<20000xf32, #tpu.memory_space<hbm>>, %arg6: memref<20000xf32, #tpu.memory_space<hbm>>, %arg7: memref<8192xf32, #tpu.memory_space<hbm>>, %arg8: memref<8192xf32, #tpu.memory_space<hbm>>, %arg9: memref<8192xf32, #tpu.memory_space<hbm>>, %arg10: memref<8192xf32, #tpu.memory_space<hbm>>, %arg11: memref<128xi32, #tpu.memory_space<vmem>>, %arg12: memref<128xi32, #tpu.memory_space<vmem>>, %arg13: memref<128xi32, #tpu.memory_space<vmem>>, %arg14: memref<128xi32, #tpu.memory_space<vmem>>, %arg15: memref<128xi32, #tpu.memory_space<vmem>>, %arg16: memref<128xf32, #tpu.memory_space<vmem>>, %arg17: memref<128xf32, #tpu.memory_space<vmem>>, %arg18: memref<128xf32, #tpu.memory_space<vmem>>, %arg19: memref<128xf32, #tpu.memory_space<vmem>>, %arg20: memref<128xf32, #tpu.memory_space<vmem>>, %arg21: memref<128xf32, #tpu.memory_space<vmem>>, %arg22: memref<128xf32, #tpu.memory_space<vmem>>, %arg23: memref<128xf32, #tpu.memory_space<vmem>>, %arg24: memref<256xf32, #tpu.memory_space<vmem>>, %arg25: memref<256xf32, #tpu.memory_space<vmem>>, %arg26: memref<256xf32, #tpu.memory_space<vmem>>, %arg27: memref<256xf32, #tpu.memory_space<vmem>>, %arg28: memref<!tpu.dma_semaphore, #tpu.memory_space<semaphore_mem>>) attributes {dimension_semantics = [#tpu.dimension_semantics<core_parallel>, #tpu.dimension_semantics<subcore_parallel>], iteration_bounds = array<i64: 2, 16>, scalar_prefetch = 0 : i64, scratch_operands = 18 : i64, tpu.core_type = #tpu.core_type<sc_vector_subcore>, window_params = [{transform_indices = #map}, {transform_indices = #map}, {transform_indices = #map}, {transform_indices = #map}, {transform_indices = #map}, {transform_indices = #map}, {transform_indices = #map}, {transform_indices = #map}, {transform_indices = #map}]} {
    %mul3A = arith.constant 2 : i32
    %mul3A_0 = arith.muli %arg1, %mul3A : i32
    %add3A = arith.addi %mul3A_0, %arg0 : i32
    %mul3A_1 = arith.constant 128 : i32
    %mul3A_2 = arith.muli %add3A, %mul3A_1 : i32
    "tpu.region"() ({
      %run_scoped3A = tpu.sem_alloc : memref<!tpu.dma_semaphore, #tpu.memory_space<semaphore_mem>>
      %dma_start3A_1672 = tpu.memref_slice %arg3[%mul3A_2] : memref<4096xi32, #tpu.memory_space<hbm>> -> memref<128xi32, #tpu.memory_space<hbm>>
      %dma_start3A_1673 = tpu.memref_slice %arg3[%mul3A_2] : memref<4096xi32, #tpu.memory_space<hbm>> -> memref<128xi32, #tpu.memory_space<hbm>>
      tpu.enqueue_dma source(%dma_start3A_1673 : memref<128xi32, #tpu.memory_space<hbm>>) target(%arg11 : memref<128xi32, #tpu.memory_space<vmem>>) target_semaphore(%run_scoped3A : memref<!tpu.dma_semaphore, #tpu.memory_space<semaphore_mem>>)
      %dma_wait3A_1674 = tpu.memref_slice %arg3[%mul3A_2] : memref<4096xi32, #tpu.memory_space<hbm>> -> memref<128xi32, #tpu.memory_space<hbm>>
      %dma_wait3A_1675 = tpu.memref_slice %arg3[%mul3A_2] : memref<4096xi32, #tpu.memory_space<hbm>> -> memref<128xi32, #tpu.memory_space<hbm>>
      tpu.wait_dma2 semaphore(%run_scoped3A : memref<!tpu.dma_semaphore, #tpu.memory_space<semaphore_mem>>) src(%dma_wait3A_1675 : memref<128xi32, #tpu.memory_space<hbm>>) dst(%arg11 : memref<128xi32, #tpu.memory_space<vmem>>)
      tpu.yield
    }) : () -> ()
    %get3A = arith.constant 0 : index
    %get3A_3 = tpu.vector_load %arg11[%get3A] {strides = array<i32>} : memref<128xi32, #tpu.memory_space<vmem>>, vector<16xi32>,
    %get3A_4 = vector.shape_cast %get3A_3 : vector<16xi32> to vector<16xi32>
    %add3A_5 = arith.constant 0 : i32
    %add3A_6 = arith.addi %mul3A_2, %add3A_5 : i32
    %iota3A = tpu.iota {dimensions = array<i32: 0>} : vector<16xi32>
    %add3A_7 = vector.broadcast %add3A_6 : i32 to vector<16xi32>
    %add3A_8 = arith.addi %add3A_7, %iota3A : vector<16xi32>
    %mul3A_9 = arith.constant 30000 : i32
    %mul3A_10 = vector.broadcast %mul3A_9 : i32 to vector<16xi32>
    %mul3A_11 = arith.muli %add3A_8, %mul3A_10 : vector<16xi32>
    %add3A_12 = arith.constant 10000 : i32
    %add3A_13 = vector.broadcast %add3A_12 : i32 to vector<16xi32>
    %add3A_14 = arith.addi %mul3A_11, %add3A_13 : vector<16xi32>
    %mul3A_15 = arith.constant 2 : i32
    %mul3A_16 = vector.broadcast %mul3A_15 : i32 to vector<16xi32>
    %mul3A_17 = arith.muli %mul3A_16, %get3A_4 : vector<16xi32>
    %add3A_18 = arith.addi %add3A_14, %mul3A_17 : vector<16xi32>
    %swap3A = arith.constant 0 : index
    %swap3A_19 = tpu.vector_load %arg12[%swap3A] {strides = array<i32>} : memref<128xi32, #tpu.memory_space<vmem>>, vector<16xi32>,
    %swap3A_20 = vector.shape_cast %swap3A_19 : vector<16xi32> to vector<16xi32>
    %swap3A_21 = vector.shape_cast %add3A_18 : vector<16xi32> to vector<16xi32>
    tpu.vector_store %arg12[%swap3A], %swap3A_21 {strides = array<i32>} : memref<128xi32, #tpu.memory_space<vmem>>, vector<16xi32>,
    %add3A_22 = arith.constant 1 : i32
    %add3A_23 = vector.broadcast %add3A_22 : i32 to vector<16xi32>
    %add3A_24 = arith.addi %add3A_18, %add3A_23 : vector<16xi32>
    %swap3A_25 = arith.constant 0 : index
    %swap3A_26 = tpu.vector_load %arg13[%swap3A_25] {strides = array<i32>} : memref<128xi32, #tpu.memory_space<vmem>>, vector<16xi32>,
    %swap3A_27 = vector.shape_cast %swap3A_26 : vector<16xi32> to vector<16xi32>
    %swap3A_28 = vector.shape_cast %add3A_24 : vector<16xi32> to vector<16xi32>
    tpu.vector_store %arg13[%swap3A_25], %swap3A_28 {strides = array<i32>} : memref<128xi32, #tpu.memory_space<vmem>>, vector<16xi32>,
    %mul3A_29 = arith.constant 2 : i32
    %mul3A_30 = vector.broadcast %mul3A_29 : i32 to vector<16xi32>
    %mul3A_31 = arith.muli %mul3A_30, %get3A_4 : vector<16xi32>
    %swap3A_32 = arith.constant 0 : index
    %swap3A_33 = tpu.vector_load %arg14[%swap3A_32] {strides = array<i32>} : memref<128xi32, #tpu.memory_space<vmem>>, vector<16xi32>,
    %swap3A_34 = vector.shape_cast %swap3A_33 : vector<16xi32> to vector<16xi32>
    %swap3A_35 = vector.shape_cast %mul3A_31 : vector<16xi32> to vector<16xi32>
    tpu.vector_store %arg14[%swap3A_32], %swap3A_35 {strides = array<i32>} : memref<128xi32, #tpu.memory_space<vmem>>, vector<16xi32>,
    %mul3A_36 = arith.constant 2 : i32
    %mul3A_37 = vector.broadcast %mul3A_36 : i32 to vector<16xi32>
    %mul3A_38 = arith.muli %mul3A_37, %get3A_4 : vector<16xi32>
    %add3A_39 = arith.constant 1 : i32
    %add3A_40 = vector.broadcast %add3A_39 : i32 to vector<16xi32>
    %add3A_41 = arith.addi %mul3A_38, %add3A_40 : vector<16xi32>
    %swap3A_42 = arith.constant 0 : index
    %swap3A_43 = tpu.vector_load %arg15[%swap3A_42] {strides = array<i32>} : memref<128xi32, #tpu.memory_space<vmem>>, vector<16xi32>,
    %swap3A_44 = vector.shape_cast %swap3A_43 : vector<16xi32> to vector<16xi32>
    %swap3A_45 = vector.shape_cast %add3A_41 : vector<16xi32> to vector<16xi32>
    tpu.vector_store %arg15[%swap3A_42], %swap3A_45 {strides = array<i32>} : memref<128xi32, #tpu.memory_space<vmem>>, vector<16xi32>,
    %get3A_46 = arith.constant 16 : index
    %get3A_47 = tpu.vector_load %arg11[%get3A_46] {strides = array<i32>} : memref<128xi32, #tpu.memory_space<vmem>>, vector<16xi32>,
    %get3A_48 = vector.shape_cast %get3A_47 : vector<16xi32> to vector<16xi32>
    %add3A_49 = arith.constant 16 : i32
    %add3A_50 = arith.addi %mul3A_2, %add3A_49 : i32
    %iota3A_51 = tpu.iota {dimensions = array<i32: 0>} : vector<16xi32>
    %add3A_52 = vector.broadcast %add3A_50 : i32 to vector<16xi32>
    %add3A_53 = arith.addi %add3A_52, %iota3A_51 : vector<16xi32>
    %mul3A_54 = arith.constant 30000 : i32
    %mul3A_55 = vector.broadcast %mul3A_54 : i32 to vector<16xi32>
    %mul3A_56 = arith.muli %add3A_53, %mul3A_55 : vector<16xi32>
    %add3A_57 = arith.constant 10000 : i32
    %add3A_58 = vector.broadcast %add3A_57 : i32 to vector<16xi32>
    %add3A_59 = arith.addi %mul3A_56, %add3A_58 : vector<16xi32>
    %mul3A_60 = arith.constant 2 : i32
    %mul3A_61 = vector.broadcast %mul3A_60 : i32 to vector<16xi32>
    %mul3A_62 = arith.muli %mul3A_61, %get3A_48 : vector<16xi32>
    %add3A_63 = arith.addi %add3A_59, %mul3A_62 : vector<16xi32>
    %swap3A_64 = arith.constant 16 : index
    %swap3A_65 = tpu.vector_load %arg12[%swap3A_64] {strides = array<i32>} : memref<128xi32, #tpu.memory_space<vmem>>, vector<16xi32>,
    %swap3A_66 = vector.shape_cast %swap3A_65 : vector<16xi32> to vector<16xi32>
    %swap3A_67 = vector.shape_cast %add3A_63 : vector<16xi32> to vector<16xi32>
    tpu.vector_store %arg12[%swap3A_64], %swap3A_67 {strides = array<i32>} : memref<128xi32, #tpu.memory_space<vmem>>, vector<16xi32>,
    %add3A_68 = arith.constant 1 : i32
    %add3A_69 = vector.broadcast %add3A_68 : i32 to vector<16xi32>
    %add3A_70 = arith.addi %add3A_63, %add3A_69 : vector<16xi32>
    %swap3A_71 = arith.constant 16 : index
    %swap3A_72 = tpu.vector_load %arg13[%swap3A_71] {strides = array<i32>} : memref<128xi32, #tpu.memory_space<vmem>>, vector<16xi32>,
    %swap3A_73 = vector.shape_cast %swap3A_72 : vector<16xi32> to vector<16xi32>
    %swap3A_74 = vector.shape_cast %add3A_70 : vector<16xi32> to vector<16xi32>
    tpu.vector_store %arg13[%swap3A_71], %swap3A_74 {strides = array<i32>} : memref<128xi32, #tpu.memory_space<vmem>>, vector<16xi32>,
    %mul3A_75 = arith.constant 2 : i32
    %mul3A_76 = vector.broadcast %mul3A_75 : i32 to vector<16xi32>
    %mul3A_77 = arith.muli %mul3A_76, %get3A_48 : vector<16xi32>
    %swap3A_78 = arith.constant 16 : index
    %swap3A_79 = tpu.vector_load %arg14[%swap3A_78] {strides = array<i32>} : memref<128xi32, #tpu.memory_space<vmem>>, vector<16xi32>,
    %swap3A_80 = vector.shape_cast %swap3A_79 : vector<16xi32> to vector<16xi32>
    %swap3A_81 = vector.shape_cast %mul3A_77 : vector<16xi32> to vector<16xi32>
    tpu.vector_store %arg14[%swap3A_78], %swap3A_81 {strides = array<i32>} : memref<128xi32, #tpu.memory_space<vmem>>, vector<16xi32>,
    %mul3A_82 = arith.constant 2 : i32
    %mul3A_83 = vector.broadcast %mul3A_82 : i32 to vector<16xi32>
    %mul3A_84 = arith.muli %mul3A_83, %get3A_48 : vector<16xi32>
    %add3A_85 = arith.constant 1 : i32
    %add3A_86 = vector.broadcast %add3A_85 : i32 to vector<16xi32>
    %add3A_87 = arith.addi %mul3A_84, %add3A_86 : vector<16xi32>
    %swap3A_88 = arith.constant 16 : index
    %swap3A_89 = tpu.vector_load %arg15[%swap3A_88] {strides = array<i32>} : memref<128xi32, #tpu.memory_space<vmem>>, vector<16xi32>,
    %swap3A_90 = vector.shape_cast %swap3A_89 : vector<16xi32> to vector<16xi32>
    %swap3A_91 = vector.shape_cast %add3A_87 : vector<16xi32> to vector<16xi32>
    tpu.vector_store %arg15[%swap3A_88], %swap3A_91 {strides = array<i32>} : memref<128xi32, #tpu.memory_space<vmem>>, vector<16xi32>,
    %get3A_92 = arith.constant 32 : index
    %get3A_93 = tpu.vector_load %arg11[%get3A_92] {strides = array<i32>} : memref<128xi32, #tpu.memory_space<vmem>>, vector<16xi32>,
    %get3A_94 = vector.shape_cast %get3A_93 : vector<16xi32> to vector<16xi32>
    %add3A_95 = arith.constant 32 : i32
    %add3A_96 = arith.addi %mul3A_2, %add3A_95 : i32
    %iota3A_97 = tpu.iota {dimensions = array<i32: 0>} : vector<16xi32>
    %add3A_98 = vector.broadcast %add3A_96 : i32 to vector<16xi32>
    %add3A_99 = arith.addi %add3A_98, %iota3A_97 : vector<16xi32>
    %mul3A_100 = arith.constant 30000 : i32
    %mul3A_101 = vector.broadcast %mul3A_100 : i32 to vector<16xi32>
    %mul3A_102 = arith.muli %add3A_99, %mul3A_101 : vector<16xi32>
    %add3A_103 = arith.constant 10000 : i32
    %add3A_104 = vector.broadcast %add3A_103 : i32 to vector<16xi32>
    %add3A_105 = arith.addi %mul3A_102, %add3A_104 : vector<16xi32>
    %mul3A_106 = arith.constant 2 : i32
    %mul3A_107 = vector.broadcast %mul3A_106 : i32 to vector<16xi32>
    %mul3A_108 = arith.muli %mul3A_107, %get3A_94 : vector<16xi32>
    %add3A_109 = arith.addi %add3A_105, %mul3A_108 : vector<16xi32>
    %swap3A_110 = arith.constant 32 : index
    %swap3A_111 = tpu.vector_load %arg12[%swap3A_110] {strides = array<i32>} : memref<128xi32, #tpu.memory_space<vmem>>, vector<16xi32>,
    %swap3A_112 = vector.shape_cast %swap3A_111 : vector<16xi32> to vector<16xi32>
    %swap3A_113 = vector.shape_cast %add3A_109 : vector<16xi32> to vector<16xi32>
    tpu.vector_store %arg12[%swap3A_110], %swap3A_113 {strides = array<i32>} : memref<128xi32, #tpu.memory_space<vmem>>, vector<16xi32>,
    %add3A_114 = arith.constant 1 : i32
    %add3A_115 = vector.broadcast %add3A_114 : i32 to vector<16xi32>
    %add3A_116 = arith.addi %add3A_109, %add3A_115 : vector<16xi32>
    %swap3A_117 = arith.constant 32 : index
    %swap3A_118 = tpu.vector_load %arg13[%swap3A_117] {strides = array<i32>} : memref<128xi32, #tpu.memory_space<vmem>>, vector<16xi32>,
    %swap3A_119 = vector.shape_cast %swap3A_118 : vector<16xi32> to vector<16xi32>
    %swap3A_120 = vector.shape_cast %add3A_116 : vector<16xi32> to vector<16xi32>
    tpu.vector_store %arg13[%swap3A_117], %swap3A_120 {strides = array<i32>} : memref<128xi32, #tpu.memory_space<vmem>>, vector<16xi32>,
    %mul3A_121 = arith.constant 2 : i32
    %mul3A_122 = vector.broadcast %mul3A_121 : i32 to vector<16xi32>
    %mul3A_123 = arith.muli %mul3A_122, %get3A_94 : vector<16xi32>
    %swap3A_124 = arith.constant 32 : index
    %swap3A_125 = tpu.vector_load %arg14[%swap3A_124] {strides = array<i32>} : memref<128xi32, #tpu.memory_space<vmem>>, vector<16xi32>,
    %swap3A_126 = vector.shape_cast %swap3A_125 : vector<16xi32> to vector<16xi32>
    %swap3A_127 = vector.shape_cast %mul3A_123 : vector<16xi32> to vector<16xi32>
    tpu.vector_store %arg14[%swap3A_124], %swap3A_127 {strides = array<i32>} : memref<128xi32, #tpu.memory_space<vmem>>, vector<16xi32>,
    %mul3A_128 = arith.constant 2 : i32
    %mul3A_129 = vector.broadcast %mul3A_128 : i32 to vector<16xi32>
    %mul3A_130 = arith.muli %mul3A_129, %get3A_94 : vector<16xi32>
    %add3A_131 = arith.constant 1 : i32
    %add3A_132 = vector.broadcast %add3A_131 : i32 to vector<16xi32>
    %add3A_133 = arith.addi %mul3A_130, %add3A_132 : vector<16xi32>
    %swap3A_134 = arith.constant 32 : index
    %swap3A_135 = tpu.vector_load %arg15[%swap3A_134] {strides = array<i32>} : memref<128xi32, #tpu.memory_space<vmem>>, vector<16xi32>,
    %swap3A_136 = vector.shape_cast %swap3A_135 : vector<16xi32> to vector<16xi32>
    %swap3A_137 = vector.shape_cast %add3A_133 : vector<16xi32> to vector<16xi32>
    tpu.vector_store %arg15[%swap3A_134], %swap3A_137 {strides = array<i32>} : memref<128xi32, #tpu.memory_space<vmem>>, vector<16xi32>,
    %get3A_138 = arith.constant 48 : index
    %get3A_139 = tpu.vector_load %arg11[%get3A_138] {strides = array<i32>} : memref<128xi32, #tpu.memory_space<vmem>>, vector<16xi32>,
    %get3A_140 = vector.shape_cast %get3A_139 : vector<16xi32> to vector<16xi32>
    %add3A_141 = arith.constant 48 : i32
    %add3A_142 = arith.addi %mul3A_2, %add3A_141 : i32
    %iota3A_143 = tpu.iota {dimensions = array<i32: 0>} : vector<16xi32>
    %add3A_144 = vector.broadcast %add3A_142 : i32 to vector<16xi32>
    %add3A_145 = arith.addi %add3A_144, %iota3A_143 : vector<16xi32>
    %mul3A_146 = arith.constant 30000 : i32
    %mul3A_147 = vector.broadcast %mul3A_146 : i32 to vector<16xi32>
    %mul3A_148 = arith.muli %add3A_145, %mul3A_147 : vector<16xi32>
    %add3A_149 = arith.constant 10000 : i32
    %add3A_150 = vector.broadcast %add3A_149 : i32 to vector<16xi32>
    %add3A_151 = arith.addi %mul3A_148, %add3A_150 : vector<16xi32>
    %mul3A_152 = arith.constant 2 : i32
    %mul3A_153 = vector.broadcast %mul3A_152 : i32 to vector<16xi32>
    %mul3A_154 = arith.muli %mul3A_153, %get3A_140 : vector<16xi32>
    %add3A_155 = arith.addi %add3A_151, %mul3A_154 : vector<16xi32>
    %swap3A_156 = arith.constant 48 : index
    %swap3A_157 = tpu.vector_load %arg12[%swap3A_156] {strides = array<i32>} : memref<128xi32, #tpu.memory_space<vmem>>, vector<16xi32>,
    %swap3A_158 = vector.shape_cast %swap3A_157 : vector<16xi32> to vector<16xi32>
    %swap3A_159 = vector.shape_cast %add3A_155 : vector<16xi32> to vector<16xi32>
    tpu.vector_store %arg12[%swap3A_156], %swap3A_159 {strides = array<i32>} : memref<128xi32, #tpu.memory_space<vmem>>, vector<16xi32>,
    %add3A_160 = arith.constant 1 : i32
    %add3A_161 = vector.broadcast %add3A_160 : i32 to vector<16xi32>
    %add3A_162 = arith.addi %add3A_155, %add3A_161 : vector<16xi32>
    %swap3A_163 = arith.constant 48 : index
    %swap3A_164 = tpu.vector_load %arg13[%swap3A_163] {strides = array<i32>} : memref<128xi32, #tpu.memory_space<vmem>>, vector<16xi32>,
    %swap3A_165 = vector.shape_cast %swap3A_164 : vector<16xi32> to vector<16xi32>
    %swap3A_166 = vector.shape_cast %add3A_162 : vector<16xi32> to vector<16xi32>
    tpu.vector_store %arg13[%swap3A_163], %swap3A_166 {strides = array<i32>} : memref<128xi32, #tpu.memory_space<vmem>>, vector<16xi32>,
    %mul3A_167 = arith.constant 2 : i32
    %mul3A_168 = vector.broadcast %mul3A_167 : i32 to vector<16xi32>
    %mul3A_169 = arith.muli %mul3A_168, %get3A_140 : vector<16xi32>
    %swap3A_170 = arith.constant 48 : index
    %swap3A_171 = tpu.vector_load %arg14[%swap3A_170] {strides = array<i32>} : memref<128xi32, #tpu.memory_space<vmem>>, vector<16xi32>,
    %swap3A_172 = vector.shape_cast %swap3A_171 : vector<16xi32> to vector<16xi32>
    %swap3A_173 = vector.shape_cast %mul3A_169 : vector<16xi32> to vector<16xi32>
    tpu.vector_store %arg14[%swap3A_170], %swap3A_173 {strides = array<i32>} : memref<128xi32, #tpu.memory_space<vmem>>, vector<16xi32>,
    %mul3A_174 = arith.constant 2 : i32
    %mul3A_175 = vector.broadcast %mul3A_174 : i32 to vector<16xi32>
    %mul3A_176 = arith.muli %mul3A_175, %get3A_140 : vector<16xi32>
    %add3A_177 = arith.constant 1 : i32
    %add3A_178 = vector.broadcast %add3A_177 : i32 to vector<16xi32>
    %add3A_179 = arith.addi %mul3A_176, %add3A_178 : vector<16xi32>
    %swap3A_180 = arith.constant 48 : index
    %swap3A_181 = tpu.vector_load %arg15[%swap3A_180] {strides = array<i32>} : memref<128xi32, #tpu.memory_space<vmem>>, vector<16xi32>,
    %swap3A_182 = vector.shape_cast %swap3A_181 : vector<16xi32> to vector<16xi32>
    %swap3A_183 = vector.shape_cast %add3A_179 : vector<16xi32> to vector<16xi32>
    tpu.vector_store %arg15[%swap3A_180], %swap3A_183 {strides = array<i32>} : memref<128xi32, #tpu.memory_space<vmem>>, vector<16xi32>,
    %get3A_184 = arith.constant 64 : index
    %get3A_185 = tpu.vector_load %arg11[%get3A_184] {strides = array<i32>} : memref<128xi32, #tpu.memory_space<vmem>>, vector<16xi32>,
    %get3A_186 = vector.shape_cast %get3A_185 : vector<16xi32> to vector<16xi32>
    %add3A_187 = arith.constant 64 : i32
    %add3A_188 = arith.addi %mul3A_2, %add3A_187 : i32
    %iota3A_189 = tpu.iota {dimensions = array<i32: 0>} : vector<16xi32>
    %add3A_190 = vector.broadcast %add3A_188 : i32 to vector<16xi32>
    %add3A_191 = arith.addi %add3A_190, %iota3A_189 : vector<16xi32>
    %mul3A_192 = arith.constant 30000 : i32
    %mul3A_193 = vector.broadcast %mul3A_192 : i32 to vector<16xi32>
    %mul3A_194 = arith.muli %add3A_191, %mul3A_193 : vector<16xi32>
    %add3A_195 = arith.constant 10000 : i32
    %add3A_196 = vector.broadcast %add3A_195 : i32 to vector<16xi32>
    %add3A_197 = arith.addi %mul3A_194, %add3A_196 : vector<16xi32>
    %mul3A_198 = arith.constant 2 : i32
    %mul3A_199 = vector.broadcast %mul3A_198 : i32 to vector<16xi32>
    %mul3A_200 = arith.muli %mul3A_199, %get3A_186 : vector<16xi32>
    %add3A_201 = arith.addi %add3A_197, %mul3A_200 : vector<16xi32>
    %swap3A_202 = arith.constant 64 : index
    %swap3A_203 = tpu.vector_load %arg12[%swap3A_202] {strides = array<i32>} : memref<128xi32, #tpu.memory_space<vmem>>, vector<16xi32>,
    %swap3A_204 = vector.shape_cast %swap3A_203 : vector<16xi32> to vector<16xi32>
    %swap3A_205 = vector.shape_cast %add3A_201 : vector<16xi32> to vector<16xi32>
    tpu.vector_store %arg12[%swap3A_202], %swap3A_205 {strides = array<i32>} : memref<128xi32, #tpu.memory_space<vmem>>, vector<16xi32>,
    %add3A_206 = arith.constant 1 : i32
    %add3A_207 = vector.broadcast %add3A_206 : i32 to vector<16xi32>
    %add3A_208 = arith.addi %add3A_201, %add3A_207 : vector<16xi32>
    %swap3A_209 = arith.constant 64 : index
    %swap3A_210 = tpu.vector_load %arg13[%swap3A_209] {strides = array<i32>} : memref<128xi32, #tpu.memory_space<vmem>>, vector<16xi32>,
    %swap3A_211 = vector.shape_cast %swap3A_210 : vector<16xi32> to vector<16xi32>
    %swap3A_212 = vector.shape_cast %add3A_208 : vector<16xi32> to vector<16xi32>
    tpu.vector_store %arg13[%swap3A_209], %swap3A_212 {strides = array<i32>} : memref<128xi32, #tpu.memory_space<vmem>>, vector<16xi32>,
    %mul3A_213 = arith.constant 2 : i32
    %mul3A_214 = vector.broadcast %mul3A_213 : i32 to vector<16xi32>
    %mul3A_215 = arith.muli %mul3A_214, %get3A_186 : vector<16xi32>
    %swap3A_216 = arith.constant 64 : index
    %swap3A_217 = tpu.vector_load %arg14[%swap3A_216] {strides = array<i32>} : memref<128xi32, #tpu.memory_space<vmem>>, vector<16xi32>,
    %swap3A_218 = vector.shape_cast %swap3A_217 : vector<16xi32> to vector<16xi32>
    %swap3A_219 = vector.shape_cast %mul3A_215 : vector<16xi32> to vector<16xi32>
    tpu.vector_store %arg14[%swap3A_216], %swap3A_219 {strides = array<i32>} : memref<128xi32, #tpu.memory_space<vmem>>, vector<16xi32>,
    %mul3A_220 = arith.constant 2 : i32
    %mul3A_221 = vector.broadcast %mul3A_220 : i32 to vector<16xi32>
    %mul3A_222 = arith.muli %mul3A_221, %get3A_186 : vector<16xi32>
    %add3A_223 = arith.constant 1 : i32
    %add3A_224 = vector.broadcast %add3A_223 : i32 to vector<16xi32>
    %add3A_225 = arith.addi %mul3A_222, %add3A_224 : vector<16xi32>
    %swap3A_226 = arith.constant 64 : index
    %swap3A_227 = tpu.vector_load %arg15[%swap3A_226] {strides = array<i32>} : memref<128xi32, #tpu.memory_space<vmem>>, vector<16xi32>,
    %swap3A_228 = vector.shape_cast %swap3A_227 : vector<16xi32> to vector<16xi32>
    %swap3A_229 = vector.shape_cast %add3A_225 : vector<16xi32> to vector<16xi32>
    tpu.vector_store %arg15[%swap3A_226], %swap3A_229 {strides = array<i32>} : memref<128xi32, #tpu.memory_space<vmem>>, vector<16xi32>,
    %get3A_230 = arith.constant 80 : index
    %get3A_231 = tpu.vector_load %arg11[%get3A_230] {strides = array<i32>} : memref<128xi32, #tpu.memory_space<vmem>>, vector<16xi32>,
    %get3A_232 = vector.shape_cast %get3A_231 : vector<16xi32> to vector<16xi32>
    %add3A_233 = arith.constant 80 : i32
    %add3A_234 = arith.addi %mul3A_2, %add3A_233 : i32
    %iota3A_235 = tpu.iota {dimensions = array<i32: 0>} : vector<16xi32>
    %add3A_236 = vector.broadcast %add3A_234 : i32 to vector<16xi32>
    %add3A_237 = arith.addi %add3A_236, %iota3A_235 : vector<16xi32>
    %mul3A_238 = arith.constant 30000 : i32
    %mul3A_239 = vector.broadcast %mul3A_238 : i32 to vector<16xi32>
    %mul3A_240 = arith.muli %add3A_237, %mul3A_239 : vector<16xi32>
    %add3A_241 = arith.constant 10000 : i32
    %add3A_242 = vector.broadcast %add3A_241 : i32 to vector<16xi32>
    %add3A_243 = arith.addi %mul3A_240, %add3A_242 : vector<16xi32>
    %mul3A_244 = arith.constant 2 : i32
    %mul3A_245 = vector.broadcast %mul3A_244 : i32 to vector<16xi32>
    %mul3A_246 = arith.muli %mul3A_245, %get3A_232 : vector<16xi32>
    %add3A_247 = arith.addi %add3A_243, %mul3A_246 : vector<16xi32>
    %swap3A_248 = arith.constant 80 : index
    %swap3A_249 = tpu.vector_load %arg12[%swap3A_248] {strides = array<i32>} : memref<128xi32, #tpu.memory_space<vmem>>, vector<16xi32>,
    %swap3A_250 = vector.shape_cast %swap3A_249 : vector<16xi32> to vector<16xi32>
    %swap3A_251 = vector.shape_cast %add3A_247 : vector<16xi32> to vector<16xi32>
    tpu.vector_store %arg12[%swap3A_248], %swap3A_251 {strides = array<i32>} : memref<128xi32, #tpu.memory_space<vmem>>, vector<16xi32>,
    %add3A_252 = arith.constant 1 : i32
    %add3A_253 = vector.broadcast %add3A_252 : i32 to vector<16xi32>
    %add3A_254 = arith.addi %add3A_247, %add3A_253 : vector<16xi32>
    %swap3A_255 = arith.constant 80 : index
    %swap3A_256 = tpu.vector_load %arg13[%swap3A_255] {strides = array<i32>} : memref<128xi32, #tpu.memory_space<vmem>>, vector<16xi32>,
    %swap3A_257 = vector.shape_cast %swap3A_256 : vector<16xi32> to vector<16xi32>
    %swap3A_258 = vector.shape_cast %add3A_254 : vector<16xi32> to vector<16xi32>
    tpu.vector_store %arg13[%swap3A_255], %swap3A_258 {strides = array<i32>} : memref<128xi32, #tpu.memory_space<vmem>>, vector<16xi32>,
    %mul3A_259 = arith.constant 2 : i32
    %mul3A_260 = vector.broadcast %mul3A_259 : i32 to vector<16xi32>
    %mul3A_261 = arith.muli %mul3A_260, %get3A_232 : vector<16xi32>
    %swap3A_262 = arith.constant 80 : index
    %swap3A_263 = tpu.vector_load %arg14[%swap3A_262] {strides = array<i32>} : memref<128xi32, #tpu.memory_space<vmem>>, vector<16xi32>,
    %swap3A_264 = vector.shape_cast %swap3A_263 : vector<16xi32> to vector<16xi32>
    %swap3A_265 = vector.shape_cast %mul3A_261 : vector<16xi32> to vector<16xi32>
    tpu.vector_store %arg14[%swap3A_262], %swap3A_265 {strides = array<i32>} : memref<128xi32, #tpu.memory_space<vmem>>, vector<16xi32>,
    %mul3A_266 = arith.constant 2 : i32
    %mul3A_267 = vector.broadcast %mul3A_266 : i32 to vector<16xi32>
    %mul3A_268 = arith.muli %mul3A_267, %get3A_232 : vector<16xi32>
    %add3A_269 = arith.constant 1 : i32
    %add3A_270 = vector.broadcast %add3A_269 : i32 to vector<16xi32>
    %add3A_271 = arith.addi %mul3A_268, %add3A_270 : vector<16xi32>
    %swap3A_272 = arith.constant 80 : index
    %swap3A_273 = tpu.vector_load %arg15[%swap3A_272] {strides = array<i32>} : memref<128xi32, #tpu.memory_space<vmem>>, vector<16xi32>,
    %swap3A_274 = vector.shape_cast %swap3A_273 : vector<16xi32> to vector<16xi32>
    %swap3A_275 = vector.shape_cast %add3A_271 : vector<16xi32> to vector<16xi32>
    tpu.vector_store %arg15[%swap3A_272], %swap3A_275 {strides = array<i32>} : memref<128xi32, #tpu.memory_space<vmem>>, vector<16xi32>,
    %get3A_276 = arith.constant 96 : index
    %get3A_277 = tpu.vector_load %arg11[%get3A_276] {strides = array<i32>} : memref<128xi32, #tpu.memory_space<vmem>>, vector<16xi32>,
    %get3A_278 = vector.shape_cast %get3A_277 : vector<16xi32> to vector<16xi32>
    %add3A_279 = arith.constant 96 : i32
    %add3A_280 = arith.addi %mul3A_2, %add3A_279 : i32
    %iota3A_281 = tpu.iota {dimensions = array<i32: 0>} : vector<16xi32>
    %add3A_282 = vector.broadcast %add3A_280 : i32 to vector<16xi32>
    %add3A_283 = arith.addi %add3A_282, %iota3A_281 : vector<16xi32>
    %mul3A_284 = arith.constant 30000 : i32
    %mul3A_285 = vector.broadcast %mul3A_284 : i32 to vector<16xi32>
    %mul3A_286 = arith.muli %add3A_283, %mul3A_285 : vector<16xi32>
    %add3A_287 = arith.constant 10000 : i32
    %add3A_288 = vector.broadcast %add3A_287 : i32 to vector<16xi32>
    %add3A_289 = arith.addi %mul3A_286, %add3A_288 : vector<16xi32>
    %mul3A_290 = arith.constant 2 : i32
    %mul3A_291 = vector.broadcast %mul3A_290 : i32 to vector<16xi32>
    %mul3A_292 = arith.muli %mul3A_291, %get3A_278 : vector<16xi32>
    %add3A_293 = arith.addi %add3A_289, %mul3A_292 : vector<16xi32>
    %swap3A_294 = arith.constant 96 : index
    %swap3A_295 = tpu.vector_load %arg12[%swap3A_294] {strides = array<i32>} : memref<128xi32, #tpu.memory_space<vmem>>, vector<16xi32>,
    %swap3A_296 = vector.shape_cast %swap3A_295 : vector<16xi32> to vector<16xi32>
    %swap3A_297 = vector.shape_cast %add3A_293 : vector<16xi32> to vector<16xi32>
    tpu.vector_store %arg12[%swap3A_294], %swap3A_297 {strides = array<i32>} : memref<128xi32, #tpu.memory_space<vmem>>, vector<16xi32>,
    %add3A_298 = arith.constant 1 : i32
    %add3A_299 = vector.broadcast %add3A_298 : i32 to vector<16xi32>
    %add3A_300 = arith.addi %add3A_293, %add3A_299 : vector<16xi32>
    %swap3A_301 = arith.constant 96 : index
    %swap3A_302 = tpu.vector_load %arg13[%swap3A_301] {strides = array<i32>} : memref<128xi32, #tpu.memory_space<vmem>>, vector<16xi32>,
    %swap3A_303 = vector.shape_cast %swap3A_302 : vector<16xi32> to vector<16xi32>
    %swap3A_304 = vector.shape_cast %add3A_300 : vector<16xi32> to vector<16xi32>
    tpu.vector_store %arg13[%swap3A_301], %swap3A_304 {strides = array<i32>} : memref<128xi32, #tpu.memory_space<vmem>>, vector<16xi32>,
    %mul3A_305 = arith.constant 2 : i32
    %mul3A_306 = vector.broadcast %mul3A_305 : i32 to vector<16xi32>
    %mul3A_307 = arith.muli %mul3A_306, %get3A_278 : vector<16xi32>
    %swap3A_308 = arith.constant 96 : index
    %swap3A_309 = tpu.vector_load %arg14[%swap3A_308] {strides = array<i32>} : memref<128xi32, #tpu.memory_space<vmem>>, vector<16xi32>,
    %swap3A_310 = vector.shape_cast %swap3A_309 : vector<16xi32> to vector<16xi32>
    %swap3A_311 = vector.shape_cast %mul3A_307 : vector<16xi32> to vector<16xi32>
    tpu.vector_store %arg14[%swap3A_308], %swap3A_311 {strides = array<i32>} : memref<128xi32, #tpu.memory_space<vmem>>, vector<16xi32>,
    %mul3A_312 = arith.constant 2 : i32
    %mul3A_313 = vector.broadcast %mul3A_312 : i32 to vector<16xi32>
    %mul3A_314 = arith.muli %mul3A_313, %get3A_278 : vector<16xi32>
    %add3A_315 = arith.constant 1 : i32
    %add3A_316 = vector.broadcast %add3A_315 : i32 to vector<16xi32>
    %add3A_317 = arith.addi %mul3A_314, %add3A_316 : vector<16xi32>
    %swap3A_318 = arith.constant 96 : index
    %swap3A_319 = tpu.vector_load %arg15[%swap3A_318] {strides = array<i32>} : memref<128xi32, #tpu.memory_space<vmem>>, vector<16xi32>,
    %swap3A_320 = vector.shape_cast %swap3A_319 : vector<16xi32> to vector<16xi32>
    %swap3A_321 = vector.shape_cast %add3A_317 : vector<16xi32> to vector<16xi32>
    tpu.vector_store %arg15[%swap3A_318], %swap3A_321 {strides = array<i32>} : memref<128xi32, #tpu.memory_space<vmem>>, vector<16xi32>,
    %get3A_322 = arith.constant 112 : index
    %get3A_323 = tpu.vector_load %arg11[%get3A_322] {strides = array<i32>} : memref<128xi32, #tpu.memory_space<vmem>>, vector<16xi32>,
    %get3A_324 = vector.shape_cast %get3A_323 : vector<16xi32> to vector<16xi32>
    %add3A_325 = arith.constant 112 : i32
    %add3A_326 = arith.addi %mul3A_2, %add3A_325 : i32
    %iota3A_327 = tpu.iota {dimensions = array<i32: 0>} : vector<16xi32>
    %add3A_328 = vector.broadcast %add3A_326 : i32 to vector<16xi32>
    %add3A_329 = arith.addi %add3A_328, %iota3A_327 : vector<16xi32>
    %mul3A_330 = arith.constant 30000 : i32
    %mul3A_331 = vector.broadcast %mul3A_330 : i32 to vector<16xi32>
    %mul3A_332 = arith.muli %add3A_329, %mul3A_331 : vector<16xi32>
    %add3A_333 = arith.constant 10000 : i32
    %add3A_334 = vector.broadcast %add3A_333 : i32 to vector<16xi32>
    %add3A_335 = arith.addi %mul3A_332, %add3A_334 : vector<16xi32>
    %mul3A_336 = arith.constant 2 : i32
    %mul3A_337 = vector.broadcast %mul3A_336 : i32 to vector<16xi32>
    %mul3A_338 = arith.muli %mul3A_337, %get3A_324 : vector<16xi32>
    %add3A_339 = arith.addi %add3A_335, %mul3A_338 : vector<16xi32>
    %swap3A_340 = arith.constant 112 : index
    %swap3A_341 = tpu.vector_load %arg12[%swap3A_340] {strides = array<i32>} : memref<128xi32, #tpu.memory_space<vmem>>, vector<16xi32>,
    %swap3A_342 = vector.shape_cast %swap3A_341 : vector<16xi32> to vector<16xi32>
    %swap3A_343 = vector.shape_cast %add3A_339 : vector<16xi32> to vector<16xi32>
    tpu.vector_store %arg12[%swap3A_340], %swap3A_343 {strides = array<i32>} : memref<128xi32, #tpu.memory_space<vmem>>, vector<16xi32>,
    %add3A_344 = arith.constant 1 : i32
    %add3A_345 = vector.broadcast %add3A_344 : i32 to vector<16xi32>
    %add3A_346 = arith.addi %add3A_339, %add3A_345 : vector<16xi32>
    %swap3A_347 = arith.constant 112 : index
    %swap3A_348 = tpu.vector_load %arg13[%swap3A_347] {strides = array<i32>} : memref<128xi32, #tpu.memory_space<vmem>>, vector<16xi32>,
    %swap3A_349 = vector.shape_cast %swap3A_348 : vector<16xi32> to vector<16xi32>
    %swap3A_350 = vector.shape_cast %add3A_346 : vector<16xi32> to vector<16xi32>
    tpu.vector_store %arg13[%swap3A_347], %swap3A_350 {strides = array<i32>} : memref<128xi32, #tpu.memory_space<vmem>>, vector<16xi32>,
    %mul3A_351 = arith.constant 2 : i32
    %mul3A_352 = vector.broadcast %mul3A_351 : i32 to vector<16xi32>
    %mul3A_353 = arith.muli %mul3A_352, %get3A_324 : vector<16xi32>
    %swap3A_354 = arith.constant 112 : index
    %swap3A_355 = tpu.vector_load %arg14[%swap3A_354] {strides = array<i32>} : memref<128xi32, #tpu.memory_space<vmem>>, vector<16xi32>,
    %swap3A_356 = vector.shape_cast %swap3A_355 : vector<16xi32> to vector<16xi32>
    %swap3A_357 = vector.shape_cast %mul3A_353 : vector<16xi32> to vector<16xi32>
    tpu.vector_store %arg14[%swap3A_354], %swap3A_357 {strides = array<i32>} : memref<128xi32, #tpu.memory_space<vmem>>, vector<16xi32>,
    %mul3A_358 = arith.constant 2 : i32
    %mul3A_359 = vector.broadcast %mul3A_358 : i32 to vector<16xi32>
    %mul3A_360 = arith.muli %mul3A_359, %get3A_324 : vector<16xi32>
    %add3A_361 = arith.constant 1 : i32
    %add3A_362 = vector.broadcast %add3A_361 : i32 to vector<16xi32>
    %add3A_363 = arith.addi %mul3A_360, %add3A_362 : vector<16xi32>
    %swap3A_364 = arith.constant 112 : index
    %swap3A_365 = tpu.vector_load %arg15[%swap3A_364] {strides = array<i32>} : memref<128xi32, #tpu.memory_space<vmem>>, vector<16xi32>,
    %swap3A_366 = vector.shape_cast %swap3A_365 : vector<16xi32> to vector<16xi32>
    %swap3A_367 = vector.shape_cast %add3A_363 : vector<16xi32> to vector<16xi32>
    tpu.vector_store %arg15[%swap3A_364], %swap3A_367 {strides = array<i32>} : memref<128xi32, #tpu.memory_space<vmem>>, vector<16xi32>,
    %dma_start3A = arith.constant 0 : i32
    %dma_start3A_368 = tpu.memref_slice %arg2[%dma_start3A] : memref<122880000xf32, #tpu.memory_space<hbm>> -> memref<122880000xf32, #tpu.memory_space<hbm>>
    tpu.enqueue_indirect_dma source(%dma_start3A_368 : memref<122880000xf32, #tpu.memory_space<hbm>>) target(%arg16 : memref<128xf32, #tpu.memory_space<vmem>>) offsets(%arg12 : memref<128xi32, #tpu.memory_space<vmem>>) semaphore(%arg28 : memref<!tpu.dma_semaphore, #tpu.memory_space<semaphore_mem>>)
    %dma_start3A_369 = arith.constant 0 : i32
    %dma_start3A_370 = tpu.memref_slice %arg2[%dma_start3A_369] : memref<122880000xf32, #tpu.memory_space<hbm>> -> memref<122880000xf32, #tpu.memory_space<hbm>>
    tpu.enqueue_indirect_dma source(%dma_start3A_370 : memref<122880000xf32, #tpu.memory_space<hbm>>) target(%arg17 : memref<128xf32, #tpu.memory_space<vmem>>) offsets(%arg13 : memref<128xi32, #tpu.memory_space<vmem>>) semaphore(%arg28 : memref<!tpu.dma_semaphore, #tpu.memory_space<semaphore_mem>>)
    %dma_start3A_371 = arith.constant 0 : i32
    %dma_start3A_372 = tpu.memref_slice %arg4[%dma_start3A_371] : memref<20000xf32, #tpu.memory_space<hbm>> -> memref<20000xf32, #tpu.memory_space<hbm>>
    tpu.enqueue_indirect_dma source(%dma_start3A_372 : memref<20000xf32, #tpu.memory_space<hbm>>) target(%arg18 : memref<128xf32, #tpu.memory_space<vmem>>) offsets(%arg14 : memref<128xi32, #tpu.memory_space<vmem>>) semaphore(%arg28 : memref<!tpu.dma_semaphore, #tpu.memory_space<semaphore_mem>>)
    %dma_start3A_373 = arith.constant 0 : i32
    %dma_start3A_374 = tpu.memref_slice %arg4[%dma_start3A_373] : memref<20000xf32, #tpu.memory_space<hbm>> -> memref<20000xf32, #tpu.memory_space<hbm>>
    tpu.enqueue_indirect_dma source(%dma_start3A_374 : memref<20000xf32, #tpu.memory_space<hbm>>) target(%arg19 : memref<128xf32, #tpu.memory_space<vmem>>) offsets(%arg15 : memref<128xi32, #tpu.memory_space<vmem>>) semaphore(%arg28 : memref<!tpu.dma_semaphore, #tpu.memory_space<semaphore_mem>>)
    %dma_start3A_375 = arith.constant 0 : i32
    %dma_start3A_376 = tpu.memref_slice %arg5[%dma_start3A_375] : memref<20000xf32, #tpu.memory_space<hbm>> -> memref<20000xf32, #tpu.memory_space<hbm>>
    tpu.enqueue_indirect_dma source(%dma_start3A_376 : memref<20000xf32, #tpu.memory_space<hbm>>) target(%arg20 : memref<128xf32, #tpu.memory_space<vmem>>) offsets(%arg14 : memref<128xi32, #tpu.memory_space<vmem>>) semaphore(%arg28 : memref<!tpu.dma_semaphore, #tpu.memory_space<semaphore_mem>>)
    %dma_start3A_377 = arith.constant 0 : i32
    %dma_start3A_378 = tpu.memref_slice %arg5[%dma_start3A_377] : memref<20000xf32, #tpu.memory_space<hbm>> -> memref<20000xf32, #tpu.memory_space<hbm>>
    tpu.enqueue_indirect_dma source(%dma_start3A_378 : memref<20000xf32, #tpu.memory_space<hbm>>) target(%arg21 : memref<128xf32, #tpu.memory_space<vmem>>) offsets(%arg15 : memref<128xi32, #tpu.memory_space<vmem>>) semaphore(%arg28 : memref<!tpu.dma_semaphore, #tpu.memory_space<semaphore_mem>>)
    %dma_start3A_379 = arith.constant 0 : i32
    %dma_start3A_380 = tpu.memref_slice %arg6[%dma_start3A_379] : memref<20000xf32, #tpu.memory_space<hbm>> -> memref<20000xf32, #tpu.memory_space<hbm>>
    tpu.enqueue_indirect_dma source(%dma_start3A_380 : memref<20000xf32, #tpu.memory_space<hbm>>) target(%arg22 : memref<128xf32, #tpu.memory_space<vmem>>) offsets(%arg14 : memref<128xi32, #tpu.memory_space<vmem>>) semaphore(%arg28 : memref<!tpu.dma_semaphore, #tpu.memory_space<semaphore_mem>>)
    %dma_start3A_381 = arith.constant 0 : i32
    %dma_start3A_382 = tpu.memref_slice %arg6[%dma_start3A_381] : memref<20000xf32, #tpu.memory_space<hbm>> -> memref<20000xf32, #tpu.memory_space<hbm>>
    tpu.enqueue_indirect_dma source(%dma_start3A_382 : memref<20000xf32, #tpu.memory_space<hbm>>) target(%arg23 : memref<128xf32, #tpu.memory_space<vmem>>) offsets(%arg15 : memref<128xi32, #tpu.memory_space<vmem>>) semaphore(%arg28 : memref<!tpu.dma_semaphore, #tpu.memory_space<semaphore_mem>>)
    %dma_wait3A = arith.constant 0 : i32
    %dma_wait3A_383 = tpu.memref_slice %arg2[%dma_wait3A] : memref<122880000xf32, #tpu.memory_space<hbm>> -> memref<122880000xf32, #tpu.memory_space<hbm>>
    tpu.wait_indirect_dma semaphore(%arg28 : memref<!tpu.dma_semaphore, #tpu.memory_space<semaphore_mem>>) src(%dma_wait3A_383 : memref<122880000xf32, #tpu.memory_space<hbm>>) dst(%arg16 : memref<128xf32, #tpu.memory_space<vmem>>)
    %dma_wait3A_384 = arith.constant 0 : i32
    %dma_wait3A_385 = tpu.memref_slice %arg2[%dma_wait3A_384] : memref<122880000xf32, #tpu.memory_space<hbm>> -> memref<122880000xf32, #tpu.memory_space<hbm>>
    tpu.wait_indirect_dma semaphore(%arg28 : memref<!tpu.dma_semaphore, #tpu.memory_space<semaphore_mem>>) src(%dma_wait3A_385 : memref<122880000xf32, #tpu.memory_space<hbm>>) dst(%arg17 : memref<128xf32, #tpu.memory_space<vmem>>)
    %dma_wait3A_386 = arith.constant 0 : i32
    %dma_wait3A_387 = tpu.memref_slice %arg4[%dma_wait3A_386] : memref<20000xf32, #tpu.memory_space<hbm>> -> memref<20000xf32, #tpu.memory_space<hbm>>
    tpu.wait_indirect_dma semaphore(%arg28 : memref<!tpu.dma_semaphore, #tpu.memory_space<semaphore_mem>>) src(%dma_wait3A_387 : memref<20000xf32, #tpu.memory_space<hbm>>) dst(%arg18 : memref<128xf32, #tpu.memory_space<vmem>>)
    %dma_wait3A_388 = arith.constant 0 : i32
    %dma_wait3A_389 = tpu.memref_slice %arg4[%dma_wait3A_388] : memref<20000xf32, #tpu.memory_space<hbm>> -> memref<20000xf32, #tpu.memory_space<hbm>>
    tpu.wait_indirect_dma semaphore(%arg28 : memref<!tpu.dma_semaphore, #tpu.memory_space<semaphore_mem>>) src(%dma_wait3A_389 : memref<20000xf32, #tpu.memory_space<hbm>>) dst(%arg19 : memref<128xf32, #tpu.memory_space<vmem>>)
    %dma_wait3A_390 = arith.constant 0 : i32
    %dma_wait3A_391 = tpu.memref_slice %arg5[%dma_wait3A_390] : memref<20000xf32, #tpu.memory_space<hbm>> -> memref<20000xf32, #tpu.memory_space<hbm>>
    tpu.wait_indirect_dma semaphore(%arg28 : memref<!tpu.dma_semaphore, #tpu.memory_space<semaphore_mem>>) src(%dma_wait3A_391 : memref<20000xf32, #tpu.memory_space<hbm>>) dst(%arg20 : memref<128xf32, #tpu.memory_space<vmem>>)
    %dma_wait3A_392 = arith.constant 0 : i32
    %dma_wait3A_393 = tpu.memref_slice %arg5[%dma_wait3A_392] : memref<20000xf32, #tpu.memory_space<hbm>> -> memref<20000xf32, #tpu.memory_space<hbm>>
    tpu.wait_indirect_dma semaphore(%arg28 : memref<!tpu.dma_semaphore, #tpu.memory_space<semaphore_mem>>) src(%dma_wait3A_393 : memref<20000xf32, #tpu.memory_space<hbm>>) dst(%arg21 : memref<128xf32, #tpu.memory_space<vmem>>)
    %dma_wait3A_394 = arith.constant 0 : i32
    %dma_wait3A_395 = tpu.memref_slice %arg6[%dma_wait3A_394] : memref<20000xf32, #tpu.memory_space<hbm>> -> memref<20000xf32, #tpu.memory_space<hbm>>
    tpu.wait_indirect_dma semaphore(%arg28 : memref<!tpu.dma_semaphore, #tpu.memory_space<semaphore_mem>>) src(%dma_wait3A_395 : memref<20000xf32, #tpu.memory_space<hbm>>) dst(%arg22 : memref<128xf32, #tpu.memory_space<vmem>>)
    %dma_wait3A_396 = arith.constant 0 : i32
    %dma_wait3A_397 = tpu.memref_slice %arg6[%dma_wait3A_396] : memref<20000xf32, #tpu.memory_space<hbm>> -> memref<20000xf32, #tpu.memory_space<hbm>>
    tpu.wait_indirect_dma semaphore(%arg28 : memref<!tpu.dma_semaphore, #tpu.memory_space<semaphore_mem>>) src(%dma_wait3A_397 : memref<20000xf32, #tpu.memory_space<hbm>>) dst(%arg23 : memref<128xf32, #tpu.memory_space<vmem>>)
    %get3A_398 = arith.constant 0 : index
    %get3A_399 = tpu.vector_load %arg16[%get3A_398] {strides = array<i32>} : memref<128xf32, #tpu.memory_space<vmem>>, vector<16xf32>,
    %get3A_400 = vector.shape_cast %get3A_399 : vector<16xf32> to vector<16xf32>
    %abs3A = math.absf %get3A_400 : vector<16xf32>
    %min3A = arith.constant 3.000000e+01 : f32
    %min3A_401 = vector.broadcast %min3A : f32 to vector<16xf32>
    %min3A_402 = arith.minimumf %abs3A, %min3A_401 : vector<16xf32>
    %mul3A_403 = arith.constant 2.000000e+00 : f32
    %mul3A_404 = vector.broadcast %mul3A_403 : f32 to vector<16xf32>
    %mul3A_405 = arith.mulf %mul3A_404, %min3A_402 : vector<16xf32>
    %exp3A = math.exp %mul3A_405 : vector<16xf32>
    %add3A_406 = arith.constant 1.000000e+00 : f32
    %add3A_407 = vector.broadcast %add3A_406 : f32 to vector<16xf32>
    %add3A_408 = arith.addf %exp3A, %add3A_407 : vector<16xf32>
    %div3A = arith.constant 2.000000e+00 : f32
    %div3A_409 = vector.broadcast %div3A : f32 to vector<16xf32>
    %div3A_410 = arith.divf %div3A_409, %add3A_408 : vector<16xf32>
    %sub3A = arith.constant 1.000000e+00 : f32
    %sub3A_411 = vector.broadcast %sub3A : f32 to vector<16xf32>
    %sub3A_412 = arith.subf %sub3A_411, %div3A_410 : vector<16xf32>
    %sign3A = tpu.bitcast %get3A_400 : vector<16xf32> -> vector<16xi32>
    %sign3A_413 = arith.constant -2147483648 : i32
    %sign3A_414 = vector.broadcast %sign3A_413 : i32 to vector<16xi32>
    %sign3A_415 = arith.andi %sign3A, %sign3A_414 : vector<16xi32>
    %sign3A_416 = arith.constant 1065353216 : i32
    %sign3A_417 = vector.broadcast %sign3A_416 : i32 to vector<16xi32>
    %sign3A_418 = arith.ori %sign3A_417, %sign3A_415 : vector<16xi32>
    %sign3A_419 = tpu.bitcast %sign3A_418 : vector<16xi32> -> vector<16xf32>
    %sign3A_420 = math.absf %get3A_400 : vector<16xf32>
    %sign3A_421 = arith.constant 0.000000e+00 : f32
    %sign3A_422 = vector.broadcast %sign3A_421 : f32 to vector<16xf32>
    %sign3A_423 = arith.cmpf ogt, %sign3A_420, %sign3A_422 : vector<16xf32>
    %sign3A_424 = arith.select %sign3A_423, %sign3A_419, %get3A_400 : vector<16xi1>, vector<16xf32>
    %mul3A_425 = arith.constant 1.200000e+00 : f32
    %mul3A_426 = vector.broadcast %mul3A_425 : f32 to vector<16xf32>
    %mul3A_427 = arith.mulf %mul3A_426, %sign3A_424 : vector<16xf32>
    %mul3A_428 = arith.mulf %mul3A_427, %sub3A_412 : vector<16xf32>
    %get3A_429 = arith.constant 0 : index
    %get3A_430 = tpu.vector_load %arg18[%get3A_429] {strides = array<i32>} : memref<128xf32, #tpu.memory_space<vmem>>, vector<16xf32>,
    %get3A_431 = vector.shape_cast %get3A_430 : vector<16xf32> to vector<16xf32>
    %gt3A = arith.constant 0.000000e+00 : f32
    %gt3A_432 = vector.broadcast %gt3A : f32 to vector<16xf32>
    %gt3A_433 = arith.cmpf ogt, %mul3A_428, %gt3A_432 : vector<16xf32>
    %get3A_434 = arith.constant 0 : index
    %get3A_435 = tpu.vector_load %arg20[%get3A_434] {strides = array<i32>} : memref<128xf32, #tpu.memory_space<vmem>>, vector<16xf32>,
    %get3A_436 = vector.shape_cast %get3A_435 : vector<16xf32> to vector<16xf32>
    %get3A_437 = arith.constant 0 : index
    %get3A_438 = tpu.vector_load %arg22[%get3A_437] {strides = array<i32>} : memref<128xf32, #tpu.memory_space<vmem>>, vector<16xf32>,
    %get3A_439 = vector.shape_cast %get3A_438 : vector<16xf32> to vector<16xf32>
    %select_n3A = arith.select %gt3A_433, %get3A_436, %get3A_439 : vector<16xi1>, vector<16xf32>
    %mul3A_440 = arith.mulf %mul3A_428, %select_n3A : vector<16xf32>
    %add3A_441 = arith.addf %get3A_431, %mul3A_440 : vector<16xf32>
    %jit3A = arith.constant -1.000000e+00 : f32
    %jit3A_442 = arith.constant 1.000000e+00 : f32
    %max3A = vector.broadcast %jit3A : f32 to vector<16xf32>
    %max3A_443 = arith.maximumf %max3A, %add3A_441 : vector<16xf32>
    %min3A_444 = vector.broadcast %jit3A_442 : f32 to vector<16xf32>
    %min3A_445 = arith.minimumf %min3A_444, %max3A_443 : vector<16xf32>
    %mul3A_446 = arith.constant 9.000000e+01 : f32
    %mul3A_447 = vector.broadcast %mul3A_446 : f32 to vector<16xf32>
    %mul3A_448 = arith.mulf %min3A_445, %mul3A_447 : vector<16xf32>
    %swap3A_449 = arith.constant 0 : index
    %swap3A_450 = tpu.vector_load %arg24[%swap3A_449] {strides = array<i32>} : memref<256xf32, #tpu.memory_space<vmem>>, vector<16xf32>,
    %swap3A_451 = vector.shape_cast %swap3A_450 : vector<16xf32> to vector<16xf32>
    %swap3A_452 = vector.shape_cast %mul3A_448 : vector<16xf32> to vector<16xf32>
    tpu.vector_store %arg24[%swap3A_449], %swap3A_452 {strides = array<i32>} : memref<256xf32, #tpu.memory_space<vmem>>, vector<16xf32>,
    %div3A_453 = arith.constant 1.000000e+00 : f32
    %div3A_454 = vector.broadcast %div3A_453 : f32 to vector<16xf32>
    %div3A_455 = arith.divf %div3A_454, %select_n3A : vector<16xf32>
    %swap3A_456 = arith.constant 0 : index
    %swap3A_457 = tpu.vector_load %arg25[%swap3A_456] {strides = array<i32>} : memref<256xf32, #tpu.memory_space<vmem>>, vector<16xf32>,
    %swap3A_458 = vector.shape_cast %swap3A_457 : vector<16xf32> to vector<16xf32>
    %swap3A_459 = vector.shape_cast %div3A_455 : vector<16xf32> to vector<16xf32>
    tpu.vector_store %arg25[%swap3A_456], %swap3A_459 {strides = array<i32>} : memref<256xf32, #tpu.memory_space<vmem>>, vector<16xf32>,
    %swap3A_460 = arith.constant 0 : index
    %swap3A_461 = tpu.vector_load %arg26[%swap3A_460] {strides = array<i32>} : memref<256xf32, #tpu.memory_space<vmem>>, vector<16xf32>,
    %swap3A_462 = vector.shape_cast %swap3A_461 : vector<16xf32> to vector<16xf32>
    %swap3A_463 = vector.shape_cast %get3A_431 : vector<16xf32> to vector<16xf32>
    tpu.vector_store %arg26[%swap3A_460], %swap3A_463 {strides = array<i32>} : memref<256xf32, #tpu.memory_space<vmem>>, vector<16xf32>,
    %swap3A_464 = arith.constant 0 : index
    %swap3A_465 = tpu.vector_load %arg27[%swap3A_464] {strides = array<i32>} : memref<256xf32, #tpu.memory_space<vmem>>, vector<16xf32>,
    %swap3A_466 = vector.shape_cast %swap3A_465 : vector<16xf32> to vector<16xf32>
    %swap3A_467 = vector.shape_cast %mul3A_428 : vector<16xf32> to vector<16xf32>
    tpu.vector_store %arg27[%swap3A_464], %swap3A_467 {strides = array<i32>} : memref<256xf32, #tpu.memory_space<vmem>>, vector<16xf32>,
    %get3A_468 = arith.constant 16 : index
    %get3A_469 = tpu.vector_load %arg16[%get3A_468] {strides = array<i32>} : memref<128xf32, #tpu.memory_space<vmem>>, vector<16xf32>,
    %get3A_470 = vector.shape_cast %get3A_469 : vector<16xf32> to vector<16xf32>
    %abs3A_471 = math.absf %get3A_470 : vector<16xf32>
    %min3A_472 = arith.constant 3.000000e+01 : f32
    %min3A_473 = vector.broadcast %min3A_472 : f32 to vector<16xf32>
    %min3A_474 = arith.minimumf %abs3A_471, %min3A_473 : vector<16xf32>
    %mul3A_475 = arith.constant 2.000000e+00 : f32
    %mul3A_476 = vector.broadcast %mul3A_475 : f32 to vector<16xf32>
    %mul3A_477 = arith.mulf %mul3A_476, %min3A_474 : vector<16xf32>
    %exp3A_478 = math.exp %mul3A_477 : vector<16xf32>
    %add3A_479 = arith.constant 1.000000e+00 : f32
    %add3A_480 = vector.broadcast %add3A_479 : f32 to vector<16xf32>
    %add3A_481 = arith.addf %exp3A_478, %add3A_480 : vector<16xf32>
    %div3A_482 = arith.constant 2.000000e+00 : f32
    %div3A_483 = vector.broadcast %div3A_482 : f32 to vector<16xf32>
    %div3A_484 = arith.divf %div3A_483, %add3A_481 : vector<16xf32>
    %sub3A_485 = arith.constant 1.000000e+00 : f32
    %sub3A_486 = vector.broadcast %sub3A_485 : f32 to vector<16xf32>
    %sub3A_487 = arith.subf %sub3A_486, %div3A_484 : vector<16xf32>
    %sign3A_488 = tpu.bitcast %get3A_470 : vector<16xf32> -> vector<16xi32>
    %sign3A_489 = arith.constant -2147483648 : i32
    %sign3A_490 = vector.broadcast %sign3A_489 : i32 to vector<16xi32>
    %sign3A_491 = arith.andi %sign3A_488, %sign3A_490 : vector<16xi32>
    %sign3A_492 = arith.constant 1065353216 : i32
    %sign3A_493 = vector.broadcast %sign3A_492 : i32 to vector<16xi32>
    %sign3A_494 = arith.ori %sign3A_493, %sign3A_491 : vector<16xi32>
    %sign3A_495 = tpu.bitcast %sign3A_494 : vector<16xi32> -> vector<16xf32>
    %sign3A_496 = math.absf %get3A_470 : vector<16xf32>
    %sign3A_497 = arith.constant 0.000000e+00 : f32
    %sign3A_498 = vector.broadcast %sign3A_497 : f32 to vector<16xf32>
    %sign3A_499 = arith.cmpf ogt, %sign3A_496, %sign3A_498 : vector<16xf32>
    %sign3A_500 = arith.select %sign3A_499, %sign3A_495, %get3A_470 : vector<16xi1>, vector<16xf32>
    %mul3A_501 = arith.constant 1.200000e+00 : f32
    %mul3A_502 = vector.broadcast %mul3A_501 : f32 to vector<16xf32>
    %mul3A_503 = arith.mulf %mul3A_502, %sign3A_500 : vector<16xf32>
    %mul3A_504 = arith.mulf %mul3A_503, %sub3A_487 : vector<16xf32>
    %get3A_505 = arith.constant 16 : index
    %get3A_506 = tpu.vector_load %arg18[%get3A_505] {strides = array<i32>} : memref<128xf32, #tpu.memory_space<vmem>>, vector<16xf32>,
    %get3A_507 = vector.shape_cast %get3A_506 : vector<16xf32> to vector<16xf32>
    %gt3A_508 = arith.constant 0.000000e+00 : f32
    %gt3A_509 = vector.broadcast %gt3A_508 : f32 to vector<16xf32>
    %gt3A_510 = arith.cmpf ogt, %mul3A_504, %gt3A_509 : vector<16xf32>
    %get3A_511 = arith.constant 16 : index
    %get3A_512 = tpu.vector_load %arg20[%get3A_511] {strides = array<i32>} : memref<128xf32, #tpu.memory_space<vmem>>, vector<16xf32>,
    %get3A_513 = vector.shape_cast %get3A_512 : vector<16xf32> to vector<16xf32>
    %get3A_514 = arith.constant 16 : index
    %get3A_515 = tpu.vector_load %arg22[%get3A_514] {strides = array<i32>} : memref<128xf32, #tpu.memory_space<vmem>>, vector<16xf32>,
    %get3A_516 = vector.shape_cast %get3A_515 : vector<16xf32> to vector<16xf32>
    %select_n3A_517 = arith.select %gt3A_510, %get3A_513, %get3A_516 : vector<16xi1>, vector<16xf32>
    %mul3A_518 = arith.mulf %mul3A_504, %select_n3A_517 : vector<16xf32>
    %add3A_519 = arith.addf %get3A_507, %mul3A_518 : vector<16xf32>
    %jit3A_520 = arith.constant -1.000000e+00 : f32
    %jit3A_521 = arith.constant 1.000000e+00 : f32
    %max3A_522 = vector.broadcast %jit3A_520 : f32 to vector<16xf32>
    %max3A_523 = arith.maximumf %max3A_522, %add3A_519 : vector<16xf32>
    %min3A_524 = vector.broadcast %jit3A_521 : f32 to vector<16xf32>
    %min3A_525 = arith.minimumf %min3A_524, %max3A_523 : vector<16xf32>
    %mul3A_526 = arith.constant 9.000000e+01 : f32
    %mul3A_527 = vector.broadcast %mul3A_526 : f32 to vector<16xf32>
    %mul3A_528 = arith.mulf %min3A_525, %mul3A_527 : vector<16xf32>
    %swap3A_529 = arith.constant 16 : index
    %swap3A_530 = tpu.vector_load %arg24[%swap3A_529] {strides = array<i32>} : memref<256xf32, #tpu.memory_space<vmem>>, vector<16xf32>,
    %swap3A_531 = vector.shape_cast %swap3A_530 : vector<16xf32> to vector<16xf32>
    %swap3A_532 = vector.shape_cast %mul3A_528 : vector<16xf32> to vector<16xf32>
    tpu.vector_store %arg24[%swap3A_529], %swap3A_532 {strides = array<i32>} : memref<256xf32, #tpu.memory_space<vmem>>, vector<16xf32>,
    %div3A_533 = arith.constant 1.000000e+00 : f32
    %div3A_534 = vector.broadcast %div3A_533 : f32 to vector<16xf32>
    %div3A_535 = arith.divf %div3A_534, %select_n3A_517 : vector<16xf32>
    %swap3A_536 = arith.constant 16 : index
    %swap3A_537 = tpu.vector_load %arg25[%swap3A_536] {strides = array<i32>} : memref<256xf32, #tpu.memory_space<vmem>>, vector<16xf32>,
    %swap3A_538 = vector.shape_cast %swap3A_537 : vector<16xf32> to vector<16xf32>
    %swap3A_539 = vector.shape_cast %div3A_535 : vector<16xf32> to vector<16xf32>
    tpu.vector_store %arg25[%swap3A_536], %swap3A_539 {strides = array<i32>} : memref<256xf32, #tpu.memory_space<vmem>>, vector<16xf32>,
    %swap3A_540 = arith.constant 16 : index
    %swap3A_541 = tpu.vector_load %arg26[%swap3A_540] {strides = array<i32>} : memref<256xf32, #tpu.memory_space<vmem>>, vector<16xf32>,
    %swap3A_542 = vector.shape_cast %swap3A_541 : vector<16xf32> to vector<16xf32>
    %swap3A_543 = vector.shape_cast %get3A_507 : vector<16xf32> to vector<16xf32>
    tpu.vector_store %arg26[%swap3A_540], %swap3A_543 {strides = array<i32>} : memref<256xf32, #tpu.memory_space<vmem>>, vector<16xf32>,
    %swap3A_544 = arith.constant 16 : index
    %swap3A_545 = tpu.vector_load %arg27[%swap3A_544] {strides = array<i32>} : memref<256xf32, #tpu.memory_space<vmem>>, vector<16xf32>,
    %swap3A_546 = vector.shape_cast %swap3A_545 : vector<16xf32> to vector<16xf32>
    %swap3A_547 = vector.shape_cast %mul3A_504 : vector<16xf32> to vector<16xf32>
    tpu.vector_store %arg27[%swap3A_544], %swap3A_547 {strides = array<i32>} : memref<256xf32, #tpu.memory_space<vmem>>, vector<16xf32>,
    %get3A_548 = arith.constant 32 : index
    %get3A_549 = tpu.vector_load %arg16[%get3A_548] {strides = array<i32>} : memref<128xf32, #tpu.memory_space<vmem>>, vector<16xf32>,
    %get3A_550 = vector.shape_cast %get3A_549 : vector<16xf32> to vector<16xf32>
    %abs3A_551 = math.absf %get3A_550 : vector<16xf32>
    %min3A_552 = arith.constant 3.000000e+01 : f32
    %min3A_553 = vector.broadcast %min3A_552 : f32 to vector<16xf32>
    %min3A_554 = arith.minimumf %abs3A_551, %min3A_553 : vector<16xf32>
    %mul3A_555 = arith.constant 2.000000e+00 : f32
    %mul3A_556 = vector.broadcast %mul3A_555 : f32 to vector<16xf32>
    %mul3A_557 = arith.mulf %mul3A_556, %min3A_554 : vector<16xf32>
    %exp3A_558 = math.exp %mul3A_557 : vector<16xf32>
    %add3A_559 = arith.constant 1.000000e+00 : f32
    %add3A_560 = vector.broadcast %add3A_559 : f32 to vector<16xf32>
    %add3A_561 = arith.addf %exp3A_558, %add3A_560 : vector<16xf32>
    %div3A_562 = arith.constant 2.000000e+00 : f32
    %div3A_563 = vector.broadcast %div3A_562 : f32 to vector<16xf32>
    %div3A_564 = arith.divf %div3A_563, %add3A_561 : vector<16xf32>
    %sub3A_565 = arith.constant 1.000000e+00 : f32
    %sub3A_566 = vector.broadcast %sub3A_565 : f32 to vector<16xf32>
    %sub3A_567 = arith.subf %sub3A_566, %div3A_564 : vector<16xf32>
    %sign3A_568 = tpu.bitcast %get3A_550 : vector<16xf32> -> vector<16xi32>
    %sign3A_569 = arith.constant -2147483648 : i32
    %sign3A_570 = vector.broadcast %sign3A_569 : i32 to vector<16xi32>
    %sign3A_571 = arith.andi %sign3A_568, %sign3A_570 : vector<16xi32>
    %sign3A_572 = arith.constant 1065353216 : i32
    %sign3A_573 = vector.broadcast %sign3A_572 : i32 to vector<16xi32>
    %sign3A_574 = arith.ori %sign3A_573, %sign3A_571 : vector<16xi32>
    %sign3A_575 = tpu.bitcast %sign3A_574 : vector<16xi32> -> vector<16xf32>
    %sign3A_576 = math.absf %get3A_550 : vector<16xf32>
    %sign3A_577 = arith.constant 0.000000e+00 : f32
    %sign3A_578 = vector.broadcast %sign3A_577 : f32 to vector<16xf32>
    %sign3A_579 = arith.cmpf ogt, %sign3A_576, %sign3A_578 : vector<16xf32>
    %sign3A_580 = arith.select %sign3A_579, %sign3A_575, %get3A_550 : vector<16xi1>, vector<16xf32>
    %mul3A_581 = arith.constant 1.200000e+00 : f32
    %mul3A_582 = vector.broadcast %mul3A_581 : f32 to vector<16xf32>
    %mul3A_583 = arith.mulf %mul3A_582, %sign3A_580 : vector<16xf32>
    %mul3A_584 = arith.mulf %mul3A_583, %sub3A_567 : vector<16xf32>
    %get3A_585 = arith.constant 32 : index
    %get3A_586 = tpu.vector_load %arg18[%get3A_585] {strides = array<i32>} : memref<128xf32, #tpu.memory_space<vmem>>, vector<16xf32>,
    %get3A_587 = vector.shape_cast %get3A_586 : vector<16xf32> to vector<16xf32>
    %gt3A_588 = arith.constant 0.000000e+00 : f32
    %gt3A_589 = vector.broadcast %gt3A_588 : f32 to vector<16xf32>
    %gt3A_590 = arith.cmpf ogt, %mul3A_584, %gt3A_589 : vector<16xf32>
    %get3A_591 = arith.constant 32 : index
    %get3A_592 = tpu.vector_load %arg20[%get3A_591] {strides = array<i32>} : memref<128xf32, #tpu.memory_space<vmem>>, vector<16xf32>,
    %get3A_593 = vector.shape_cast %get3A_592 : vector<16xf32> to vector<16xf32>
    %get3A_594 = arith.constant 32 : index
    %get3A_595 = tpu.vector_load %arg22[%get3A_594] {strides = array<i32>} : memref<128xf32, #tpu.memory_space<vmem>>, vector<16xf32>,
    %get3A_596 = vector.shape_cast %get3A_595 : vector<16xf32> to vector<16xf32>
    %select_n3A_597 = arith.select %gt3A_590, %get3A_593, %get3A_596 : vector<16xi1>, vector<16xf32>
    %mul3A_598 = arith.mulf %mul3A_584, %select_n3A_597 : vector<16xf32>
    %add3A_599 = arith.addf %get3A_587, %mul3A_598 : vector<16xf32>
    %jit3A_600 = arith.constant -1.000000e+00 : f32
    %jit3A_601 = arith.constant 1.000000e+00 : f32
    %max3A_602 = vector.broadcast %jit3A_600 : f32 to vector<16xf32>
    %max3A_603 = arith.maximumf %max3A_602, %add3A_599 : vector<16xf32>
    %min3A_604 = vector.broadcast %jit3A_601 : f32 to vector<16xf32>
    %min3A_605 = arith.minimumf %min3A_604, %max3A_603 : vector<16xf32>
    %mul3A_606 = arith.constant 9.000000e+01 : f32
    %mul3A_607 = vector.broadcast %mul3A_606 : f32 to vector<16xf32>
    %mul3A_608 = arith.mulf %min3A_605, %mul3A_607 : vector<16xf32>
    %swap3A_609 = arith.constant 32 : index
    %swap3A_610 = tpu.vector_load %arg24[%swap3A_609] {strides = array<i32>} : memref<256xf32, #tpu.memory_space<vmem>>, vector<16xf32>,
    %swap3A_611 = vector.shape_cast %swap3A_610 : vector<16xf32> to vector<16xf32>
    %swap3A_612 = vector.shape_cast %mul3A_608 : vector<16xf32> to vector<16xf32>
    tpu.vector_store %arg24[%swap3A_609], %swap3A_612 {strides = array<i32>} : memref<256xf32, #tpu.memory_space<vmem>>, vector<16xf32>,
    %div3A_613 = arith.constant 1.000000e+00 : f32
    %div3A_614 = vector.broadcast %div3A_613 : f32 to vector<16xf32>
    %div3A_615 = arith.divf %div3A_614, %select_n3A_597 : vector<16xf32>
    %swap3A_616 = arith.constant 32 : index
    %swap3A_617 = tpu.vector_load %arg25[%swap3A_616] {strides = array<i32>} : memref<256xf32, #tpu.memory_space<vmem>>, vector<16xf32>,
    %swap3A_618 = vector.shape_cast %swap3A_617 : vector<16xf32> to vector<16xf32>
    %swap3A_619 = vector.shape_cast %div3A_615 : vector<16xf32> to vector<16xf32>
    tpu.vector_store %arg25[%swap3A_616], %swap3A_619 {strides = array<i32>} : memref<256xf32, #tpu.memory_space<vmem>>, vector<16xf32>,
    %swap3A_620 = arith.constant 32 : index
    %swap3A_621 = tpu.vector_load %arg26[%swap3A_620] {strides = array<i32>} : memref<256xf32, #tpu.memory_space<vmem>>, vector<16xf32>,
    %swap3A_622 = vector.shape_cast %swap3A_621 : vector<16xf32> to vector<16xf32>
    %swap3A_623 = vector.shape_cast %get3A_587 : vector<16xf32> to vector<16xf32>
    tpu.vector_store %arg26[%swap3A_620], %swap3A_623 {strides = array<i32>} : memref<256xf32, #tpu.memory_space<vmem>>, vector<16xf32>,
    %swap3A_624 = arith.constant 32 : index
    %swap3A_625 = tpu.vector_load %arg27[%swap3A_624] {strides = array<i32>} : memref<256xf32, #tpu.memory_space<vmem>>, vector<16xf32>,
    %swap3A_626 = vector.shape_cast %swap3A_625 : vector<16xf32> to vector<16xf32>
    %swap3A_627 = vector.shape_cast %mul3A_584 : vector<16xf32> to vector<16xf32>
    tpu.vector_store %arg27[%swap3A_624], %swap3A_627 {strides = array<i32>} : memref<256xf32, #tpu.memory_space<vmem>>, vector<16xf32>,
    %get3A_628 = arith.constant 48 : index
    %get3A_629 = tpu.vector_load %arg16[%get3A_628] {strides = array<i32>} : memref<128xf32, #tpu.memory_space<vmem>>, vector<16xf32>,
    %get3A_630 = vector.shape_cast %get3A_629 : vector<16xf32> to vector<16xf32>
    %abs3A_631 = math.absf %get3A_630 : vector<16xf32>
    %min3A_632 = arith.constant 3.000000e+01 : f32
    %min3A_633 = vector.broadcast %min3A_632 : f32 to vector<16xf32>
    %min3A_634 = arith.minimumf %abs3A_631, %min3A_633 : vector<16xf32>
    %mul3A_635 = arith.constant 2.000000e+00 : f32
    %mul3A_636 = vector.broadcast %mul3A_635 : f32 to vector<16xf32>
    %mul3A_637 = arith.mulf %mul3A_636, %min3A_634 : vector<16xf32>
    %exp3A_638 = math.exp %mul3A_637 : vector<16xf32>
    %add3A_639 = arith.constant 1.000000e+00 : f32
    %add3A_640 = vector.broadcast %add3A_639 : f32 to vector<16xf32>
    %add3A_641 = arith.addf %exp3A_638, %add3A_640 : vector<16xf32>
    %div3A_642 = arith.constant 2.000000e+00 : f32
    %div3A_643 = vector.broadcast %div3A_642 : f32 to vector<16xf32>
    %div3A_644 = arith.divf %div3A_643, %add3A_641 : vector<16xf32>
    %sub3A_645 = arith.constant 1.000000e+00 : f32
    %sub3A_646 = vector.broadcast %sub3A_645 : f32 to vector<16xf32>
    %sub3A_647 = arith.subf %sub3A_646, %div3A_644 : vector<16xf32>
    %sign3A_648 = tpu.bitcast %get3A_630 : vector<16xf32> -> vector<16xi32>
    %sign3A_649 = arith.constant -2147483648 : i32
    %sign3A_650 = vector.broadcast %sign3A_649 : i32 to vector<16xi32>
    %sign3A_651 = arith.andi %sign3A_648, %sign3A_650 : vector<16xi32>
    %sign3A_652 = arith.constant 1065353216 : i32
    %sign3A_653 = vector.broadcast %sign3A_652 : i32 to vector<16xi32>
    %sign3A_654 = arith.ori %sign3A_653, %sign3A_651 : vector<16xi32>
    %sign3A_655 = tpu.bitcast %sign3A_654 : vector<16xi32> -> vector<16xf32>
    %sign3A_656 = math.absf %get3A_630 : vector<16xf32>
    %sign3A_657 = arith.constant 0.000000e+00 : f32
    %sign3A_658 = vector.broadcast %sign3A_657 : f32 to vector<16xf32>
    %sign3A_659 = arith.cmpf ogt, %sign3A_656, %sign3A_658 : vector<16xf32>
    %sign3A_660 = arith.select %sign3A_659, %sign3A_655, %get3A_630 : vector<16xi1>, vector<16xf32>
    %mul3A_661 = arith.constant 1.200000e+00 : f32
    %mul3A_662 = vector.broadcast %mul3A_661 : f32 to vector<16xf32>
    %mul3A_663 = arith.mulf %mul3A_662, %sign3A_660 : vector<16xf32>
    %mul3A_664 = arith.mulf %mul3A_663, %sub3A_647 : vector<16xf32>
    %get3A_665 = arith.constant 48 : index
    %get3A_666 = tpu.vector_load %arg18[%get3A_665] {strides = array<i32>} : memref<128xf32, #tpu.memory_space<vmem>>, vector<16xf32>,
    %get3A_667 = vector.shape_cast %get3A_666 : vector<16xf32> to vector<16xf32>
    %gt3A_668 = arith.constant 0.000000e+00 : f32
    %gt3A_669 = vector.broadcast %gt3A_668 : f32 to vector<16xf32>
    %gt3A_670 = arith.cmpf ogt, %mul3A_664, %gt3A_669 : vector<16xf32>
    %get3A_671 = arith.constant 48 : index
    %get3A_672 = tpu.vector_load %arg20[%get3A_671] {strides = array<i32>} : memref<128xf32, #tpu.memory_space<vmem>>, vector<16xf32>,
    %get3A_673 = vector.shape_cast %get3A_672 : vector<16xf32> to vector<16xf32>
    %get3A_674 = arith.constant 48 : index
    %get3A_675 = tpu.vector_load %arg22[%get3A_674] {strides = array<i32>} : memref<128xf32, #tpu.memory_space<vmem>>, vector<16xf32>,
    %get3A_676 = vector.shape_cast %get3A_675 : vector<16xf32> to vector<16xf32>
    %select_n3A_677 = arith.select %gt3A_670, %get3A_673, %get3A_676 : vector<16xi1>, vector<16xf32>
    %mul3A_678 = arith.mulf %mul3A_664, %select_n3A_677 : vector<16xf32>
    %add3A_679 = arith.addf %get3A_667, %mul3A_678 : vector<16xf32>
    %jit3A_680 = arith.constant -1.000000e+00 : f32
    %jit3A_681 = arith.constant 1.000000e+00 : f32
    %max3A_682 = vector.broadcast %jit3A_680 : f32 to vector<16xf32>
    %max3A_683 = arith.maximumf %max3A_682, %add3A_679 : vector<16xf32>
    %min3A_684 = vector.broadcast %jit3A_681 : f32 to vector<16xf32>
    %min3A_685 = arith.minimumf %min3A_684, %max3A_683 : vector<16xf32>
    %mul3A_686 = arith.constant 9.000000e+01 : f32
    %mul3A_687 = vector.broadcast %mul3A_686 : f32 to vector<16xf32>
    %mul3A_688 = arith.mulf %min3A_685, %mul3A_687 : vector<16xf32>
    %swap3A_689 = arith.constant 48 : index
    %swap3A_690 = tpu.vector_load %arg24[%swap3A_689] {strides = array<i32>} : memref<256xf32, #tpu.memory_space<vmem>>, vector<16xf32>,
    %swap3A_691 = vector.shape_cast %swap3A_690 : vector<16xf32> to vector<16xf32>
    %swap3A_692 = vector.shape_cast %mul3A_688 : vector<16xf32> to vector<16xf32>
    tpu.vector_store %arg24[%swap3A_689], %swap3A_692 {strides = array<i32>} : memref<256xf32, #tpu.memory_space<vmem>>, vector<16xf32>,
    %div3A_693 = arith.constant 1.000000e+00 : f32
    %div3A_694 = vector.broadcast %div3A_693 : f32 to vector<16xf32>
    %div3A_695 = arith.divf %div3A_694, %select_n3A_677 : vector<16xf32>
    %swap3A_696 = arith.constant 48 : index
    %swap3A_697 = tpu.vector_load %arg25[%swap3A_696] {strides = array<i32>} : memref<256xf32, #tpu.memory_space<vmem>>, vector<16xf32>,
    %swap3A_698 = vector.shape_cast %swap3A_697 : vector<16xf32> to vector<16xf32>
    %swap3A_699 = vector.shape_cast %div3A_695 : vector<16xf32> to vector<16xf32>
    tpu.vector_store %arg25[%swap3A_696], %swap3A_699 {strides = array<i32>} : memref<256xf32, #tpu.memory_space<vmem>>, vector<16xf32>,
    %swap3A_700 = arith.constant 48 : index
    %swap3A_701 = tpu.vector_load %arg26[%swap3A_700] {strides = array<i32>} : memref<256xf32, #tpu.memory_space<vmem>>, vector<16xf32>,
    %swap3A_702 = vector.shape_cast %swap3A_701 : vector<16xf32> to vector<16xf32>
    %swap3A_703 = vector.shape_cast %get3A_667 : vector<16xf32> to vector<16xf32>
    tpu.vector_store %arg26[%swap3A_700], %swap3A_703 {strides = array<i32>} : memref<256xf32, #tpu.memory_space<vmem>>, vector<16xf32>,
    %swap3A_704 = arith.constant 48 : index
    %swap3A_705 = tpu.vector_load %arg27[%swap3A_704] {strides = array<i32>} : memref<256xf32, #tpu.memory_space<vmem>>, vector<16xf32>,
    %swap3A_706 = vector.shape_cast %swap3A_705 : vector<16xf32> to vector<16xf32>
    %swap3A_707 = vector.shape_cast %mul3A_664 : vector<16xf32> to vector<16xf32>
    tpu.vector_store %arg27[%swap3A_704], %swap3A_707 {strides = array<i32>} : memref<256xf32, #tpu.memory_space<vmem>>, vector<16xf32>,
    %get3A_708 = arith.constant 64 : index
    %get3A_709 = tpu.vector_load %arg16[%get3A_708] {strides = array<i32>} : memref<128xf32, #tpu.memory_space<vmem>>, vector<16xf32>,
    %get3A_710 = vector.shape_cast %get3A_709 : vector<16xf32> to vector<16xf32>
    %abs3A_711 = math.absf %get3A_710 : vector<16xf32>
    %min3A_712 = arith.constant 3.000000e+01 : f32
    %min3A_713 = vector.broadcast %min3A_712 : f32 to vector<16xf32>
    %min3A_714 = arith.minimumf %abs3A_711, %min3A_713 : vector<16xf32>
    %mul3A_715 = arith.constant 2.000000e+00 : f32
    %mul3A_716 = vector.broadcast %mul3A_715 : f32 to vector<16xf32>
    %mul3A_717 = arith.mulf %mul3A_716, %min3A_714 : vector<16xf32>
    %exp3A_718 = math.exp %mul3A_717 : vector<16xf32>
    %add3A_719 = arith.constant 1.000000e+00 : f32
    %add3A_720 = vector.broadcast %add3A_719 : f32 to vector<16xf32>
    %add3A_721 = arith.addf %exp3A_718, %add3A_720 : vector<16xf32>
    %div3A_722 = arith.constant 2.000000e+00 : f32
    %div3A_723 = vector.broadcast %div3A_722 : f32 to vector<16xf32>
    %div3A_724 = arith.divf %div3A_723, %add3A_721 : vector<16xf32>
    %sub3A_725 = arith.constant 1.000000e+00 : f32
    %sub3A_726 = vector.broadcast %sub3A_725 : f32 to vector<16xf32>
    %sub3A_727 = arith.subf %sub3A_726, %div3A_724 : vector<16xf32>
    %sign3A_728 = tpu.bitcast %get3A_710 : vector<16xf32> -> vector<16xi32>
    %sign3A_729 = arith.constant -2147483648 : i32
    %sign3A_730 = vector.broadcast %sign3A_729 : i32 to vector<16xi32>
    %sign3A_731 = arith.andi %sign3A_728, %sign3A_730 : vector<16xi32>
    %sign3A_732 = arith.constant 1065353216 : i32
    %sign3A_733 = vector.broadcast %sign3A_732 : i32 to vector<16xi32>
    %sign3A_734 = arith.ori %sign3A_733, %sign3A_731 : vector<16xi32>
    %sign3A_735 = tpu.bitcast %sign3A_734 : vector<16xi32> -> vector<16xf32>
    %sign3A_736 = math.absf %get3A_710 : vector<16xf32>
    %sign3A_737 = arith.constant 0.000000e+00 : f32
    %sign3A_738 = vector.broadcast %sign3A_737 : f32 to vector<16xf32>
    %sign3A_739 = arith.cmpf ogt, %sign3A_736, %sign3A_738 : vector<16xf32>
    %sign3A_740 = arith.select %sign3A_739, %sign3A_735, %get3A_710 : vector<16xi1>, vector<16xf32>
    %mul3A_741 = arith.constant 1.200000e+00 : f32
    %mul3A_742 = vector.broadcast %mul3A_741 : f32 to vector<16xf32>
    %mul3A_743 = arith.mulf %mul3A_742, %sign3A_740 : vector<16xf32>
    %mul3A_744 = arith.mulf %mul3A_743, %sub3A_727 : vector<16xf32>
    %get3A_745 = arith.constant 64 : index
    %get3A_746 = tpu.vector_load %arg18[%get3A_745] {strides = array<i32>} : memref<128xf32, #tpu.memory_space<vmem>>, vector<16xf32>,
    %get3A_747 = vector.shape_cast %get3A_746 : vector<16xf32> to vector<16xf32>
    %gt3A_748 = arith.constant 0.000000e+00 : f32
    %gt3A_749 = vector.broadcast %gt3A_748 : f32 to vector<16xf32>
    %gt3A_750 = arith.cmpf ogt, %mul3A_744, %gt3A_749 : vector<16xf32>
    %get3A_751 = arith.constant 64 : index
    %get3A_752 = tpu.vector_load %arg20[%get3A_751] {strides = array<i32>} : memref<128xf32, #tpu.memory_space<vmem>>, vector<16xf32>,
    %get3A_753 = vector.shape_cast %get3A_752 : vector<16xf32> to vector<16xf32>
    %get3A_754 = arith.constant 64 : index
    %get3A_755 = tpu.vector_load %arg22[%get3A_754] {strides = array<i32>} : memref<128xf32, #tpu.memory_space<vmem>>, vector<16xf32>,
    %get3A_756 = vector.shape_cast %get3A_755 : vector<16xf32> to vector<16xf32>
    %select_n3A_757 = arith.select %gt3A_750, %get3A_753, %get3A_756 : vector<16xi1>, vector<16xf32>
    %mul3A_758 = arith.mulf %mul3A_744, %select_n3A_757 : vector<16xf32>
    %add3A_759 = arith.addf %get3A_747, %mul3A_758 : vector<16xf32>
    %jit3A_760 = arith.constant -1.000000e+00 : f32
    %jit3A_761 = arith.constant 1.000000e+00 : f32
    %max3A_762 = vector.broadcast %jit3A_760 : f32 to vector<16xf32>
    %max3A_763 = arith.maximumf %max3A_762, %add3A_759 : vector<16xf32>
    %min3A_764 = vector.broadcast %jit3A_761 : f32 to vector<16xf32>
    %min3A_765 = arith.minimumf %min3A_764, %max3A_763 : vector<16xf32>
    %mul3A_766 = arith.constant 9.000000e+01 : f32
    %mul3A_767 = vector.broadcast %mul3A_766 : f32 to vector<16xf32>
    %mul3A_768 = arith.mulf %min3A_765, %mul3A_767 : vector<16xf32>
    %swap3A_769 = arith.constant 64 : index
    %swap3A_770 = tpu.vector_load %arg24[%swap3A_769] {strides = array<i32>} : memref<256xf32, #tpu.memory_space<vmem>>, vector<16xf32>,
    %swap3A_771 = vector.shape_cast %swap3A_770 : vector<16xf32> to vector<16xf32>
    %swap3A_772 = vector.shape_cast %mul3A_768 : vector<16xf32> to vector<16xf32>
    tpu.vector_store %arg24[%swap3A_769], %swap3A_772 {strides = array<i32>} : memref<256xf32, #tpu.memory_space<vmem>>, vector<16xf32>,
    %div3A_773 = arith.constant 1.000000e+00 : f32
    %div3A_774 = vector.broadcast %div3A_773 : f32 to vector<16xf32>
    %div3A_775 = arith.divf %div3A_774, %select_n3A_757 : vector<16xf32>
    %swap3A_776 = arith.constant 64 : index
    %swap3A_777 = tpu.vector_load %arg25[%swap3A_776] {strides = array<i32>} : memref<256xf32, #tpu.memory_space<vmem>>, vector<16xf32>,
    %swap3A_778 = vector.shape_cast %swap3A_777 : vector<16xf32> to vector<16xf32>
    %swap3A_779 = vector.shape_cast %div3A_775 : vector<16xf32> to vector<16xf32>
    tpu.vector_store %arg25[%swap3A_776], %swap3A_779 {strides = array<i32>} : memref<256xf32, #tpu.memory_space<vmem>>, vector<16xf32>,
    %swap3A_780 = arith.constant 64 : index
    %swap3A_781 = tpu.vector_load %arg26[%swap3A_780] {strides = array<i32>} : memref<256xf32, #tpu.memory_space<vmem>>, vector<16xf32>,
    %swap3A_782 = vector.shape_cast %swap3A_781 : vector<16xf32> to vector<16xf32>
    %swap3A_783 = vector.shape_cast %get3A_747 : vector<16xf32> to vector<16xf32>
    tpu.vector_store %arg26[%swap3A_780], %swap3A_783 {strides = array<i32>} : memref<256xf32, #tpu.memory_space<vmem>>, vector<16xf32>,
    %swap3A_784 = arith.constant 64 : index
    %swap3A_785 = tpu.vector_load %arg27[%swap3A_784] {strides = array<i32>} : memref<256xf32, #tpu.memory_space<vmem>>, vector<16xf32>,
    %swap3A_786 = vector.shape_cast %swap3A_785 : vector<16xf32> to vector<16xf32>
    %swap3A_787 = vector.shape_cast %mul3A_744 : vector<16xf32> to vector<16xf32>
    tpu.vector_store %arg27[%swap3A_784], %swap3A_787 {strides = array<i32>} : memref<256xf32, #tpu.memory_space<vmem>>, vector<16xf32>,
    %get3A_788 = arith.constant 80 : index
    %get3A_789 = tpu.vector_load %arg16[%get3A_788] {strides = array<i32>} : memref<128xf32, #tpu.memory_space<vmem>>, vector<16xf32>,
    %get3A_790 = vector.shape_cast %get3A_789 : vector<16xf32> to vector<16xf32>
    %abs3A_791 = math.absf %get3A_790 : vector<16xf32>
    %min3A_792 = arith.constant 3.000000e+01 : f32
    %min3A_793 = vector.broadcast %min3A_792 : f32 to vector<16xf32>
    %min3A_794 = arith.minimumf %abs3A_791, %min3A_793 : vector<16xf32>
    %mul3A_795 = arith.constant 2.000000e+00 : f32
    %mul3A_796 = vector.broadcast %mul3A_795 : f32 to vector<16xf32>
    %mul3A_797 = arith.mulf %mul3A_796, %min3A_794 : vector<16xf32>
    %exp3A_798 = math.exp %mul3A_797 : vector<16xf32>
    %add3A_799 = arith.constant 1.000000e+00 : f32
    %add3A_800 = vector.broadcast %add3A_799 : f32 to vector<16xf32>
    %add3A_801 = arith.addf %exp3A_798, %add3A_800 : vector<16xf32>
    %div3A_802 = arith.constant 2.000000e+00 : f32
    %div3A_803 = vector.broadcast %div3A_802 : f32 to vector<16xf32>
    %div3A_804 = arith.divf %div3A_803, %add3A_801 : vector<16xf32>
    %sub3A_805 = arith.constant 1.000000e+00 : f32
    %sub3A_806 = vector.broadcast %sub3A_805 : f32 to vector<16xf32>
    %sub3A_807 = arith.subf %sub3A_806, %div3A_804 : vector<16xf32>
    %sign3A_808 = tpu.bitcast %get3A_790 : vector<16xf32> -> vector<16xi32>
    %sign3A_809 = arith.constant -2147483648 : i32
    %sign3A_810 = vector.broadcast %sign3A_809 : i32 to vector<16xi32>
    %sign3A_811 = arith.andi %sign3A_808, %sign3A_810 : vector<16xi32>
    %sign3A_812 = arith.constant 1065353216 : i32
    %sign3A_813 = vector.broadcast %sign3A_812 : i32 to vector<16xi32>
    %sign3A_814 = arith.ori %sign3A_813, %sign3A_811 : vector<16xi32>
    %sign3A_815 = tpu.bitcast %sign3A_814 : vector<16xi32> -> vector<16xf32>
    %sign3A_816 = math.absf %get3A_790 : vector<16xf32>
    %sign3A_817 = arith.constant 0.000000e+00 : f32
    %sign3A_818 = vector.broadcast %sign3A_817 : f32 to vector<16xf32>
    %sign3A_819 = arith.cmpf ogt, %sign3A_816, %sign3A_818 : vector<16xf32>
    %sign3A_820 = arith.select %sign3A_819, %sign3A_815, %get3A_790 : vector<16xi1>, vector<16xf32>
    %mul3A_821 = arith.constant 1.200000e+00 : f32
    %mul3A_822 = vector.broadcast %mul3A_821 : f32 to vector<16xf32>
    %mul3A_823 = arith.mulf %mul3A_822, %sign3A_820 : vector<16xf32>
    %mul3A_824 = arith.mulf %mul3A_823, %sub3A_807 : vector<16xf32>
    %get3A_825 = arith.constant 80 : index
    %get3A_826 = tpu.vector_load %arg18[%get3A_825] {strides = array<i32>} : memref<128xf32, #tpu.memory_space<vmem>>, vector<16xf32>,
    %get3A_827 = vector.shape_cast %get3A_826 : vector<16xf32> to vector<16xf32>
    %gt3A_828 = arith.constant 0.000000e+00 : f32
    %gt3A_829 = vector.broadcast %gt3A_828 : f32 to vector<16xf32>
    %gt3A_830 = arith.cmpf ogt, %mul3A_824, %gt3A_829 : vector<16xf32>
    %get3A_831 = arith.constant 80 : index
    %get3A_832 = tpu.vector_load %arg20[%get3A_831] {strides = array<i32>} : memref<128xf32, #tpu.memory_space<vmem>>, vector<16xf32>,
    %get3A_833 = vector.shape_cast %get3A_832 : vector<16xf32> to vector<16xf32>
    %get3A_834 = arith.constant 80 : index
    %get3A_835 = tpu.vector_load %arg22[%get3A_834] {strides = array<i32>} : memref<128xf32, #tpu.memory_space<vmem>>, vector<16xf32>,
    %get3A_836 = vector.shape_cast %get3A_835 : vector<16xf32> to vector<16xf32>
    %select_n3A_837 = arith.select %gt3A_830, %get3A_833, %get3A_836 : vector<16xi1>, vector<16xf32>
    %mul3A_838 = arith.mulf %mul3A_824, %select_n3A_837 : vector<16xf32>
    %add3A_839 = arith.addf %get3A_827, %mul3A_838 : vector<16xf32>
    %jit3A_840 = arith.constant -1.000000e+00 : f32
    %jit3A_841 = arith.constant 1.000000e+00 : f32
    %max3A_842 = vector.broadcast %jit3A_840 : f32 to vector<16xf32>
    %max3A_843 = arith.maximumf %max3A_842, %add3A_839 : vector<16xf32>
    %min3A_844 = vector.broadcast %jit3A_841 : f32 to vector<16xf32>
    %min3A_845 = arith.minimumf %min3A_844, %max3A_843 : vector<16xf32>
    %mul3A_846 = arith.constant 9.000000e+01 : f32
    %mul3A_847 = vector.broadcast %mul3A_846 : f32 to vector<16xf32>
    %mul3A_848 = arith.mulf %min3A_845, %mul3A_847 : vector<16xf32>
    %swap3A_849 = arith.constant 80 : index
    %swap3A_850 = tpu.vector_load %arg24[%swap3A_849] {strides = array<i32>} : memref<256xf32, #tpu.memory_space<vmem>>, vector<16xf32>,
    %swap3A_851 = vector.shape_cast %swap3A_850 : vector<16xf32> to vector<16xf32>
    %swap3A_852 = vector.shape_cast %mul3A_848 : vector<16xf32> to vector<16xf32>
    tpu.vector_store %arg24[%swap3A_849], %swap3A_852 {strides = array<i32>} : memref<256xf32, #tpu.memory_space<vmem>>, vector<16xf32>,
    %div3A_853 = arith.constant 1.000000e+00 : f32
    %div3A_854 = vector.broadcast %div3A_853 : f32 to vector<16xf32>
    %div3A_855 = arith.divf %div3A_854, %select_n3A_837 : vector<16xf32>
    %swap3A_856 = arith.constant 80 : index
    %swap3A_857 = tpu.vector_load %arg25[%swap3A_856] {strides = array<i32>} : memref<256xf32, #tpu.memory_space<vmem>>, vector<16xf32>,
    %swap3A_858 = vector.shape_cast %swap3A_857 : vector<16xf32> to vector<16xf32>
    %swap3A_859 = vector.shape_cast %div3A_855 : vector<16xf32> to vector<16xf32>
    tpu.vector_store %arg25[%swap3A_856], %swap3A_859 {strides = array<i32>} : memref<256xf32, #tpu.memory_space<vmem>>, vector<16xf32>,
    %swap3A_860 = arith.constant 80 : index
    %swap3A_861 = tpu.vector_load %arg26[%swap3A_860] {strides = array<i32>} : memref<256xf32, #tpu.memory_space<vmem>>, vector<16xf32>,
    %swap3A_862 = vector.shape_cast %swap3A_861 : vector<16xf32> to vector<16xf32>
    %swap3A_863 = vector.shape_cast %get3A_827 : vector<16xf32> to vector<16xf32>
    tpu.vector_store %arg26[%swap3A_860], %swap3A_863 {strides = array<i32>} : memref<256xf32, #tpu.memory_space<vmem>>, vector<16xf32>,
    %swap3A_864 = arith.constant 80 : index
    %swap3A_865 = tpu.vector_load %arg27[%swap3A_864] {strides = array<i32>} : memref<256xf32, #tpu.memory_space<vmem>>, vector<16xf32>,
    %swap3A_866 = vector.shape_cast %swap3A_865 : vector<16xf32> to vector<16xf32>
    %swap3A_867 = vector.shape_cast %mul3A_824 : vector<16xf32> to vector<16xf32>
    tpu.vector_store %arg27[%swap3A_864], %swap3A_867 {strides = array<i32>} : memref<256xf32, #tpu.memory_space<vmem>>, vector<16xf32>,
    %get3A_868 = arith.constant 96 : index
    %get3A_869 = tpu.vector_load %arg16[%get3A_868] {strides = array<i32>} : memref<128xf32, #tpu.memory_space<vmem>>, vector<16xf32>,
    %get3A_870 = vector.shape_cast %get3A_869 : vector<16xf32> to vector<16xf32>
    %abs3A_871 = math.absf %get3A_870 : vector<16xf32>
    %min3A_872 = arith.constant 3.000000e+01 : f32
    %min3A_873 = vector.broadcast %min3A_872 : f32 to vector<16xf32>
    %min3A_874 = arith.minimumf %abs3A_871, %min3A_873 : vector<16xf32>
    %mul3A_875 = arith.constant 2.000000e+00 : f32
    %mul3A_876 = vector.broadcast %mul3A_875 : f32 to vector<16xf32>
    %mul3A_877 = arith.mulf %mul3A_876, %min3A_874 : vector<16xf32>
    %exp3A_878 = math.exp %mul3A_877 : vector<16xf32>
    %add3A_879 = arith.constant 1.000000e+00 : f32
    %add3A_880 = vector.broadcast %add3A_879 : f32 to vector<16xf32>
    %add3A_881 = arith.addf %exp3A_878, %add3A_880 : vector<16xf32>
    %div3A_882 = arith.constant 2.000000e+00 : f32
    %div3A_883 = vector.broadcast %div3A_882 : f32 to vector<16xf32>
    %div3A_884 = arith.divf %div3A_883, %add3A_881 : vector<16xf32>
    %sub3A_885 = arith.constant 1.000000e+00 : f32
    %sub3A_886 = vector.broadcast %sub3A_885 : f32 to vector<16xf32>
    %sub3A_887 = arith.subf %sub3A_886, %div3A_884 : vector<16xf32>
    %sign3A_888 = tpu.bitcast %get3A_870 : vector<16xf32> -> vector<16xi32>
    %sign3A_889 = arith.constant -2147483648 : i32
    %sign3A_890 = vector.broadcast %sign3A_889 : i32 to vector<16xi32>
    %sign3A_891 = arith.andi %sign3A_888, %sign3A_890 : vector<16xi32>
    %sign3A_892 = arith.constant 1065353216 : i32
    %sign3A_893 = vector.broadcast %sign3A_892 : i32 to vector<16xi32>
    %sign3A_894 = arith.ori %sign3A_893, %sign3A_891 : vector<16xi32>
    %sign3A_895 = tpu.bitcast %sign3A_894 : vector<16xi32> -> vector<16xf32>
    %sign3A_896 = math.absf %get3A_870 : vector<16xf32>
    %sign3A_897 = arith.constant 0.000000e+00 : f32
    %sign3A_898 = vector.broadcast %sign3A_897 : f32 to vector<16xf32>
    %sign3A_899 = arith.cmpf ogt, %sign3A_896, %sign3A_898 : vector<16xf32>
    %sign3A_900 = arith.select %sign3A_899, %sign3A_895, %get3A_870 : vector<16xi1>, vector<16xf32>
    %mul3A_901 = arith.constant 1.200000e+00 : f32
    %mul3A_902 = vector.broadcast %mul3A_901 : f32 to vector<16xf32>
    %mul3A_903 = arith.mulf %mul3A_902, %sign3A_900 : vector<16xf32>
    %mul3A_904 = arith.mulf %mul3A_903, %sub3A_887 : vector<16xf32>
    %get3A_905 = arith.constant 96 : index
    %get3A_906 = tpu.vector_load %arg18[%get3A_905] {strides = array<i32>} : memref<128xf32, #tpu.memory_space<vmem>>, vector<16xf32>,
    %get3A_907 = vector.shape_cast %get3A_906 : vector<16xf32> to vector<16xf32>
    %gt3A_908 = arith.constant 0.000000e+00 : f32
    %gt3A_909 = vector.broadcast %gt3A_908 : f32 to vector<16xf32>
    %gt3A_910 = arith.cmpf ogt, %mul3A_904, %gt3A_909 : vector<16xf32>
    %get3A_911 = arith.constant 96 : index
    %get3A_912 = tpu.vector_load %arg20[%get3A_911] {strides = array<i32>} : memref<128xf32, #tpu.memory_space<vmem>>, vector<16xf32>,
    %get3A_913 = vector.shape_cast %get3A_912 : vector<16xf32> to vector<16xf32>
    %get3A_914 = arith.constant 96 : index
    %get3A_915 = tpu.vector_load %arg22[%get3A_914] {strides = array<i32>} : memref<128xf32, #tpu.memory_space<vmem>>, vector<16xf32>,
    %get3A_916 = vector.shape_cast %get3A_915 : vector<16xf32> to vector<16xf32>
    %select_n3A_917 = arith.select %gt3A_910, %get3A_913, %get3A_916 : vector<16xi1>, vector<16xf32>
    %mul3A_918 = arith.mulf %mul3A_904, %select_n3A_917 : vector<16xf32>
    %add3A_919 = arith.addf %get3A_907, %mul3A_918 : vector<16xf32>
    %jit3A_920 = arith.constant -1.000000e+00 : f32
    %jit3A_921 = arith.constant 1.000000e+00 : f32
    %max3A_922 = vector.broadcast %jit3A_920 : f32 to vector<16xf32>
    %max3A_923 = arith.maximumf %max3A_922, %add3A_919 : vector<16xf32>
    %min3A_924 = vector.broadcast %jit3A_921 : f32 to vector<16xf32>
    %min3A_925 = arith.minimumf %min3A_924, %max3A_923 : vector<16xf32>
    %mul3A_926 = arith.constant 9.000000e+01 : f32
    %mul3A_927 = vector.broadcast %mul3A_926 : f32 to vector<16xf32>
    %mul3A_928 = arith.mulf %min3A_925, %mul3A_927 : vector<16xf32>
    %swap3A_929 = arith.constant 96 : index
    %swap3A_930 = tpu.vector_load %arg24[%swap3A_929] {strides = array<i32>} : memref<256xf32, #tpu.memory_space<vmem>>, vector<16xf32>,
    %swap3A_931 = vector.shape_cast %swap3A_930 : vector<16xf32> to vector<16xf32>
    %swap3A_932 = vector.shape_cast %mul3A_928 : vector<16xf32> to vector<16xf32>
    tpu.vector_store %arg24[%swap3A_929], %swap3A_932 {strides = array<i32>} : memref<256xf32, #tpu.memory_space<vmem>>, vector<16xf32>,
    %div3A_933 = arith.constant 1.000000e+00 : f32
    %div3A_934 = vector.broadcast %div3A_933 : f32 to vector<16xf32>
    %div3A_935 = arith.divf %div3A_934, %select_n3A_917 : vector<16xf32>
    %swap3A_936 = arith.constant 96 : index
    %swap3A_937 = tpu.vector_load %arg25[%swap3A_936] {strides = array<i32>} : memref<256xf32, #tpu.memory_space<vmem>>, vector<16xf32>,
    %swap3A_938 = vector.shape_cast %swap3A_937 : vector<16xf32> to vector<16xf32>
    %swap3A_939 = vector.shape_cast %div3A_935 : vector<16xf32> to vector<16xf32>
    tpu.vector_store %arg25[%swap3A_936], %swap3A_939 {strides = array<i32>} : memref<256xf32, #tpu.memory_space<vmem>>, vector<16xf32>,
    %swap3A_940 = arith.constant 96 : index
    %swap3A_941 = tpu.vector_load %arg26[%swap3A_940] {strides = array<i32>} : memref<256xf32, #tpu.memory_space<vmem>>, vector<16xf32>,
    %swap3A_942 = vector.shape_cast %swap3A_941 : vector<16xf32> to vector<16xf32>
    %swap3A_943 = vector.shape_cast %get3A_907 : vector<16xf32> to vector<16xf32>
    tpu.vector_store %arg26[%swap3A_940], %swap3A_943 {strides = array<i32>} : memref<256xf32, #tpu.memory_space<vmem>>, vector<16xf32>,
    %swap3A_944 = arith.constant 96 : index
    %swap3A_945 = tpu.vector_load %arg27[%swap3A_944] {strides = array<i32>} : memref<256xf32, #tpu.memory_space<vmem>>, vector<16xf32>,
    %swap3A_946 = vector.shape_cast %swap3A_945 : vector<16xf32> to vector<16xf32>
    %swap3A_947 = vector.shape_cast %mul3A_904 : vector<16xf32> to vector<16xf32>
    tpu.vector_store %arg27[%swap3A_944], %swap3A_947 {strides = array<i32>} : memref<256xf32, #tpu.memory_space<vmem>>, vector<16xf32>,
    %get3A_948 = arith.constant 112 : index
    %get3A_949 = tpu.vector_load %arg16[%get3A_948] {strides = array<i32>} : memref<128xf32, #tpu.memory_space<vmem>>, vector<16xf32>,
    %get3A_950 = vector.shape_cast %get3A_949 : vector<16xf32> to vector<16xf32>
    %abs3A_951 = math.absf %get3A_950 : vector<16xf32>
    %min3A_952 = arith.constant 3.000000e+01 : f32
    %min3A_953 = vector.broadcast %min3A_952 : f32 to vector<16xf32>
    %min3A_954 = arith.minimumf %abs3A_951, %min3A_953 : vector<16xf32>
    %mul3A_955 = arith.constant 2.000000e+00 : f32
    %mul3A_956 = vector.broadcast %mul3A_955 : f32 to vector<16xf32>
    %mul3A_957 = arith.mulf %mul3A_956, %min3A_954 : vector<16xf32>
    %exp3A_958 = math.exp %mul3A_957 : vector<16xf32>
    %add3A_959 = arith.constant 1.000000e+00 : f32
    %add3A_960 = vector.broadcast %add3A_959 : f32 to vector<16xf32>
    %add3A_961 = arith.addf %exp3A_958, %add3A_960 : vector<16xf32>
    %div3A_962 = arith.constant 2.000000e+00 : f32
    %div3A_963 = vector.broadcast %div3A_962 : f32 to vector<16xf32>
    %div3A_964 = arith.divf %div3A_963, %add3A_961 : vector<16xf32>
    %sub3A_965 = arith.constant 1.000000e+00 : f32
    %sub3A_966 = vector.broadcast %sub3A_965 : f32 to vector<16xf32>
    %sub3A_967 = arith.subf %sub3A_966, %div3A_964 : vector<16xf32>
    %sign3A_968 = tpu.bitcast %get3A_950 : vector<16xf32> -> vector<16xi32>
    %sign3A_969 = arith.constant -2147483648 : i32
    %sign3A_970 = vector.broadcast %sign3A_969 : i32 to vector<16xi32>
    %sign3A_971 = arith.andi %sign3A_968, %sign3A_970 : vector<16xi32>
    %sign3A_972 = arith.constant 1065353216 : i32
    %sign3A_973 = vector.broadcast %sign3A_972 : i32 to vector<16xi32>
    %sign3A_974 = arith.ori %sign3A_973, %sign3A_971 : vector<16xi32>
    %sign3A_975 = tpu.bitcast %sign3A_974 : vector<16xi32> -> vector<16xf32>
    %sign3A_976 = math.absf %get3A_950 : vector<16xf32>
    %sign3A_977 = arith.constant 0.000000e+00 : f32
    %sign3A_978 = vector.broadcast %sign3A_977 : f32 to vector<16xf32>
    %sign3A_979 = arith.cmpf ogt, %sign3A_976, %sign3A_978 : vector<16xf32>
    %sign3A_980 = arith.select %sign3A_979, %sign3A_975, %get3A_950 : vector<16xi1>, vector<16xf32>
    %mul3A_981 = arith.constant 1.200000e+00 : f32
    %mul3A_982 = vector.broadcast %mul3A_981 : f32 to vector<16xf32>
    %mul3A_983 = arith.mulf %mul3A_982, %sign3A_980 : vector<16xf32>
    %mul3A_984 = arith.mulf %mul3A_983, %sub3A_967 : vector<16xf32>
    %get3A_985 = arith.constant 112 : index
    %get3A_986 = tpu.vector_load %arg18[%get3A_985] {strides = array<i32>} : memref<128xf32, #tpu.memory_space<vmem>>, vector<16xf32>,
    %get3A_987 = vector.shape_cast %get3A_986 : vector<16xf32> to vector<16xf32>
    %gt3A_988 = arith.constant 0.000000e+00 : f32
    %gt3A_989 = vector.broadcast %gt3A_988 : f32 to vector<16xf32>
    %gt3A_990 = arith.cmpf ogt, %mul3A_984, %gt3A_989 : vector<16xf32>
    %get3A_991 = arith.constant 112 : index
    %get3A_992 = tpu.vector_load %arg20[%get3A_991] {strides = array<i32>} : memref<128xf32, #tpu.memory_space<vmem>>, vector<16xf32>,
    %get3A_993 = vector.shape_cast %get3A_992 : vector<16xf32> to vector<16xf32>
    %get3A_994 = arith.constant 112 : index
    %get3A_995 = tpu.vector_load %arg22[%get3A_994] {strides = array<i32>} : memref<128xf32, #tpu.memory_space<vmem>>, vector<16xf32>,
    %get3A_996 = vector.shape_cast %get3A_995 : vector<16xf32> to vector<16xf32>
    %select_n3A_997 = arith.select %gt3A_990, %get3A_993, %get3A_996 : vector<16xi1>, vector<16xf32>
    %mul3A_998 = arith.mulf %mul3A_984, %select_n3A_997 : vector<16xf32>
    %add3A_999 = arith.addf %get3A_987, %mul3A_998 : vector<16xf32>
    %jit3A_1000 = arith.constant -1.000000e+00 : f32
    %jit3A_1001 = arith.constant 1.000000e+00 : f32
    %max3A_1002 = vector.broadcast %jit3A_1000 : f32 to vector<16xf32>
    %max3A_1003 = arith.maximumf %max3A_1002, %add3A_999 : vector<16xf32>
    %min3A_1004 = vector.broadcast %jit3A_1001 : f32 to vector<16xf32>
    %min3A_1005 = arith.minimumf %min3A_1004, %max3A_1003 : vector<16xf32>
    %mul3A_1006 = arith.constant 9.000000e+01 : f32
    %mul3A_1007 = vector.broadcast %mul3A_1006 : f32 to vector<16xf32>
    %mul3A_1008 = arith.mulf %min3A_1005, %mul3A_1007 : vector<16xf32>
    %swap3A_1009 = arith.constant 112 : index
    %swap3A_1010 = tpu.vector_load %arg24[%swap3A_1009] {strides = array<i32>} : memref<256xf32, #tpu.memory_space<vmem>>, vector<16xf32>,
    %swap3A_1011 = vector.shape_cast %swap3A_1010 : vector<16xf32> to vector<16xf32>
    %swap3A_1012 = vector.shape_cast %mul3A_1008 : vector<16xf32> to vector<16xf32>
    tpu.vector_store %arg24[%swap3A_1009], %swap3A_1012 {strides = array<i32>} : memref<256xf32, #tpu.memory_space<vmem>>, vector<16xf32>,
    %div3A_1013 = arith.constant 1.000000e+00 : f32
    %div3A_1014 = vector.broadcast %div3A_1013 : f32 to vector<16xf32>
    %div3A_1015 = arith.divf %div3A_1014, %select_n3A_997 : vector<16xf32>
    %swap3A_1016 = arith.constant 112 : index
    %swap3A_1017 = tpu.vector_load %arg25[%swap3A_1016] {strides = array<i32>} : memref<256xf32, #tpu.memory_space<vmem>>, vector<16xf32>,
    %swap3A_1018 = vector.shape_cast %swap3A_1017 : vector<16xf32> to vector<16xf32>
    %swap3A_1019 = vector.shape_cast %div3A_1015 : vector<16xf32> to vector<16xf32>
    tpu.vector_store %arg25[%swap3A_1016], %swap3A_1019 {strides = array<i32>} : memref<256xf32, #tpu.memory_space<vmem>>, vector<16xf32>,
    %swap3A_1020 = arith.constant 112 : index
    %swap3A_1021 = tpu.vector_load %arg26[%swap3A_1020] {strides = array<i32>} : memref<256xf32, #tpu.memory_space<vmem>>, vector<16xf32>,
    %swap3A_1022 = vector.shape_cast %swap3A_1021 : vector<16xf32> to vector<16xf32>
    %swap3A_1023 = vector.shape_cast %get3A_987 : vector<16xf32> to vector<16xf32>
    tpu.vector_store %arg26[%swap3A_1020], %swap3A_1023 {strides = array<i32>} : memref<256xf32, #tpu.memory_space<vmem>>, vector<16xf32>,
    %swap3A_1024 = arith.constant 112 : index
    %swap3A_1025 = tpu.vector_load %arg27[%swap3A_1024] {strides = array<i32>} : memref<256xf32, #tpu.memory_space<vmem>>, vector<16xf32>,
    %swap3A_1026 = vector.shape_cast %swap3A_1025 : vector<16xf32> to vector<16xf32>
    %swap3A_1027 = vector.shape_cast %mul3A_984 : vector<16xf32> to vector<16xf32>
    tpu.vector_store %arg27[%swap3A_1024], %swap3A_1027 {strides = array<i32>} : memref<256xf32, #tpu.memory_space<vmem>>, vector<16xf32>,
    %get3A_1028 = arith.constant 0 : index
    %get3A_1029 = tpu.vector_load %arg17[%get3A_1028] {strides = array<i32>} : memref<128xf32, #tpu.memory_space<vmem>>, vector<16xf32>,
    %get3A_1030 = vector.shape_cast %get3A_1029 : vector<16xf32> to vector<16xf32>
    %abs3A_1031 = math.absf %get3A_1030 : vector<16xf32>
    %min3A_1032 = arith.constant 3.000000e+01 : f32
    %min3A_1033 = vector.broadcast %min3A_1032 : f32 to vector<16xf32>
    %min3A_1034 = arith.minimumf %abs3A_1031, %min3A_1033 : vector<16xf32>
    %mul3A_1035 = arith.constant 2.000000e+00 : f32
    %mul3A_1036 = vector.broadcast %mul3A_1035 : f32 to vector<16xf32>
    %mul3A_1037 = arith.mulf %mul3A_1036, %min3A_1034 : vector<16xf32>
    %exp3A_1038 = math.exp %mul3A_1037 : vector<16xf32>
    %add3A_1039 = arith.constant 1.000000e+00 : f32
    %add3A_1040 = vector.broadcast %add3A_1039 : f32 to vector<16xf32>
    %add3A_1041 = arith.addf %exp3A_1038, %add3A_1040 : vector<16xf32>
    %div3A_1042 = arith.constant 2.000000e+00 : f32
    %div3A_1043 = vector.broadcast %div3A_1042 : f32 to vector<16xf32>
    %div3A_1044 = arith.divf %div3A_1043, %add3A_1041 : vector<16xf32>
    %sub3A_1045 = arith.constant 1.000000e+00 : f32
    %sub3A_1046 = vector.broadcast %sub3A_1045 : f32 to vector<16xf32>
    %sub3A_1047 = arith.subf %sub3A_1046, %div3A_1044 : vector<16xf32>
    %sign3A_1048 = tpu.bitcast %get3A_1030 : vector<16xf32> -> vector<16xi32>
    %sign3A_1049 = arith.constant -2147483648 : i32
    %sign3A_1050 = vector.broadcast %sign3A_1049 : i32 to vector<16xi32>
    %sign3A_1051 = arith.andi %sign3A_1048, %sign3A_1050 : vector<16xi32>
    %sign3A_1052 = arith.constant 1065353216 : i32
    %sign3A_1053 = vector.broadcast %sign3A_1052 : i32 to vector<16xi32>
    %sign3A_1054 = arith.ori %sign3A_1053, %sign3A_1051 : vector<16xi32>
    %sign3A_1055 = tpu.bitcast %sign3A_1054 : vector<16xi32> -> vector<16xf32>
    %sign3A_1056 = math.absf %get3A_1030 : vector<16xf32>
    %sign3A_1057 = arith.constant 0.000000e+00 : f32
    %sign3A_1058 = vector.broadcast %sign3A_1057 : f32 to vector<16xf32>
    %sign3A_1059 = arith.cmpf ogt, %sign3A_1056, %sign3A_1058 : vector<16xf32>
    %sign3A_1060 = arith.select %sign3A_1059, %sign3A_1055, %get3A_1030 : vector<16xi1>, vector<16xf32>
    %mul3A_1061 = arith.constant 1.200000e+00 : f32
    %mul3A_1062 = vector.broadcast %mul3A_1061 : f32 to vector<16xf32>
    %mul3A_1063 = arith.mulf %mul3A_1062, %sign3A_1060 : vector<16xf32>
    %mul3A_1064 = arith.mulf %mul3A_1063, %sub3A_1047 : vector<16xf32>
    %get3A_1065 = arith.constant 0 : index
    %get3A_1066 = tpu.vector_load %arg19[%get3A_1065] {strides = array<i32>} : memref<128xf32, #tpu.memory_space<vmem>>, vector<16xf32>,
    %get3A_1067 = vector.shape_cast %get3A_1066 : vector<16xf32> to vector<16xf32>
    %gt3A_1068 = arith.constant 0.000000e+00 : f32
    %gt3A_1069 = vector.broadcast %gt3A_1068 : f32 to vector<16xf32>
    %gt3A_1070 = arith.cmpf ogt, %mul3A_1064, %gt3A_1069 : vector<16xf32>
    %get3A_1071 = arith.constant 0 : index
    %get3A_1072 = tpu.vector_load %arg21[%get3A_1071] {strides = array<i32>} : memref<128xf32, #tpu.memory_space<vmem>>, vector<16xf32>,
    %get3A_1073 = vector.shape_cast %get3A_1072 : vector<16xf32> to vector<16xf32>
    %get3A_1074 = arith.constant 0 : index
    %get3A_1075 = tpu.vector_load %arg23[%get3A_1074] {strides = array<i32>} : memref<128xf32, #tpu.memory_space<vmem>>, vector<16xf32>,
    %get3A_1076 = vector.shape_cast %get3A_1075 : vector<16xf32> to vector<16xf32>
    %select_n3A_1077 = arith.select %gt3A_1070, %get3A_1073, %get3A_1076 : vector<16xi1>, vector<16xf32>
    %mul3A_1078 = arith.mulf %mul3A_1064, %select_n3A_1077 : vector<16xf32>
    %add3A_1079 = arith.addf %get3A_1067, %mul3A_1078 : vector<16xf32>
    %jit3A_1080 = arith.constant -1.000000e+00 : f32
    %jit3A_1081 = arith.constant 1.000000e+00 : f32
    %max3A_1082 = vector.broadcast %jit3A_1080 : f32 to vector<16xf32>
    %max3A_1083 = arith.maximumf %max3A_1082, %add3A_1079 : vector<16xf32>
    %min3A_1084 = vector.broadcast %jit3A_1081 : f32 to vector<16xf32>
    %min3A_1085 = arith.minimumf %min3A_1084, %max3A_1083 : vector<16xf32>
    %mul3A_1086 = arith.constant 1.800000e+02 : f32
    %mul3A_1087 = vector.broadcast %mul3A_1086 : f32 to vector<16xf32>
    %mul3A_1088 = arith.mulf %min3A_1085, %mul3A_1087 : vector<16xf32>
    %swap3A_1089 = arith.constant 128 : index
    %swap3A_1090 = tpu.vector_load %arg24[%swap3A_1089] {strides = array<i32>} : memref<256xf32, #tpu.memory_space<vmem>>, vector<16xf32>,
    %swap3A_1091 = vector.shape_cast %swap3A_1090 : vector<16xf32> to vector<16xf32>
    %swap3A_1092 = vector.shape_cast %mul3A_1088 : vector<16xf32> to vector<16xf32>
    tpu.vector_store %arg24[%swap3A_1089], %swap3A_1092 {strides = array<i32>} : memref<256xf32, #tpu.memory_space<vmem>>, vector<16xf32>,
    %div3A_1093 = arith.constant 1.000000e+00 : f32
    %div3A_1094 = vector.broadcast %div3A_1093 : f32 to vector<16xf32>
    %div3A_1095 = arith.divf %div3A_1094, %select_n3A_1077 : vector<16xf32>
    %swap3A_1096 = arith.constant 128 : index
    %swap3A_1097 = tpu.vector_load %arg25[%swap3A_1096] {strides = array<i32>} : memref<256xf32, #tpu.memory_space<vmem>>, vector<16xf32>,
    %swap3A_1098 = vector.shape_cast %swap3A_1097 : vector<16xf32> to vector<16xf32>
    %swap3A_1099 = vector.shape_cast %div3A_1095 : vector<16xf32> to vector<16xf32>
    tpu.vector_store %arg25[%swap3A_1096], %swap3A_1099 {strides = array<i32>} : memref<256xf32, #tpu.memory_space<vmem>>, vector<16xf32>,
    %swap3A_1100 = arith.constant 128 : index
    %swap3A_1101 = tpu.vector_load %arg26[%swap3A_1100] {strides = array<i32>} : memref<256xf32, #tpu.memory_space<vmem>>, vector<16xf32>,
    %swap3A_1102 = vector.shape_cast %swap3A_1101 : vector<16xf32> to vector<16xf32>
    %swap3A_1103 = vector.shape_cast %get3A_1067 : vector<16xf32> to vector<16xf32>
    tpu.vector_store %arg26[%swap3A_1100], %swap3A_1103 {strides = array<i32>} : memref<256xf32, #tpu.memory_space<vmem>>, vector<16xf32>,
    %swap3A_1104 = arith.constant 128 : index
    %swap3A_1105 = tpu.vector_load %arg27[%swap3A_1104] {strides = array<i32>} : memref<256xf32, #tpu.memory_space<vmem>>, vector<16xf32>,
    %swap3A_1106 = vector.shape_cast %swap3A_1105 : vector<16xf32> to vector<16xf32>
    %swap3A_1107 = vector.shape_cast %mul3A_1064 : vector<16xf32> to vector<16xf32>
    tpu.vector_store %arg27[%swap3A_1104], %swap3A_1107 {strides = array<i32>} : memref<256xf32, #tpu.memory_space<vmem>>, vector<16xf32>,
    %get3A_1108 = arith.constant 16 : index
    %get3A_1109 = tpu.vector_load %arg17[%get3A_1108] {strides = array<i32>} : memref<128xf32, #tpu.memory_space<vmem>>, vector<16xf32>,
    %get3A_1110 = vector.shape_cast %get3A_1109 : vector<16xf32> to vector<16xf32>
    %abs3A_1111 = math.absf %get3A_1110 : vector<16xf32>
    %min3A_1112 = arith.constant 3.000000e+01 : f32
    %min3A_1113 = vector.broadcast %min3A_1112 : f32 to vector<16xf32>
    %min3A_1114 = arith.minimumf %abs3A_1111, %min3A_1113 : vector<16xf32>
    %mul3A_1115 = arith.constant 2.000000e+00 : f32
    %mul3A_1116 = vector.broadcast %mul3A_1115 : f32 to vector<16xf32>
    %mul3A_1117 = arith.mulf %mul3A_1116, %min3A_1114 : vector<16xf32>
    %exp3A_1118 = math.exp %mul3A_1117 : vector<16xf32>
    %add3A_1119 = arith.constant 1.000000e+00 : f32
    %add3A_1120 = vector.broadcast %add3A_1119 : f32 to vector<16xf32>
    %add3A_1121 = arith.addf %exp3A_1118, %add3A_1120 : vector<16xf32>
    %div3A_1122 = arith.constant 2.000000e+00 : f32
    %div3A_1123 = vector.broadcast %div3A_1122 : f32 to vector<16xf32>
    %div3A_1124 = arith.divf %div3A_1123, %add3A_1121 : vector<16xf32>
    %sub3A_1125 = arith.constant 1.000000e+00 : f32
    %sub3A_1126 = vector.broadcast %sub3A_1125 : f32 to vector<16xf32>
    %sub3A_1127 = arith.subf %sub3A_1126, %div3A_1124 : vector<16xf32>
    %sign3A_1128 = tpu.bitcast %get3A_1110 : vector<16xf32> -> vector<16xi32>
    %sign3A_1129 = arith.constant -2147483648 : i32
    %sign3A_1130 = vector.broadcast %sign3A_1129 : i32 to vector<16xi32>
    %sign3A_1131 = arith.andi %sign3A_1128, %sign3A_1130 : vector<16xi32>
    %sign3A_1132 = arith.constant 1065353216 : i32
    %sign3A_1133 = vector.broadcast %sign3A_1132 : i32 to vector<16xi32>
    %sign3A_1134 = arith.ori %sign3A_1133, %sign3A_1131 : vector<16xi32>
    %sign3A_1135 = tpu.bitcast %sign3A_1134 : vector<16xi32> -> vector<16xf32>
    %sign3A_1136 = math.absf %get3A_1110 : vector<16xf32>
    %sign3A_1137 = arith.constant 0.000000e+00 : f32
    %sign3A_1138 = vector.broadcast %sign3A_1137 : f32 to vector<16xf32>
    %sign3A_1139 = arith.cmpf ogt, %sign3A_1136, %sign3A_1138 : vector<16xf32>
    %sign3A_1140 = arith.select %sign3A_1139, %sign3A_1135, %get3A_1110 : vector<16xi1>, vector<16xf32>
    %mul3A_1141 = arith.constant 1.200000e+00 : f32
    %mul3A_1142 = vector.broadcast %mul3A_1141 : f32 to vector<16xf32>
    %mul3A_1143 = arith.mulf %mul3A_1142, %sign3A_1140 : vector<16xf32>
    %mul3A_1144 = arith.mulf %mul3A_1143, %sub3A_1127 : vector<16xf32>
    %get3A_1145 = arith.constant 16 : index
    %get3A_1146 = tpu.vector_load %arg19[%get3A_1145] {strides = array<i32>} : memref<128xf32, #tpu.memory_space<vmem>>, vector<16xf32>,
    %get3A_1147 = vector.shape_cast %get3A_1146 : vector<16xf32> to vector<16xf32>
    %gt3A_1148 = arith.constant 0.000000e+00 : f32
    %gt3A_1149 = vector.broadcast %gt3A_1148 : f32 to vector<16xf32>
    %gt3A_1150 = arith.cmpf ogt, %mul3A_1144, %gt3A_1149 : vector<16xf32>
    %get3A_1151 = arith.constant 16 : index
    %get3A_1152 = tpu.vector_load %arg21[%get3A_1151] {strides = array<i32>} : memref<128xf32, #tpu.memory_space<vmem>>, vector<16xf32>,
    %get3A_1153 = vector.shape_cast %get3A_1152 : vector<16xf32> to vector<16xf32>
    %get3A_1154 = arith.constant 16 : index
    %get3A_1155 = tpu.vector_load %arg23[%get3A_1154] {strides = array<i32>} : memref<128xf32, #tpu.memory_space<vmem>>, vector<16xf32>,
    %get3A_1156 = vector.shape_cast %get3A_1155 : vector<16xf32> to vector<16xf32>
    %select_n3A_1157 = arith.select %gt3A_1150, %get3A_1153, %get3A_1156 : vector<16xi1>, vector<16xf32>
    %mul3A_1158 = arith.mulf %mul3A_1144, %select_n3A_1157 : vector<16xf32>
    %add3A_1159 = arith.addf %get3A_1147, %mul3A_1158 : vector<16xf32>
    %jit3A_1160 = arith.constant -1.000000e+00 : f32
    %jit3A_1161 = arith.constant 1.000000e+00 : f32
    %max3A_1162 = vector.broadcast %jit3A_1160 : f32 to vector<16xf32>
    %max3A_1163 = arith.maximumf %max3A_1162, %add3A_1159 : vector<16xf32>
    %min3A_1164 = vector.broadcast %jit3A_1161 : f32 to vector<16xf32>
    %min3A_1165 = arith.minimumf %min3A_1164, %max3A_1163 : vector<16xf32>
    %mul3A_1166 = arith.constant 1.800000e+02 : f32
    %mul3A_1167 = vector.broadcast %mul3A_1166 : f32 to vector<16xf32>
    %mul3A_1168 = arith.mulf %min3A_1165, %mul3A_1167 : vector<16xf32>
    %swap3A_1169 = arith.constant 144 : index
    %swap3A_1170 = tpu.vector_load %arg24[%swap3A_1169] {strides = array<i32>} : memref<256xf32, #tpu.memory_space<vmem>>, vector<16xf32>,
    %swap3A_1171 = vector.shape_cast %swap3A_1170 : vector<16xf32> to vector<16xf32>
    %swap3A_1172 = vector.shape_cast %mul3A_1168 : vector<16xf32> to vector<16xf32>
    tpu.vector_store %arg24[%swap3A_1169], %swap3A_1172 {strides = array<i32>} : memref<256xf32, #tpu.memory_space<vmem>>, vector<16xf32>,
    %div3A_1173 = arith.constant 1.000000e+00 : f32
    %div3A_1174 = vector.broadcast %div3A_1173 : f32 to vector<16xf32>
    %div3A_1175 = arith.divf %div3A_1174, %select_n3A_1157 : vector<16xf32>
    %swap3A_1176 = arith.constant 144 : index
    %swap3A_1177 = tpu.vector_load %arg25[%swap3A_1176] {strides = array<i32>} : memref<256xf32, #tpu.memory_space<vmem>>, vector<16xf32>,
    %swap3A_1178 = vector.shape_cast %swap3A_1177 : vector<16xf32> to vector<16xf32>
    %swap3A_1179 = vector.shape_cast %div3A_1175 : vector<16xf32> to vector<16xf32>
    tpu.vector_store %arg25[%swap3A_1176], %swap3A_1179 {strides = array<i32>} : memref<256xf32, #tpu.memory_space<vmem>>, vector<16xf32>,
    %swap3A_1180 = arith.constant 144 : index
    %swap3A_1181 = tpu.vector_load %arg26[%swap3A_1180] {strides = array<i32>} : memref<256xf32, #tpu.memory_space<vmem>>, vector<16xf32>,
    %swap3A_1182 = vector.shape_cast %swap3A_1181 : vector<16xf32> to vector<16xf32>
    %swap3A_1183 = vector.shape_cast %get3A_1147 : vector<16xf32> to vector<16xf32>
    tpu.vector_store %arg26[%swap3A_1180], %swap3A_1183 {strides = array<i32>} : memref<256xf32, #tpu.memory_space<vmem>>, vector<16xf32>,
    %swap3A_1184 = arith.constant 144 : index
    %swap3A_1185 = tpu.vector_load %arg27[%swap3A_1184] {strides = array<i32>} : memref<256xf32, #tpu.memory_space<vmem>>, vector<16xf32>,
    %swap3A_1186 = vector.shape_cast %swap3A_1185 : vector<16xf32> to vector<16xf32>
    %swap3A_1187 = vector.shape_cast %mul3A_1144 : vector<16xf32> to vector<16xf32>
    tpu.vector_store %arg27[%swap3A_1184], %swap3A_1187 {strides = array<i32>} : memref<256xf32, #tpu.memory_space<vmem>>, vector<16xf32>,
    %get3A_1188 = arith.constant 32 : index
    %get3A_1189 = tpu.vector_load %arg17[%get3A_1188] {strides = array<i32>} : memref<128xf32, #tpu.memory_space<vmem>>, vector<16xf32>,
    %get3A_1190 = vector.shape_cast %get3A_1189 : vector<16xf32> to vector<16xf32>
    %abs3A_1191 = math.absf %get3A_1190 : vector<16xf32>
    %min3A_1192 = arith.constant 3.000000e+01 : f32
    %min3A_1193 = vector.broadcast %min3A_1192 : f32 to vector<16xf32>
    %min3A_1194 = arith.minimumf %abs3A_1191, %min3A_1193 : vector<16xf32>
    %mul3A_1195 = arith.constant 2.000000e+00 : f32
    %mul3A_1196 = vector.broadcast %mul3A_1195 : f32 to vector<16xf32>
    %mul3A_1197 = arith.mulf %mul3A_1196, %min3A_1194 : vector<16xf32>
    %exp3A_1198 = math.exp %mul3A_1197 : vector<16xf32>
    %add3A_1199 = arith.constant 1.000000e+00 : f32
    %add3A_1200 = vector.broadcast %add3A_1199 : f32 to vector<16xf32>
    %add3A_1201 = arith.addf %exp3A_1198, %add3A_1200 : vector<16xf32>
    %div3A_1202 = arith.constant 2.000000e+00 : f32
    %div3A_1203 = vector.broadcast %div3A_1202 : f32 to vector<16xf32>
    %div3A_1204 = arith.divf %div3A_1203, %add3A_1201 : vector<16xf32>
    %sub3A_1205 = arith.constant 1.000000e+00 : f32
    %sub3A_1206 = vector.broadcast %sub3A_1205 : f32 to vector<16xf32>
    %sub3A_1207 = arith.subf %sub3A_1206, %div3A_1204 : vector<16xf32>
    %sign3A_1208 = tpu.bitcast %get3A_1190 : vector<16xf32> -> vector<16xi32>
    %sign3A_1209 = arith.constant -2147483648 : i32
    %sign3A_1210 = vector.broadcast %sign3A_1209 : i32 to vector<16xi32>
    %sign3A_1211 = arith.andi %sign3A_1208, %sign3A_1210 : vector<16xi32>
    %sign3A_1212 = arith.constant 1065353216 : i32
    %sign3A_1213 = vector.broadcast %sign3A_1212 : i32 to vector<16xi32>
    %sign3A_1214 = arith.ori %sign3A_1213, %sign3A_1211 : vector<16xi32>
    %sign3A_1215 = tpu.bitcast %sign3A_1214 : vector<16xi32> -> vector<16xf32>
    %sign3A_1216 = math.absf %get3A_1190 : vector<16xf32>
    %sign3A_1217 = arith.constant 0.000000e+00 : f32
    %sign3A_1218 = vector.broadcast %sign3A_1217 : f32 to vector<16xf32>
    %sign3A_1219 = arith.cmpf ogt, %sign3A_1216, %sign3A_1218 : vector<16xf32>
    %sign3A_1220 = arith.select %sign3A_1219, %sign3A_1215, %get3A_1190 : vector<16xi1>, vector<16xf32>
    %mul3A_1221 = arith.constant 1.200000e+00 : f32
    %mul3A_1222 = vector.broadcast %mul3A_1221 : f32 to vector<16xf32>
    %mul3A_1223 = arith.mulf %mul3A_1222, %sign3A_1220 : vector<16xf32>
    %mul3A_1224 = arith.mulf %mul3A_1223, %sub3A_1207 : vector<16xf32>
    %get3A_1225 = arith.constant 32 : index
    %get3A_1226 = tpu.vector_load %arg19[%get3A_1225] {strides = array<i32>} : memref<128xf32, #tpu.memory_space<vmem>>, vector<16xf32>,
    %get3A_1227 = vector.shape_cast %get3A_1226 : vector<16xf32> to vector<16xf32>
    %gt3A_1228 = arith.constant 0.000000e+00 : f32
    %gt3A_1229 = vector.broadcast %gt3A_1228 : f32 to vector<16xf32>
    %gt3A_1230 = arith.cmpf ogt, %mul3A_1224, %gt3A_1229 : vector<16xf32>
    %get3A_1231 = arith.constant 32 : index
    %get3A_1232 = tpu.vector_load %arg21[%get3A_1231] {strides = array<i32>} : memref<128xf32, #tpu.memory_space<vmem>>, vector<16xf32>,
    %get3A_1233 = vector.shape_cast %get3A_1232 : vector<16xf32> to vector<16xf32>
    %get3A_1234 = arith.constant 32 : index
    %get3A_1235 = tpu.vector_load %arg23[%get3A_1234] {strides = array<i32>} : memref<128xf32, #tpu.memory_space<vmem>>, vector<16xf32>,
    %get3A_1236 = vector.shape_cast %get3A_1235 : vector<16xf32> to vector<16xf32>
    %select_n3A_1237 = arith.select %gt3A_1230, %get3A_1233, %get3A_1236 : vector<16xi1>, vector<16xf32>
    %mul3A_1238 = arith.mulf %mul3A_1224, %select_n3A_1237 : vector<16xf32>
    %add3A_1239 = arith.addf %get3A_1227, %mul3A_1238 : vector<16xf32>
    %jit3A_1240 = arith.constant -1.000000e+00 : f32
    %jit3A_1241 = arith.constant 1.000000e+00 : f32
    %max3A_1242 = vector.broadcast %jit3A_1240 : f32 to vector<16xf32>
    %max3A_1243 = arith.maximumf %max3A_1242, %add3A_1239 : vector<16xf32>
    %min3A_1244 = vector.broadcast %jit3A_1241 : f32 to vector<16xf32>
    %min3A_1245 = arith.minimumf %min3A_1244, %max3A_1243 : vector<16xf32>
    %mul3A_1246 = arith.constant 1.800000e+02 : f32
    %mul3A_1247 = vector.broadcast %mul3A_1246 : f32 to vector<16xf32>
    %mul3A_1248 = arith.mulf %min3A_1245, %mul3A_1247 : vector<16xf32>
    %swap3A_1249 = arith.constant 160 : index
    %swap3A_1250 = tpu.vector_load %arg24[%swap3A_1249] {strides = array<i32>} : memref<256xf32, #tpu.memory_space<vmem>>, vector<16xf32>,
    %swap3A_1251 = vector.shape_cast %swap3A_1250 : vector<16xf32> to vector<16xf32>
    %swap3A_1252 = vector.shape_cast %mul3A_1248 : vector<16xf32> to vector<16xf32>
    tpu.vector_store %arg24[%swap3A_1249], %swap3A_1252 {strides = array<i32>} : memref<256xf32, #tpu.memory_space<vmem>>, vector<16xf32>,
    %div3A_1253 = arith.constant 1.000000e+00 : f32
    %div3A_1254 = vector.broadcast %div3A_1253 : f32 to vector<16xf32>
    %div3A_1255 = arith.divf %div3A_1254, %select_n3A_1237 : vector<16xf32>
    %swap3A_1256 = arith.constant 160 : index
    %swap3A_1257 = tpu.vector_load %arg25[%swap3A_1256] {strides = array<i32>} : memref<256xf32, #tpu.memory_space<vmem>>, vector<16xf32>,
    %swap3A_1258 = vector.shape_cast %swap3A_1257 : vector<16xf32> to vector<16xf32>
    %swap3A_1259 = vector.shape_cast %div3A_1255 : vector<16xf32> to vector<16xf32>
    tpu.vector_store %arg25[%swap3A_1256], %swap3A_1259 {strides = array<i32>} : memref<256xf32, #tpu.memory_space<vmem>>, vector<16xf32>,
    %swap3A_1260 = arith.constant 160 : index
    %swap3A_1261 = tpu.vector_load %arg26[%swap3A_1260] {strides = array<i32>} : memref<256xf32, #tpu.memory_space<vmem>>, vector<16xf32>,
    %swap3A_1262 = vector.shape_cast %swap3A_1261 : vector<16xf32> to vector<16xf32>
    %swap3A_1263 = vector.shape_cast %get3A_1227 : vector<16xf32> to vector<16xf32>
    tpu.vector_store %arg26[%swap3A_1260], %swap3A_1263 {strides = array<i32>} : memref<256xf32, #tpu.memory_space<vmem>>, vector<16xf32>,
    %swap3A_1264 = arith.constant 160 : index
    %swap3A_1265 = tpu.vector_load %arg27[%swap3A_1264] {strides = array<i32>} : memref<256xf32, #tpu.memory_space<vmem>>, vector<16xf32>,
    %swap3A_1266 = vector.shape_cast %swap3A_1265 : vector<16xf32> to vector<16xf32>
    %swap3A_1267 = vector.shape_cast %mul3A_1224 : vector<16xf32> to vector<16xf32>
    tpu.vector_store %arg27[%swap3A_1264], %swap3A_1267 {strides = array<i32>} : memref<256xf32, #tpu.memory_space<vmem>>, vector<16xf32>,
    %get3A_1268 = arith.constant 48 : index
    %get3A_1269 = tpu.vector_load %arg17[%get3A_1268] {strides = array<i32>} : memref<128xf32, #tpu.memory_space<vmem>>, vector<16xf32>,
    %get3A_1270 = vector.shape_cast %get3A_1269 : vector<16xf32> to vector<16xf32>
    %abs3A_1271 = math.absf %get3A_1270 : vector<16xf32>
    %min3A_1272 = arith.constant 3.000000e+01 : f32
    %min3A_1273 = vector.broadcast %min3A_1272 : f32 to vector<16xf32>
    %min3A_1274 = arith.minimumf %abs3A_1271, %min3A_1273 : vector<16xf32>
    %mul3A_1275 = arith.constant 2.000000e+00 : f32
    %mul3A_1276 = vector.broadcast %mul3A_1275 : f32 to vector<16xf32>
    %mul3A_1277 = arith.mulf %mul3A_1276, %min3A_1274 : vector<16xf32>
    %exp3A_1278 = math.exp %mul3A_1277 : vector<16xf32>
    %add3A_1279 = arith.constant 1.000000e+00 : f32
    %add3A_1280 = vector.broadcast %add3A_1279 : f32 to vector<16xf32>
    %add3A_1281 = arith.addf %exp3A_1278, %add3A_1280 : vector<16xf32>
    %div3A_1282 = arith.constant 2.000000e+00 : f32
    %div3A_1283 = vector.broadcast %div3A_1282 : f32 to vector<16xf32>
    %div3A_1284 = arith.divf %div3A_1283, %add3A_1281 : vector<16xf32>
    %sub3A_1285 = arith.constant 1.000000e+00 : f32
    %sub3A_1286 = vector.broadcast %sub3A_1285 : f32 to vector<16xf32>
    %sub3A_1287 = arith.subf %sub3A_1286, %div3A_1284 : vector<16xf32>
    %sign3A_1288 = tpu.bitcast %get3A_1270 : vector<16xf32> -> vector<16xi32>
    %sign3A_1289 = arith.constant -2147483648 : i32
    %sign3A_1290 = vector.broadcast %sign3A_1289 : i32 to vector<16xi32>
    %sign3A_1291 = arith.andi %sign3A_1288, %sign3A_1290 : vector<16xi32>
    %sign3A_1292 = arith.constant 1065353216 : i32
    %sign3A_1293 = vector.broadcast %sign3A_1292 : i32 to vector<16xi32>
    %sign3A_1294 = arith.ori %sign3A_1293, %sign3A_1291 : vector<16xi32>
    %sign3A_1295 = tpu.bitcast %sign3A_1294 : vector<16xi32> -> vector<16xf32>
    %sign3A_1296 = math.absf %get3A_1270 : vector<16xf32>
    %sign3A_1297 = arith.constant 0.000000e+00 : f32
    %sign3A_1298 = vector.broadcast %sign3A_1297 : f32 to vector<16xf32>
    %sign3A_1299 = arith.cmpf ogt, %sign3A_1296, %sign3A_1298 : vector<16xf32>
    %sign3A_1300 = arith.select %sign3A_1299, %sign3A_1295, %get3A_1270 : vector<16xi1>, vector<16xf32>
    %mul3A_1301 = arith.constant 1.200000e+00 : f32
    %mul3A_1302 = vector.broadcast %mul3A_1301 : f32 to vector<16xf32>
    %mul3A_1303 = arith.mulf %mul3A_1302, %sign3A_1300 : vector<16xf32>
    %mul3A_1304 = arith.mulf %mul3A_1303, %sub3A_1287 : vector<16xf32>
    %get3A_1305 = arith.constant 48 : index
    %get3A_1306 = tpu.vector_load %arg19[%get3A_1305] {strides = array<i32>} : memref<128xf32, #tpu.memory_space<vmem>>, vector<16xf32>,
    %get3A_1307 = vector.shape_cast %get3A_1306 : vector<16xf32> to vector<16xf32>
    %gt3A_1308 = arith.constant 0.000000e+00 : f32
    %gt3A_1309 = vector.broadcast %gt3A_1308 : f32 to vector<16xf32>
    %gt3A_1310 = arith.cmpf ogt, %mul3A_1304, %gt3A_1309 : vector<16xf32>
    %get3A_1311 = arith.constant 48 : index
    %get3A_1312 = tpu.vector_load %arg21[%get3A_1311] {strides = array<i32>} : memref<128xf32, #tpu.memory_space<vmem>>, vector<16xf32>,
    %get3A_1313 = vector.shape_cast %get3A_1312 : vector<16xf32> to vector<16xf32>
    %get3A_1314 = arith.constant 48 : index
    %get3A_1315 = tpu.vector_load %arg23[%get3A_1314] {strides = array<i32>} : memref<128xf32, #tpu.memory_space<vmem>>, vector<16xf32>,
    %get3A_1316 = vector.shape_cast %get3A_1315 : vector<16xf32> to vector<16xf32>
    %select_n3A_1317 = arith.select %gt3A_1310, %get3A_1313, %get3A_1316 : vector<16xi1>, vector<16xf32>
    %mul3A_1318 = arith.mulf %mul3A_1304, %select_n3A_1317 : vector<16xf32>
    %add3A_1319 = arith.addf %get3A_1307, %mul3A_1318 : vector<16xf32>
    %jit3A_1320 = arith.constant -1.000000e+00 : f32
    %jit3A_1321 = arith.constant 1.000000e+00 : f32
    %max3A_1322 = vector.broadcast %jit3A_1320 : f32 to vector<16xf32>
    %max3A_1323 = arith.maximumf %max3A_1322, %add3A_1319 : vector<16xf32>
    %min3A_1324 = vector.broadcast %jit3A_1321 : f32 to vector<16xf32>
    %min3A_1325 = arith.minimumf %min3A_1324, %max3A_1323 : vector<16xf32>
    %mul3A_1326 = arith.constant 1.800000e+02 : f32
    %mul3A_1327 = vector.broadcast %mul3A_1326 : f32 to vector<16xf32>
    %mul3A_1328 = arith.mulf %min3A_1325, %mul3A_1327 : vector<16xf32>
    %swap3A_1329 = arith.constant 176 : index
    %swap3A_1330 = tpu.vector_load %arg24[%swap3A_1329] {strides = array<i32>} : memref<256xf32, #tpu.memory_space<vmem>>, vector<16xf32>,
    %swap3A_1331 = vector.shape_cast %swap3A_1330 : vector<16xf32> to vector<16xf32>
    %swap3A_1332 = vector.shape_cast %mul3A_1328 : vector<16xf32> to vector<16xf32>
    tpu.vector_store %arg24[%swap3A_1329], %swap3A_1332 {strides = array<i32>} : memref<256xf32, #tpu.memory_space<vmem>>, vector<16xf32>,
    %div3A_1333 = arith.constant 1.000000e+00 : f32
    %div3A_1334 = vector.broadcast %div3A_1333 : f32 to vector<16xf32>
    %div3A_1335 = arith.divf %div3A_1334, %select_n3A_1317 : vector<16xf32>
    %swap3A_1336 = arith.constant 176 : index
    %swap3A_1337 = tpu.vector_load %arg25[%swap3A_1336] {strides = array<i32>} : memref<256xf32, #tpu.memory_space<vmem>>, vector<16xf32>,
    %swap3A_1338 = vector.shape_cast %swap3A_1337 : vector<16xf32> to vector<16xf32>
    %swap3A_1339 = vector.shape_cast %div3A_1335 : vector<16xf32> to vector<16xf32>
    tpu.vector_store %arg25[%swap3A_1336], %swap3A_1339 {strides = array<i32>} : memref<256xf32, #tpu.memory_space<vmem>>, vector<16xf32>,
    %swap3A_1340 = arith.constant 176 : index
    %swap3A_1341 = tpu.vector_load %arg26[%swap3A_1340] {strides = array<i32>} : memref<256xf32, #tpu.memory_space<vmem>>, vector<16xf32>,
    %swap3A_1342 = vector.shape_cast %swap3A_1341 : vector<16xf32> to vector<16xf32>
    %swap3A_1343 = vector.shape_cast %get3A_1307 : vector<16xf32> to vector<16xf32>
    tpu.vector_store %arg26[%swap3A_1340], %swap3A_1343 {strides = array<i32>} : memref<256xf32, #tpu.memory_space<vmem>>, vector<16xf32>,
    %swap3A_1344 = arith.constant 176 : index
    %swap3A_1345 = tpu.vector_load %arg27[%swap3A_1344] {strides = array<i32>} : memref<256xf32, #tpu.memory_space<vmem>>, vector<16xf32>,
    %swap3A_1346 = vector.shape_cast %swap3A_1345 : vector<16xf32> to vector<16xf32>
    %swap3A_1347 = vector.shape_cast %mul3A_1304 : vector<16xf32> to vector<16xf32>
    tpu.vector_store %arg27[%swap3A_1344], %swap3A_1347 {strides = array<i32>} : memref<256xf32, #tpu.memory_space<vmem>>, vector<16xf32>,
    %get3A_1348 = arith.constant 64 : index
    %get3A_1349 = tpu.vector_load %arg17[%get3A_1348] {strides = array<i32>} : memref<128xf32, #tpu.memory_space<vmem>>, vector<16xf32>,
    %get3A_1350 = vector.shape_cast %get3A_1349 : vector<16xf32> to vector<16xf32>
    %abs3A_1351 = math.absf %get3A_1350 : vector<16xf32>
    %min3A_1352 = arith.constant 3.000000e+01 : f32
    %min3A_1353 = vector.broadcast %min3A_1352 : f32 to vector<16xf32>
    %min3A_1354 = arith.minimumf %abs3A_1351, %min3A_1353 : vector<16xf32>
    %mul3A_1355 = arith.constant 2.000000e+00 : f32
    %mul3A_1356 = vector.broadcast %mul3A_1355 : f32 to vector<16xf32>
    %mul3A_1357 = arith.mulf %mul3A_1356, %min3A_1354 : vector<16xf32>
    %exp3A_1358 = math.exp %mul3A_1357 : vector<16xf32>
    %add3A_1359 = arith.constant 1.000000e+00 : f32
    %add3A_1360 = vector.broadcast %add3A_1359 : f32 to vector<16xf32>
    %add3A_1361 = arith.addf %exp3A_1358, %add3A_1360 : vector<16xf32>
    %div3A_1362 = arith.constant 2.000000e+00 : f32
    %div3A_1363 = vector.broadcast %div3A_1362 : f32 to vector<16xf32>
    %div3A_1364 = arith.divf %div3A_1363, %add3A_1361 : vector<16xf32>
    %sub3A_1365 = arith.constant 1.000000e+00 : f32
    %sub3A_1366 = vector.broadcast %sub3A_1365 : f32 to vector<16xf32>
    %sub3A_1367 = arith.subf %sub3A_1366, %div3A_1364 : vector<16xf32>
    %sign3A_1368 = tpu.bitcast %get3A_1350 : vector<16xf32> -> vector<16xi32>
    %sign3A_1369 = arith.constant -2147483648 : i32
    %sign3A_1370 = vector.broadcast %sign3A_1369 : i32 to vector<16xi32>
    %sign3A_1371 = arith.andi %sign3A_1368, %sign3A_1370 : vector<16xi32>
    %sign3A_1372 = arith.constant 1065353216 : i32
    %sign3A_1373 = vector.broadcast %sign3A_1372 : i32 to vector<16xi32>
    %sign3A_1374 = arith.ori %sign3A_1373, %sign3A_1371 : vector<16xi32>
    %sign3A_1375 = tpu.bitcast %sign3A_1374 : vector<16xi32> -> vector<16xf32>
    %sign3A_1376 = math.absf %get3A_1350 : vector<16xf32>
    %sign3A_1377 = arith.constant 0.000000e+00 : f32
    %sign3A_1378 = vector.broadcast %sign3A_1377 : f32 to vector<16xf32>
    %sign3A_1379 = arith.cmpf ogt, %sign3A_1376, %sign3A_1378 : vector<16xf32>
    %sign3A_1380 = arith.select %sign3A_1379, %sign3A_1375, %get3A_1350 : vector<16xi1>, vector<16xf32>
    %mul3A_1381 = arith.constant 1.200000e+00 : f32
    %mul3A_1382 = vector.broadcast %mul3A_1381 : f32 to vector<16xf32>
    %mul3A_1383 = arith.mulf %mul3A_1382, %sign3A_1380 : vector<16xf32>
    %mul3A_1384 = arith.mulf %mul3A_1383, %sub3A_1367 : vector<16xf32>
    %get3A_1385 = arith.constant 64 : index
    %get3A_1386 = tpu.vector_load %arg19[%get3A_1385] {strides = array<i32>} : memref<128xf32, #tpu.memory_space<vmem>>, vector<16xf32>,
    %get3A_1387 = vector.shape_cast %get3A_1386 : vector<16xf32> to vector<16xf32>
    %gt3A_1388 = arith.constant 0.000000e+00 : f32
    %gt3A_1389 = vector.broadcast %gt3A_1388 : f32 to vector<16xf32>
    %gt3A_1390 = arith.cmpf ogt, %mul3A_1384, %gt3A_1389 : vector<16xf32>
    %get3A_1391 = arith.constant 64 : index
    %get3A_1392 = tpu.vector_load %arg21[%get3A_1391] {strides = array<i32>} : memref<128xf32, #tpu.memory_space<vmem>>, vector<16xf32>,
    %get3A_1393 = vector.shape_cast %get3A_1392 : vector<16xf32> to vector<16xf32>
    %get3A_1394 = arith.constant 64 : index
    %get3A_1395 = tpu.vector_load %arg23[%get3A_1394] {strides = array<i32>} : memref<128xf32, #tpu.memory_space<vmem>>, vector<16xf32>,
    %get3A_1396 = vector.shape_cast %get3A_1395 : vector<16xf32> to vector<16xf32>
    %select_n3A_1397 = arith.select %gt3A_1390, %get3A_1393, %get3A_1396 : vector<16xi1>, vector<16xf32>
    %mul3A_1398 = arith.mulf %mul3A_1384, %select_n3A_1397 : vector<16xf32>
    %add3A_1399 = arith.addf %get3A_1387, %mul3A_1398 : vector<16xf32>
    %jit3A_1400 = arith.constant -1.000000e+00 : f32
    %jit3A_1401 = arith.constant 1.000000e+00 : f32
    %max3A_1402 = vector.broadcast %jit3A_1400 : f32 to vector<16xf32>
    %max3A_1403 = arith.maximumf %max3A_1402, %add3A_1399 : vector<16xf32>
    %min3A_1404 = vector.broadcast %jit3A_1401 : f32 to vector<16xf32>
    %min3A_1405 = arith.minimumf %min3A_1404, %max3A_1403 : vector<16xf32>
    %mul3A_1406 = arith.constant 1.800000e+02 : f32
    %mul3A_1407 = vector.broadcast %mul3A_1406 : f32 to vector<16xf32>
    %mul3A_1408 = arith.mulf %min3A_1405, %mul3A_1407 : vector<16xf32>
    %swap3A_1409 = arith.constant 192 : index
    %swap3A_1410 = tpu.vector_load %arg24[%swap3A_1409] {strides = array<i32>} : memref<256xf32, #tpu.memory_space<vmem>>, vector<16xf32>,
    %swap3A_1411 = vector.shape_cast %swap3A_1410 : vector<16xf32> to vector<16xf32>
    %swap3A_1412 = vector.shape_cast %mul3A_1408 : vector<16xf32> to vector<16xf32>
    tpu.vector_store %arg24[%swap3A_1409], %swap3A_1412 {strides = array<i32>} : memref<256xf32, #tpu.memory_space<vmem>>, vector<16xf32>,
    %div3A_1413 = arith.constant 1.000000e+00 : f32
    %div3A_1414 = vector.broadcast %div3A_1413 : f32 to vector<16xf32>
    %div3A_1415 = arith.divf %div3A_1414, %select_n3A_1397 : vector<16xf32>
    %swap3A_1416 = arith.constant 192 : index
    %swap3A_1417 = tpu.vector_load %arg25[%swap3A_1416] {strides = array<i32>} : memref<256xf32, #tpu.memory_space<vmem>>, vector<16xf32>,
    %swap3A_1418 = vector.shape_cast %swap3A_1417 : vector<16xf32> to vector<16xf32>
    %swap3A_1419 = vector.shape_cast %div3A_1415 : vector<16xf32> to vector<16xf32>
    tpu.vector_store %arg25[%swap3A_1416], %swap3A_1419 {strides = array<i32>} : memref<256xf32, #tpu.memory_space<vmem>>, vector<16xf32>,
    %swap3A_1420 = arith.constant 192 : index
    %swap3A_1421 = tpu.vector_load %arg26[%swap3A_1420] {strides = array<i32>} : memref<256xf32, #tpu.memory_space<vmem>>, vector<16xf32>,
    %swap3A_1422 = vector.shape_cast %swap3A_1421 : vector<16xf32> to vector<16xf32>
    %swap3A_1423 = vector.shape_cast %get3A_1387 : vector<16xf32> to vector<16xf32>
    tpu.vector_store %arg26[%swap3A_1420], %swap3A_1423 {strides = array<i32>} : memref<256xf32, #tpu.memory_space<vmem>>, vector<16xf32>,
    %swap3A_1424 = arith.constant 192 : index
    %swap3A_1425 = tpu.vector_load %arg27[%swap3A_1424] {strides = array<i32>} : memref<256xf32, #tpu.memory_space<vmem>>, vector<16xf32>,
    %swap3A_1426 = vector.shape_cast %swap3A_1425 : vector<16xf32> to vector<16xf32>
    %swap3A_1427 = vector.shape_cast %mul3A_1384 : vector<16xf32> to vector<16xf32>
    tpu.vector_store %arg27[%swap3A_1424], %swap3A_1427 {strides = array<i32>} : memref<256xf32, #tpu.memory_space<vmem>>, vector<16xf32>,
    %get3A_1428 = arith.constant 80 : index
    %get3A_1429 = tpu.vector_load %arg17[%get3A_1428] {strides = array<i32>} : memref<128xf32, #tpu.memory_space<vmem>>, vector<16xf32>,
    %get3A_1430 = vector.shape_cast %get3A_1429 : vector<16xf32> to vector<16xf32>
    %abs3A_1431 = math.absf %get3A_1430 : vector<16xf32>
    %min3A_1432 = arith.constant 3.000000e+01 : f32
    %min3A_1433 = vector.broadcast %min3A_1432 : f32 to vector<16xf32>
    %min3A_1434 = arith.minimumf %abs3A_1431, %min3A_1433 : vector<16xf32>
    %mul3A_1435 = arith.constant 2.000000e+00 : f32
    %mul3A_1436 = vector.broadcast %mul3A_1435 : f32 to vector<16xf32>
    %mul3A_1437 = arith.mulf %mul3A_1436, %min3A_1434 : vector<16xf32>
    %exp3A_1438 = math.exp %mul3A_1437 : vector<16xf32>
    %add3A_1439 = arith.constant 1.000000e+00 : f32
    %add3A_1440 = vector.broadcast %add3A_1439 : f32 to vector<16xf32>
    %add3A_1441 = arith.addf %exp3A_1438, %add3A_1440 : vector<16xf32>
    %div3A_1442 = arith.constant 2.000000e+00 : f32
    %div3A_1443 = vector.broadcast %div3A_1442 : f32 to vector<16xf32>
    %div3A_1444 = arith.divf %div3A_1443, %add3A_1441 : vector<16xf32>
    %sub3A_1445 = arith.constant 1.000000e+00 : f32
    %sub3A_1446 = vector.broadcast %sub3A_1445 : f32 to vector<16xf32>
    %sub3A_1447 = arith.subf %sub3A_1446, %div3A_1444 : vector<16xf32>
    %sign3A_1448 = tpu.bitcast %get3A_1430 : vector<16xf32> -> vector<16xi32>
    %sign3A_1449 = arith.constant -2147483648 : i32
    %sign3A_1450 = vector.broadcast %sign3A_1449 : i32 to vector<16xi32>
    %sign3A_1451 = arith.andi %sign3A_1448, %sign3A_1450 : vector<16xi32>
    %sign3A_1452 = arith.constant 1065353216 : i32
    %sign3A_1453 = vector.broadcast %sign3A_1452 : i32 to vector<16xi32>
    %sign3A_1454 = arith.ori %sign3A_1453, %sign3A_1451 : vector<16xi32>
    %sign3A_1455 = tpu.bitcast %sign3A_1454 : vector<16xi32> -> vector<16xf32>
    %sign3A_1456 = math.absf %get3A_1430 : vector<16xf32>
    %sign3A_1457 = arith.constant 0.000000e+00 : f32
    %sign3A_1458 = vector.broadcast %sign3A_1457 : f32 to vector<16xf32>
    %sign3A_1459 = arith.cmpf ogt, %sign3A_1456, %sign3A_1458 : vector<16xf32>
    %sign3A_1460 = arith.select %sign3A_1459, %sign3A_1455, %get3A_1430 : vector<16xi1>, vector<16xf32>
    %mul3A_1461 = arith.constant 1.200000e+00 : f32
    %mul3A_1462 = vector.broadcast %mul3A_1461 : f32 to vector<16xf32>
    %mul3A_1463 = arith.mulf %mul3A_1462, %sign3A_1460 : vector<16xf32>
    %mul3A_1464 = arith.mulf %mul3A_1463, %sub3A_1447 : vector<16xf32>
    %get3A_1465 = arith.constant 80 : index
    %get3A_1466 = tpu.vector_load %arg19[%get3A_1465] {strides = array<i32>} : memref<128xf32, #tpu.memory_space<vmem>>, vector<16xf32>,
    %get3A_1467 = vector.shape_cast %get3A_1466 : vector<16xf32> to vector<16xf32>
    %gt3A_1468 = arith.constant 0.000000e+00 : f32
    %gt3A_1469 = vector.broadcast %gt3A_1468 : f32 to vector<16xf32>
    %gt3A_1470 = arith.cmpf ogt, %mul3A_1464, %gt3A_1469 : vector<16xf32>
    %get3A_1471 = arith.constant 80 : index
    %get3A_1472 = tpu.vector_load %arg21[%get3A_1471] {strides = array<i32>} : memref<128xf32, #tpu.memory_space<vmem>>, vector<16xf32>,
    %get3A_1473 = vector.shape_cast %get3A_1472 : vector<16xf32> to vector<16xf32>
    %get3A_1474 = arith.constant 80 : index
    %get3A_1475 = tpu.vector_load %arg23[%get3A_1474] {strides = array<i32>} : memref<128xf32, #tpu.memory_space<vmem>>, vector<16xf32>,
    %get3A_1476 = vector.shape_cast %get3A_1475 : vector<16xf32> to vector<16xf32>
    %select_n3A_1477 = arith.select %gt3A_1470, %get3A_1473, %get3A_1476 : vector<16xi1>, vector<16xf32>
    %mul3A_1478 = arith.mulf %mul3A_1464, %select_n3A_1477 : vector<16xf32>
    %add3A_1479 = arith.addf %get3A_1467, %mul3A_1478 : vector<16xf32>
    %jit3A_1480 = arith.constant -1.000000e+00 : f32
    %jit3A_1481 = arith.constant 1.000000e+00 : f32
    %max3A_1482 = vector.broadcast %jit3A_1480 : f32 to vector<16xf32>
    %max3A_1483 = arith.maximumf %max3A_1482, %add3A_1479 : vector<16xf32>
    %min3A_1484 = vector.broadcast %jit3A_1481 : f32 to vector<16xf32>
    %min3A_1485 = arith.minimumf %min3A_1484, %max3A_1483 : vector<16xf32>
    %mul3A_1486 = arith.constant 1.800000e+02 : f32
    %mul3A_1487 = vector.broadcast %mul3A_1486 : f32 to vector<16xf32>
    %mul3A_1488 = arith.mulf %min3A_1485, %mul3A_1487 : vector<16xf32>
    %swap3A_1489 = arith.constant 208 : index
    %swap3A_1490 = tpu.vector_load %arg24[%swap3A_1489] {strides = array<i32>} : memref<256xf32, #tpu.memory_space<vmem>>, vector<16xf32>,
    %swap3A_1491 = vector.shape_cast %swap3A_1490 : vector<16xf32> to vector<16xf32>
    %swap3A_1492 = vector.shape_cast %mul3A_1488 : vector<16xf32> to vector<16xf32>
    tpu.vector_store %arg24[%swap3A_1489], %swap3A_1492 {strides = array<i32>} : memref<256xf32, #tpu.memory_space<vmem>>, vector<16xf32>,
    %div3A_1493 = arith.constant 1.000000e+00 : f32
    %div3A_1494 = vector.broadcast %div3A_1493 : f32 to vector<16xf32>
    %div3A_1495 = arith.divf %div3A_1494, %select_n3A_1477 : vector<16xf32>
    %swap3A_1496 = arith.constant 208 : index
    %swap3A_1497 = tpu.vector_load %arg25[%swap3A_1496] {strides = array<i32>} : memref<256xf32, #tpu.memory_space<vmem>>, vector<16xf32>,
    %swap3A_1498 = vector.shape_cast %swap3A_1497 : vector<16xf32> to vector<16xf32>
    %swap3A_1499 = vector.shape_cast %div3A_1495 : vector<16xf32> to vector<16xf32>
    tpu.vector_store %arg25[%swap3A_1496], %swap3A_1499 {strides = array<i32>} : memref<256xf32, #tpu.memory_space<vmem>>, vector<16xf32>,
    %swap3A_1500 = arith.constant 208 : index
    %swap3A_1501 = tpu.vector_load %arg26[%swap3A_1500] {strides = array<i32>} : memref<256xf32, #tpu.memory_space<vmem>>, vector<16xf32>,
    %swap3A_1502 = vector.shape_cast %swap3A_1501 : vector<16xf32> to vector<16xf32>
    %swap3A_1503 = vector.shape_cast %get3A_1467 : vector<16xf32> to vector<16xf32>
    tpu.vector_store %arg26[%swap3A_1500], %swap3A_1503 {strides = array<i32>} : memref<256xf32, #tpu.memory_space<vmem>>, vector<16xf32>,
    %swap3A_1504 = arith.constant 208 : index
    %swap3A_1505 = tpu.vector_load %arg27[%swap3A_1504] {strides = array<i32>} : memref<256xf32, #tpu.memory_space<vmem>>, vector<16xf32>,
    %swap3A_1506 = vector.shape_cast %swap3A_1505 : vector<16xf32> to vector<16xf32>
    %swap3A_1507 = vector.shape_cast %mul3A_1464 : vector<16xf32> to vector<16xf32>
    tpu.vector_store %arg27[%swap3A_1504], %swap3A_1507 {strides = array<i32>} : memref<256xf32, #tpu.memory_space<vmem>>, vector<16xf32>,
    %get3A_1508 = arith.constant 96 : index
    %get3A_1509 = tpu.vector_load %arg17[%get3A_1508] {strides = array<i32>} : memref<128xf32, #tpu.memory_space<vmem>>, vector<16xf32>,
    %get3A_1510 = vector.shape_cast %get3A_1509 : vector<16xf32> to vector<16xf32>
    %abs3A_1511 = math.absf %get3A_1510 : vector<16xf32>
    %min3A_1512 = arith.constant 3.000000e+01 : f32
    %min3A_1513 = vector.broadcast %min3A_1512 : f32 to vector<16xf32>
    %min3A_1514 = arith.minimumf %abs3A_1511, %min3A_1513 : vector<16xf32>
    %mul3A_1515 = arith.constant 2.000000e+00 : f32
    %mul3A_1516 = vector.broadcast %mul3A_1515 : f32 to vector<16xf32>
    %mul3A_1517 = arith.mulf %mul3A_1516, %min3A_1514 : vector<16xf32>
    %exp3A_1518 = math.exp %mul3A_1517 : vector<16xf32>
    %add3A_1519 = arith.constant 1.000000e+00 : f32
    %add3A_1520 = vector.broadcast %add3A_1519 : f32 to vector<16xf32>
    %add3A_1521 = arith.addf %exp3A_1518, %add3A_1520 : vector<16xf32>
    %div3A_1522 = arith.constant 2.000000e+00 : f32
    %div3A_1523 = vector.broadcast %div3A_1522 : f32 to vector<16xf32>
    %div3A_1524 = arith.divf %div3A_1523, %add3A_1521 : vector<16xf32>
    %sub3A_1525 = arith.constant 1.000000e+00 : f32
    %sub3A_1526 = vector.broadcast %sub3A_1525 : f32 to vector<16xf32>
    %sub3A_1527 = arith.subf %sub3A_1526, %div3A_1524 : vector<16xf32>
    %sign3A_1528 = tpu.bitcast %get3A_1510 : vector<16xf32> -> vector<16xi32>
    %sign3A_1529 = arith.constant -2147483648 : i32
    %sign3A_1530 = vector.broadcast %sign3A_1529 : i32 to vector<16xi32>
    %sign3A_1531 = arith.andi %sign3A_1528, %sign3A_1530 : vector<16xi32>
    %sign3A_1532 = arith.constant 1065353216 : i32
    %sign3A_1533 = vector.broadcast %sign3A_1532 : i32 to vector<16xi32>
    %sign3A_1534 = arith.ori %sign3A_1533, %sign3A_1531 : vector<16xi32>
    %sign3A_1535 = tpu.bitcast %sign3A_1534 : vector<16xi32> -> vector<16xf32>
    %sign3A_1536 = math.absf %get3A_1510 : vector<16xf32>
    %sign3A_1537 = arith.constant 0.000000e+00 : f32
    %sign3A_1538 = vector.broadcast %sign3A_1537 : f32 to vector<16xf32>
    %sign3A_1539 = arith.cmpf ogt, %sign3A_1536, %sign3A_1538 : vector<16xf32>
    %sign3A_1540 = arith.select %sign3A_1539, %sign3A_1535, %get3A_1510 : vector<16xi1>, vector<16xf32>
    %mul3A_1541 = arith.constant 1.200000e+00 : f32
    %mul3A_1542 = vector.broadcast %mul3A_1541 : f32 to vector<16xf32>
    %mul3A_1543 = arith.mulf %mul3A_1542, %sign3A_1540 : vector<16xf32>
    %mul3A_1544 = arith.mulf %mul3A_1543, %sub3A_1527 : vector<16xf32>
    %get3A_1545 = arith.constant 96 : index
    %get3A_1546 = tpu.vector_load %arg19[%get3A_1545] {strides = array<i32>} : memref<128xf32, #tpu.memory_space<vmem>>, vector<16xf32>,
    %get3A_1547 = vector.shape_cast %get3A_1546 : vector<16xf32> to vector<16xf32>
    %gt3A_1548 = arith.constant 0.000000e+00 : f32
    %gt3A_1549 = vector.broadcast %gt3A_1548 : f32 to vector<16xf32>
    %gt3A_1550 = arith.cmpf ogt, %mul3A_1544, %gt3A_1549 : vector<16xf32>
    %get3A_1551 = arith.constant 96 : index
    %get3A_1552 = tpu.vector_load %arg21[%get3A_1551] {strides = array<i32>} : memref<128xf32, #tpu.memory_space<vmem>>, vector<16xf32>,
    %get3A_1553 = vector.shape_cast %get3A_1552 : vector<16xf32> to vector<16xf32>
    %get3A_1554 = arith.constant 96 : index
    %get3A_1555 = tpu.vector_load %arg23[%get3A_1554] {strides = array<i32>} : memref<128xf32, #tpu.memory_space<vmem>>, vector<16xf32>,
    %get3A_1556 = vector.shape_cast %get3A_1555 : vector<16xf32> to vector<16xf32>
    %select_n3A_1557 = arith.select %gt3A_1550, %get3A_1553, %get3A_1556 : vector<16xi1>, vector<16xf32>
    %mul3A_1558 = arith.mulf %mul3A_1544, %select_n3A_1557 : vector<16xf32>
    %add3A_1559 = arith.addf %get3A_1547, %mul3A_1558 : vector<16xf32>
    %jit3A_1560 = arith.constant -1.000000e+00 : f32
    %jit3A_1561 = arith.constant 1.000000e+00 : f32
    %max3A_1562 = vector.broadcast %jit3A_1560 : f32 to vector<16xf32>
    %max3A_1563 = arith.maximumf %max3A_1562, %add3A_1559 : vector<16xf32>
    %min3A_1564 = vector.broadcast %jit3A_1561 : f32 to vector<16xf32>
    %min3A_1565 = arith.minimumf %min3A_1564, %max3A_1563 : vector<16xf32>
    %mul3A_1566 = arith.constant 1.800000e+02 : f32
    %mul3A_1567 = vector.broadcast %mul3A_1566 : f32 to vector<16xf32>
    %mul3A_1568 = arith.mulf %min3A_1565, %mul3A_1567 : vector<16xf32>
    %swap3A_1569 = arith.constant 224 : index
    %swap3A_1570 = tpu.vector_load %arg24[%swap3A_1569] {strides = array<i32>} : memref<256xf32, #tpu.memory_space<vmem>>, vector<16xf32>,
    %swap3A_1571 = vector.shape_cast %swap3A_1570 : vector<16xf32> to vector<16xf32>
    %swap3A_1572 = vector.shape_cast %mul3A_1568 : vector<16xf32> to vector<16xf32>
    tpu.vector_store %arg24[%swap3A_1569], %swap3A_1572 {strides = array<i32>} : memref<256xf32, #tpu.memory_space<vmem>>, vector<16xf32>,
    %div3A_1573 = arith.constant 1.000000e+00 : f32
    %div3A_1574 = vector.broadcast %div3A_1573 : f32 to vector<16xf32>
    %div3A_1575 = arith.divf %div3A_1574, %select_n3A_1557 : vector<16xf32>
    %swap3A_1576 = arith.constant 224 : index
    %swap3A_1577 = tpu.vector_load %arg25[%swap3A_1576] {strides = array<i32>} : memref<256xf32, #tpu.memory_space<vmem>>, vector<16xf32>,
    %swap3A_1578 = vector.shape_cast %swap3A_1577 : vector<16xf32> to vector<16xf32>
    %swap3A_1579 = vector.shape_cast %div3A_1575 : vector<16xf32> to vector<16xf32>
    tpu.vector_store %arg25[%swap3A_1576], %swap3A_1579 {strides = array<i32>} : memref<256xf32, #tpu.memory_space<vmem>>, vector<16xf32>,
    %swap3A_1580 = arith.constant 224 : index
    %swap3A_1581 = tpu.vector_load %arg26[%swap3A_1580] {strides = array<i32>} : memref<256xf32, #tpu.memory_space<vmem>>, vector<16xf32>,
    %swap3A_1582 = vector.shape_cast %swap3A_1581 : vector<16xf32> to vector<16xf32>
    %swap3A_1583 = vector.shape_cast %get3A_1547 : vector<16xf32> to vector<16xf32>
    tpu.vector_store %arg26[%swap3A_1580], %swap3A_1583 {strides = array<i32>} : memref<256xf32, #tpu.memory_space<vmem>>, vector<16xf32>,
    %swap3A_1584 = arith.constant 224 : index
    %swap3A_1585 = tpu.vector_load %arg27[%swap3A_1584] {strides = array<i32>} : memref<256xf32, #tpu.memory_space<vmem>>, vector<16xf32>,
    %swap3A_1586 = vector.shape_cast %swap3A_1585 : vector<16xf32> to vector<16xf32>
    %swap3A_1587 = vector.shape_cast %mul3A_1544 : vector<16xf32> to vector<16xf32>
    tpu.vector_store %arg27[%swap3A_1584], %swap3A_1587 {strides = array<i32>} : memref<256xf32, #tpu.memory_space<vmem>>, vector<16xf32>,
    %get3A_1588 = arith.constant 112 : index
    %get3A_1589 = tpu.vector_load %arg17[%get3A_1588] {strides = array<i32>} : memref<128xf32, #tpu.memory_space<vmem>>, vector<16xf32>,
    %get3A_1590 = vector.shape_cast %get3A_1589 : vector<16xf32> to vector<16xf32>
    %abs3A_1591 = math.absf %get3A_1590 : vector<16xf32>
    %min3A_1592 = arith.constant 3.000000e+01 : f32
    %min3A_1593 = vector.broadcast %min3A_1592 : f32 to vector<16xf32>
    %min3A_1594 = arith.minimumf %abs3A_1591, %min3A_1593 : vector<16xf32>
    %mul3A_1595 = arith.constant 2.000000e+00 : f32
    %mul3A_1596 = vector.broadcast %mul3A_1595 : f32 to vector<16xf32>
    %mul3A_1597 = arith.mulf %mul3A_1596, %min3A_1594 : vector<16xf32>
    %exp3A_1598 = math.exp %mul3A_1597 : vector<16xf32>
    %add3A_1599 = arith.constant 1.000000e+00 : f32
    %add3A_1600 = vector.broadcast %add3A_1599 : f32 to vector<16xf32>
    %add3A_1601 = arith.addf %exp3A_1598, %add3A_1600 : vector<16xf32>
    %div3A_1602 = arith.constant 2.000000e+00 : f32
    %div3A_1603 = vector.broadcast %div3A_1602 : f32 to vector<16xf32>
    %div3A_1604 = arith.divf %div3A_1603, %add3A_1601 : vector<16xf32>
    %sub3A_1605 = arith.constant 1.000000e+00 : f32
    %sub3A_1606 = vector.broadcast %sub3A_1605 : f32 to vector<16xf32>
    %sub3A_1607 = arith.subf %sub3A_1606, %div3A_1604 : vector<16xf32>
    %sign3A_1608 = tpu.bitcast %get3A_1590 : vector<16xf32> -> vector<16xi32>
    %sign3A_1609 = arith.constant -2147483648 : i32
    %sign3A_1610 = vector.broadcast %sign3A_1609 : i32 to vector<16xi32>
    %sign3A_1611 = arith.andi %sign3A_1608, %sign3A_1610 : vector<16xi32>
    %sign3A_1612 = arith.constant 1065353216 : i32
    %sign3A_1613 = vector.broadcast %sign3A_1612 : i32 to vector<16xi32>
    %sign3A_1614 = arith.ori %sign3A_1613, %sign3A_1611 : vector<16xi32>
    %sign3A_1615 = tpu.bitcast %sign3A_1614 : vector<16xi32> -> vector<16xf32>
    %sign3A_1616 = math.absf %get3A_1590 : vector<16xf32>
    %sign3A_1617 = arith.constant 0.000000e+00 : f32
    %sign3A_1618 = vector.broadcast %sign3A_1617 : f32 to vector<16xf32>
    %sign3A_1619 = arith.cmpf ogt, %sign3A_1616, %sign3A_1618 : vector<16xf32>
    %sign3A_1620 = arith.select %sign3A_1619, %sign3A_1615, %get3A_1590 : vector<16xi1>, vector<16xf32>
    %mul3A_1621 = arith.constant 1.200000e+00 : f32
    %mul3A_1622 = vector.broadcast %mul3A_1621 : f32 to vector<16xf32>
    %mul3A_1623 = arith.mulf %mul3A_1622, %sign3A_1620 : vector<16xf32>
    %mul3A_1624 = arith.mulf %mul3A_1623, %sub3A_1607 : vector<16xf32>
    %get3A_1625 = arith.constant 112 : index
    %get3A_1626 = tpu.vector_load %arg19[%get3A_1625] {strides = array<i32>} : memref<128xf32, #tpu.memory_space<vmem>>, vector<16xf32>,
    %get3A_1627 = vector.shape_cast %get3A_1626 : vector<16xf32> to vector<16xf32>
    %gt3A_1628 = arith.constant 0.000000e+00 : f32
    %gt3A_1629 = vector.broadcast %gt3A_1628 : f32 to vector<16xf32>
    %gt3A_1630 = arith.cmpf ogt, %mul3A_1624, %gt3A_1629 : vector<16xf32>
    %get3A_1631 = arith.constant 112 : index
    %get3A_1632 = tpu.vector_load %arg21[%get3A_1631] {strides = array<i32>} : memref<128xf32, #tpu.memory_space<vmem>>, vector<16xf32>,
    %get3A_1633 = vector.shape_cast %get3A_1632 : vector<16xf32> to vector<16xf32>
    %get3A_1634 = arith.constant 112 : index
    %get3A_1635 = tpu.vector_load %arg23[%get3A_1634] {strides = array<i32>} : memref<128xf32, #tpu.memory_space<vmem>>, vector<16xf32>,
    %get3A_1636 = vector.shape_cast %get3A_1635 : vector<16xf32> to vector<16xf32>
    %select_n3A_1637 = arith.select %gt3A_1630, %get3A_1633, %get3A_1636 : vector<16xi1>, vector<16xf32>
    %mul3A_1638 = arith.mulf %mul3A_1624, %select_n3A_1637 : vector<16xf32>
    %add3A_1639 = arith.addf %get3A_1627, %mul3A_1638 : vector<16xf32>
    %jit3A_1640 = arith.constant -1.000000e+00 : f32
    %jit3A_1641 = arith.constant 1.000000e+00 : f32
    %max3A_1642 = vector.broadcast %jit3A_1640 : f32 to vector<16xf32>
    %max3A_1643 = arith.maximumf %max3A_1642, %add3A_1639 : vector<16xf32>
    %min3A_1644 = vector.broadcast %jit3A_1641 : f32 to vector<16xf32>
    %min3A_1645 = arith.minimumf %min3A_1644, %max3A_1643 : vector<16xf32>
    %mul3A_1646 = arith.constant 1.800000e+02 : f32
    %mul3A_1647 = vector.broadcast %mul3A_1646 : f32 to vector<16xf32>
    %mul3A_1648 = arith.mulf %min3A_1645, %mul3A_1647 : vector<16xf32>
    %swap3A_1649 = arith.constant 240 : index
    %swap3A_1650 = tpu.vector_load %arg24[%swap3A_1649] {strides = array<i32>} : memref<256xf32, #tpu.memory_space<vmem>>, vector<16xf32>,
    %swap3A_1651 = vector.shape_cast %swap3A_1650 : vector<16xf32> to vector<16xf32>
    %swap3A_1652 = vector.shape_cast %mul3A_1648 : vector<16xf32> to vector<16xf32>
    tpu.vector_store %arg24[%swap3A_1649], %swap3A_1652 {strides = array<i32>} : memref<256xf32, #tpu.memory_space<vmem>>, vector<16xf32>,
    %div3A_1653 = arith.constant 1.000000e+00 : f32
    %div3A_1654 = vector.broadcast %div3A_1653 : f32 to vector<16xf32>
    %div3A_1655 = arith.divf %div3A_1654, %select_n3A_1637 : vector<16xf32>
    %swap3A_1656 = arith.constant 240 : index
    %swap3A_1657 = tpu.vector_load %arg25[%swap3A_1656] {strides = array<i32>} : memref<256xf32, #tpu.memory_space<vmem>>, vector<16xf32>,
    %swap3A_1658 = vector.shape_cast %swap3A_1657 : vector<16xf32> to vector<16xf32>
    %swap3A_1659 = vector.shape_cast %div3A_1655 : vector<16xf32> to vector<16xf32>
    tpu.vector_store %arg25[%swap3A_1656], %swap3A_1659 {strides = array<i32>} : memref<256xf32, #tpu.memory_space<vmem>>, vector<16xf32>,
    %swap3A_1660 = arith.constant 240 : index
    %swap3A_1661 = tpu.vector_load %arg26[%swap3A_1660] {strides = array<i32>} : memref<256xf32, #tpu.memory_space<vmem>>, vector<16xf32>,
    %swap3A_1662 = vector.shape_cast %swap3A_1661 : vector<16xf32> to vector<16xf32>
    %swap3A_1663 = vector.shape_cast %get3A_1627 : vector<16xf32> to vector<16xf32>
    tpu.vector_store %arg26[%swap3A_1660], %swap3A_1663 {strides = array<i32>} : memref<256xf32, #tpu.memory_space<vmem>>, vector<16xf32>,
    %swap3A_1664 = arith.constant 240 : index
    %swap3A_1665 = tpu.vector_load %arg27[%swap3A_1664] {strides = array<i32>} : memref<256xf32, #tpu.memory_space<vmem>>, vector<16xf32>,
    %swap3A_1666 = vector.shape_cast %swap3A_1665 : vector<16xf32> to vector<16xf32>
    %swap3A_1667 = vector.shape_cast %mul3A_1624 : vector<16xf32> to vector<16xf32>
    tpu.vector_store %arg27[%swap3A_1664], %swap3A_1667 {strides = array<i32>} : memref<256xf32, #tpu.memory_space<vmem>>, vector<16xf32>,
    %add3A_1668 = arith.constant 0 : i32
    %add3A_1669 = arith.addi %add3A_1668, %mul3A_2 : i32
    "tpu.region"() ({
      %run_scoped3A = tpu.sem_alloc : memref<!tpu.dma_semaphore, #tpu.memory_space<semaphore_mem>>
      %dma_start3A_1672 = arith.constant 0 : i32
      %dma_start3A_1673 = tpu.memref_slice %arg24[%dma_start3A_1672] : memref<256xf32, #tpu.memory_space<vmem>> -> memref<128xf32, #tpu.memory_space<vmem>>
      %dma_start3A_1674 = tpu.memref_slice %arg7[%add3A_1669] : memref<8192xf32, #tpu.memory_space<hbm>> -> memref<128xf32, #tpu.memory_space<hbm>>
      %dma_start3A_1675 = tpu.memref_slice %arg7[%add3A_1669] : memref<8192xf32, #tpu.memory_space<hbm>> -> memref<128xf32, #tpu.memory_space<hbm>>
      %dma_start3A_1676 = arith.constant 0 : i32
      %dma_start3A_1677 = tpu.memref_slice %arg24[%dma_start3A_1676] : memref<256xf32, #tpu.memory_space<vmem>> -> memref<128xf32, #tpu.memory_space<vmem>>
      tpu.enqueue_dma source(%dma_start3A_1677 : memref<128xf32, #tpu.memory_space<vmem>>) target(%dma_start3A_1675 : memref<128xf32, #tpu.memory_space<hbm>>) target_semaphore(%run_scoped3A : memref<!tpu.dma_semaphore, #tpu.memory_space<semaphore_mem>>)
      %dma_wait3A_1678 = arith.constant 0 : i32
      %dma_wait3A_1679 = tpu.memref_slice %arg24[%dma_wait3A_1678] : memref<256xf32, #tpu.memory_space<vmem>> -> memref<128xf32, #tpu.memory_space<vmem>>
      %dma_wait3A_1680 = tpu.memref_slice %arg7[%add3A_1669] : memref<8192xf32, #tpu.memory_space<hbm>> -> memref<128xf32, #tpu.memory_space<hbm>>
      %dma_wait3A_1681 = tpu.memref_slice %arg7[%add3A_1669] : memref<8192xf32, #tpu.memory_space<hbm>> -> memref<128xf32, #tpu.memory_space<hbm>>
      %dma_wait3A_1682 = arith.constant 0 : i32
      %dma_wait3A_1683 = tpu.memref_slice %arg24[%dma_wait3A_1682] : memref<256xf32, #tpu.memory_space<vmem>> -> memref<128xf32, #tpu.memory_space<vmem>>
      tpu.wait_dma2 semaphore(%run_scoped3A : memref<!tpu.dma_semaphore, #tpu.memory_space<semaphore_mem>>) src(%dma_wait3A_1683 : memref<128xf32, #tpu.memory_space<vmem>>) dst(%dma_wait3A_1681 : memref<128xf32, #tpu.memory_space<hbm>>)
      tpu.yield
    }) : () -> ()
    "tpu.region"() ({
      %run_scoped3A = tpu.sem_alloc : memref<!tpu.dma_semaphore, #tpu.memory_space<semaphore_mem>>
      %dma_start3A_1672 = arith.constant 0 : i32
      %dma_start3A_1673 = tpu.memref_slice %arg25[%dma_start3A_1672] : memref<256xf32, #tpu.memory_space<vmem>> -> memref<128xf32, #tpu.memory_space<vmem>>
      %dma_start3A_1674 = tpu.memref_slice %arg8[%add3A_1669] : memref<8192xf32, #tpu.memory_space<hbm>> -> memref<128xf32, #tpu.memory_space<hbm>>
      %dma_start3A_1675 = tpu.memref_slice %arg8[%add3A_1669] : memref<8192xf32, #tpu.memory_space<hbm>> -> memref<128xf32, #tpu.memory_space<hbm>>
      %dma_start3A_1676 = arith.constant 0 : i32
      %dma_start3A_1677 = tpu.memref_slice %arg25[%dma_start3A_1676] : memref<256xf32, #tpu.memory_space<vmem>> -> memref<128xf32, #tpu.memory_space<vmem>>
      tpu.enqueue_dma source(%dma_start3A_1677 : memref<128xf32, #tpu.memory_space<vmem>>) target(%dma_start3A_1675 : memref<128xf32, #tpu.memory_space<hbm>>) target_semaphore(%run_scoped3A : memref<!tpu.dma_semaphore, #tpu.memory_space<semaphore_mem>>)
      %dma_wait3A_1678 = arith.constant 0 : i32
      %dma_wait3A_1679 = tpu.memref_slice %arg25[%dma_wait3A_1678] : memref<256xf32, #tpu.memory_space<vmem>> -> memref<128xf32, #tpu.memory_space<vmem>>
      %dma_wait3A_1680 = tpu.memref_slice %arg8[%add3A_1669] : memref<8192xf32, #tpu.memory_space<hbm>> -> memref<128xf32, #tpu.memory_space<hbm>>
      %dma_wait3A_1681 = tpu.memref_slice %arg8[%add3A_1669] : memref<8192xf32, #tpu.memory_space<hbm>> -> memref<128xf32, #tpu.memory_space<hbm>>
      %dma_wait3A_1682 = arith.constant 0 : i32
      %dma_wait3A_1683 = tpu.memref_slice %arg25[%dma_wait3A_1682] : memref<256xf32, #tpu.memory_space<vmem>> -> memref<128xf32, #tpu.memory_space<vmem>>
      tpu.wait_dma2 semaphore(%run_scoped3A : memref<!tpu.dma_semaphore, #tpu.memory_space<semaphore_mem>>) src(%dma_wait3A_1683 : memref<128xf32, #tpu.memory_space<vmem>>) dst(%dma_wait3A_1681 : memref<128xf32, #tpu.memory_space<hbm>>)
      tpu.yield
    }) : () -> ()
    "tpu.region"() ({
      %run_scoped3A = tpu.sem_alloc : memref<!tpu.dma_semaphore, #tpu.memory_space<semaphore_mem>>
      %dma_start3A_1672 = arith.constant 0 : i32
      %dma_start3A_1673 = tpu.memref_slice %arg26[%dma_start3A_1672] : memref<256xf32, #tpu.memory_space<vmem>> -> memref<128xf32, #tpu.memory_space<vmem>>
      %dma_start3A_1674 = tpu.memref_slice %arg9[%add3A_1669] : memref<8192xf32, #tpu.memory_space<hbm>> -> memref<128xf32, #tpu.memory_space<hbm>>
      %dma_start3A_1675 = tpu.memref_slice %arg9[%add3A_1669] : memref<8192xf32, #tpu.memory_space<hbm>> -> memref<128xf32, #tpu.memory_space<hbm>>
      %dma_start3A_1676 = arith.constant 0 : i32
      %dma_start3A_1677 = tpu.memref_slice %arg26[%dma_start3A_1676] : memref<256xf32, #tpu.memory_space<vmem>> -> memref<128xf32, #tpu.memory_space<vmem>>
      tpu.enqueue_dma source(%dma_start3A_1677 : memref<128xf32, #tpu.memory_space<vmem>>) target(%dma_start3A_1675 : memref<128xf32, #tpu.memory_space<hbm>>) target_semaphore(%run_scoped3A : memref<!tpu.dma_semaphore, #tpu.memory_space<semaphore_mem>>)
      %dma_wait3A_1678 = arith.constant 0 : i32
      %dma_wait3A_1679 = tpu.memref_slice %arg26[%dma_wait3A_1678] : memref<256xf32, #tpu.memory_space<vmem>> -> memref<128xf32, #tpu.memory_space<vmem>>
      %dma_wait3A_1680 = tpu.memref_slice %arg9[%add3A_1669] : memref<8192xf32, #tpu.memory_space<hbm>> -> memref<128xf32, #tpu.memory_space<hbm>>
      %dma_wait3A_1681 = tpu.memref_slice %arg9[%add3A_1669] : memref<8192xf32, #tpu.memory_space<hbm>> -> memref<128xf32, #tpu.memory_space<hbm>>
      %dma_wait3A_1682 = arith.constant 0 : i32
      %dma_wait3A_1683 = tpu.memref_slice %arg26[%dma_wait3A_1682] : memref<256xf32, #tpu.memory_space<vmem>> -> memref<128xf32, #tpu.memory_space<vmem>>
      tpu.wait_dma2 semaphore(%run_scoped3A : memref<!tpu.dma_semaphore, #tpu.memory_space<semaphore_mem>>) src(%dma_wait3A_1683 : memref<128xf32, #tpu.memory_space<vmem>>) dst(%dma_wait3A_1681 : memref<128xf32, #tpu.memory_space<hbm>>)
      tpu.yield
    }) : () -> ()
    "tpu.region"() ({
      %run_scoped3A = tpu.sem_alloc : memref<!tpu.dma_semaphore, #tpu.memory_space<semaphore_mem>>
      %dma_start3A_1672 = arith.constant 0 : i32
      %dma_start3A_1673 = tpu.memref_slice %arg27[%dma_start3A_1672] : memref<256xf32, #tpu.memory_space<vmem>> -> memref<128xf32, #tpu.memory_space<vmem>>
      %dma_start3A_1674 = tpu.memref_slice %arg10[%add3A_1669] : memref<8192xf32, #tpu.memory_space<hbm>> -> memref<128xf32, #tpu.memory_space<hbm>>
      %dma_start3A_1675 = tpu.memref_slice %arg10[%add3A_1669] : memref<8192xf32, #tpu.memory_space<hbm>> -> memref<128xf32, #tpu.memory_space<hbm>>
      %dma_start3A_1676 = arith.constant 0 : i32
      %dma_start3A_1677 = tpu.memref_slice %arg27[%dma_start3A_1676] : memref<256xf32, #tpu.memory_space<vmem>> -> memref<128xf32, #tpu.memory_space<vmem>>
      tpu.enqueue_dma source(%dma_start3A_1677 : memref<128xf32, #tpu.memory_space<vmem>>) target(%dma_start3A_1675 : memref<128xf32, #tpu.memory_space<hbm>>) target_semaphore(%run_scoped3A : memref<!tpu.dma_semaphore, #tpu.memory_space<semaphore_mem>>)
      %dma_wait3A_1678 = arith.constant 0 : i32
      %dma_wait3A_1679 = tpu.memref_slice %arg27[%dma_wait3A_1678] : memref<256xf32, #tpu.memory_space<vmem>> -> memref<128xf32, #tpu.memory_space<vmem>>
      %dma_wait3A_1680 = tpu.memref_slice %arg10[%add3A_1669] : memref<8192xf32, #tpu.memory_space<hbm>> -> memref<128xf32, #tpu.memory_space<hbm>>
      %dma_wait3A_1681 = tpu.memref_slice %arg10[%add3A_1669] : memref<8192xf32, #tpu.memory_space<hbm>> -> memref<128xf32, #tpu.memory_space<hbm>>
      %dma_wait3A_1682 = arith.constant 0 : i32
      %dma_wait3A_1683 = tpu.memref_slice %arg27[%dma_wait3A_1682] : memref<256xf32, #tpu.memory_space<vmem>> -> memref<128xf32, #tpu.memory_space<vmem>>
      tpu.wait_dma2 semaphore(%run_scoped3A : memref<!tpu.dma_semaphore, #tpu.memory_space<semaphore_mem>>) src(%dma_wait3A_1683 : memref<128xf32, #tpu.memory_space<vmem>>) dst(%dma_wait3A_1681 : memref<128xf32, #tpu.memory_space<hbm>>)
      tpu.yield
    }) : () -> ()
    %add3A_1670 = arith.constant 4096 : i32
    %add3A_1671 = arith.addi %add3A_1670, %mul3A_2 : i32
    "tpu.region"() ({
      %run_scoped3A = tpu.sem_alloc : memref<!tpu.dma_semaphore, #tpu.memory_space<semaphore_mem>>
      %dma_start3A_1672 = arith.constant 128 : i32
      %dma_start3A_1673 = tpu.memref_slice %arg24[%dma_start3A_1672] : memref<256xf32, #tpu.memory_space<vmem>> -> memref<128xf32, #tpu.memory_space<vmem>>
      %dma_start3A_1674 = tpu.memref_slice %arg7[%add3A_1671] : memref<8192xf32, #tpu.memory_space<hbm>> -> memref<128xf32, #tpu.memory_space<hbm>>
      %dma_start3A_1675 = tpu.memref_slice %arg7[%add3A_1671] : memref<8192xf32, #tpu.memory_space<hbm>> -> memref<128xf32, #tpu.memory_space<hbm>>
      %dma_start3A_1676 = arith.constant 128 : i32
      %dma_start3A_1677 = tpu.memref_slice %arg24[%dma_start3A_1676] : memref<256xf32, #tpu.memory_space<vmem>> -> memref<128xf32, #tpu.memory_space<vmem>>
      tpu.enqueue_dma source(%dma_start3A_1677 : memref<128xf32, #tpu.memory_space<vmem>>) target(%dma_start3A_1675 : memref<128xf32, #tpu.memory_space<hbm>>) target_semaphore(%run_scoped3A : memref<!tpu.dma_semaphore, #tpu.memory_space<semaphore_mem>>)
      %dma_wait3A_1678 = arith.constant 128 : i32
      %dma_wait3A_1679 = tpu.memref_slice %arg24[%dma_wait3A_1678] : memref<256xf32, #tpu.memory_space<vmem>> -> memref<128xf32, #tpu.memory_space<vmem>>
      %dma_wait3A_1680 = tpu.memref_slice %arg7[%add3A_1671] : memref<8192xf32, #tpu.memory_space<hbm>> -> memref<128xf32, #tpu.memory_space<hbm>>
      %dma_wait3A_1681 = tpu.memref_slice %arg7[%add3A_1671] : memref<8192xf32, #tpu.memory_space<hbm>> -> memref<128xf32, #tpu.memory_space<hbm>>
      %dma_wait3A_1682 = arith.constant 128 : i32
      %dma_wait3A_1683 = tpu.memref_slice %arg24[%dma_wait3A_1682] : memref<256xf32, #tpu.memory_space<vmem>> -> memref<128xf32, #tpu.memory_space<vmem>>
      tpu.wait_dma2 semaphore(%run_scoped3A : memref<!tpu.dma_semaphore, #tpu.memory_space<semaphore_mem>>) src(%dma_wait3A_1683 : memref<128xf32, #tpu.memory_space<vmem>>) dst(%dma_wait3A_1681 : memref<128xf32, #tpu.memory_space<hbm>>)
      tpu.yield
    }) : () -> ()
    "tpu.region"() ({
      %run_scoped3A = tpu.sem_alloc : memref<!tpu.dma_semaphore, #tpu.memory_space<semaphore_mem>>
      %dma_start3A_1672 = arith.constant 128 : i32
      %dma_start3A_1673 = tpu.memref_slice %arg25[%dma_start3A_1672] : memref<256xf32, #tpu.memory_space<vmem>> -> memref<128xf32, #tpu.memory_space<vmem>>
      %dma_start3A_1674 = tpu.memref_slice %arg8[%add3A_1671] : memref<8192xf32, #tpu.memory_space<hbm>> -> memref<128xf32, #tpu.memory_space<hbm>>
      %dma_start3A_1675 = tpu.memref_slice %arg8[%add3A_1671] : memref<8192xf32, #tpu.memory_space<hbm>> -> memref<128xf32, #tpu.memory_space<hbm>>
      %dma_start3A_1676 = arith.constant 128 : i32
      %dma_start3A_1677 = tpu.memref_slice %arg25[%dma_start3A_1676] : memref<256xf32, #tpu.memory_space<vmem>> -> memref<128xf32, #tpu.memory_space<vmem>>
      tpu.enqueue_dma source(%dma_start3A_1677 : memref<128xf32, #tpu.memory_space<vmem>>) target(%dma_start3A_1675 : memref<128xf32, #tpu.memory_space<hbm>>) target_semaphore(%run_scoped3A : memref<!tpu.dma_semaphore, #tpu.memory_space<semaphore_mem>>)
      %dma_wait3A_1678 = arith.constant 128 : i32
      %dma_wait3A_1679 = tpu.memref_slice %arg25[%dma_wait3A_1678] : memref<256xf32, #tpu.memory_space<vmem>> -> memref<128xf32, #tpu.memory_space<vmem>>
      %dma_wait3A_1680 = tpu.memref_slice %arg8[%add3A_1671] : memref<8192xf32, #tpu.memory_space<hbm>> -> memref<128xf32, #tpu.memory_space<hbm>>
      %dma_wait3A_1681 = tpu.memref_slice %arg8[%add3A_1671] : memref<8192xf32, #tpu.memory_space<hbm>> -> memref<128xf32, #tpu.memory_space<hbm>>
      %dma_wait3A_1682 = arith.constant 128 : i32
      %dma_wait3A_1683 = tpu.memref_slice %arg25[%dma_wait3A_1682] : memref<256xf32, #tpu.memory_space<vmem>> -> memref<128xf32, #tpu.memory_space<vmem>>
      tpu.wait_dma2 semaphore(%run_scoped3A : memref<!tpu.dma_semaphore, #tpu.memory_space<semaphore_mem>>) src(%dma_wait3A_1683 : memref<128xf32, #tpu.memory_space<vmem>>) dst(%dma_wait3A_1681 : memref<128xf32, #tpu.memory_space<hbm>>)
      tpu.yield
    }) : () -> ()
    "tpu.region"() ({
      %run_scoped3A = tpu.sem_alloc : memref<!tpu.dma_semaphore, #tpu.memory_space<semaphore_mem>>
      %dma_start3A_1672 = arith.constant 128 : i32
      %dma_start3A_1673 = tpu.memref_slice %arg26[%dma_start3A_1672] : memref<256xf32, #tpu.memory_space<vmem>> -> memref<128xf32, #tpu.memory_space<vmem>>
      %dma_start3A_1674 = tpu.memref_slice %arg9[%add3A_1671] : memref<8192xf32, #tpu.memory_space<hbm>> -> memref<128xf32, #tpu.memory_space<hbm>>
      %dma_start3A_1675 = tpu.memref_slice %arg9[%add3A_1671] : memref<8192xf32, #tpu.memory_space<hbm>> -> memref<128xf32, #tpu.memory_space<hbm>>
      %dma_start3A_1676 = arith.constant 128 : i32
      %dma_start3A_1677 = tpu.memref_slice %arg26[%dma_start3A_1676] : memref<256xf32, #tpu.memory_space<vmem>> -> memref<128xf32, #tpu.memory_space<vmem>>
      tpu.enqueue_dma source(%dma_start3A_1677 : memref<128xf32, #tpu.memory_space<vmem>>) target(%dma_start3A_1675 : memref<128xf32, #tpu.memory_space<hbm>>) target_semaphore(%run_scoped3A : memref<!tpu.dma_semaphore, #tpu.memory_space<semaphore_mem>>)
      %dma_wait3A_1678 = arith.constant 128 : i32
      %dma_wait3A_1679 = tpu.memref_slice %arg26[%dma_wait3A_1678] : memref<256xf32, #tpu.memory_space<vmem>> -> memref<128xf32, #tpu.memory_space<vmem>>
      %dma_wait3A_1680 = tpu.memref_slice %arg9[%add3A_1671] : memref<8192xf32, #tpu.memory_space<hbm>> -> memref<128xf32, #tpu.memory_space<hbm>>
      %dma_wait3A_1681 = tpu.memref_slice %arg9[%add3A_1671] : memref<8192xf32, #tpu.memory_space<hbm>> -> memref<128xf32, #tpu.memory_space<hbm>>
      %dma_wait3A_1682 = arith.constant 128 : i32
      %dma_wait3A_1683 = tpu.memref_slice %arg26[%dma_wait3A_1682] : memref<256xf32, #tpu.memory_space<vmem>> -> memref<128xf32, #tpu.memory_space<vmem>>
      tpu.wait_dma2 semaphore(%run_scoped3A : memref<!tpu.dma_semaphore, #tpu.memory_space<semaphore_mem>>) src(%dma_wait3A_1683 : memref<128xf32, #tpu.memory_space<vmem>>) dst(%dma_wait3A_1681 : memref<128xf32, #tpu.memory_space<hbm>>)
      tpu.yield
    }) : () -> ()
    "tpu.region"() ({
      %run_scoped3A = tpu.sem_alloc : memref<!tpu.dma_semaphore, #tpu.memory_space<semaphore_mem>>
      %dma_start3A_1672 = arith.constant 128 : i32
      %dma_start3A_1673 = tpu.memref_slice %arg27[%dma_start3A_1672] : memref<256xf32, #tpu.memory_space<vmem>> -> memref<128xf32, #tpu.memory_space<vmem>>
      %dma_start3A_1674 = tpu.memref_slice %arg10[%add3A_1671] : memref<8192xf32, #tpu.memory_space<hbm>> -> memref<128xf32, #tpu.memory_space<hbm>>
      %dma_start3A_1675 = tpu.memref_slice %arg10[%add3A_1671] : memref<8192xf32, #tpu.memory_space<hbm>> -> memref<128xf32, #tpu.memory_space<hbm>>
      %dma_start3A_1676 = arith.constant 128 : i32
      %dma_start3A_1677 = tpu.memref_slice %arg27[%dma_start3A_1676] : memref<256xf32, #tpu.memory_space<vmem>> -> memref<128xf32, #tpu.memory_space<vmem>>
      tpu.enqueue_dma source(%dma_start3A_1677 : memref<128xf32, #tpu.memory_space<vmem>>) target(%dma_start3A_1675 : memref<128xf32, #tpu.memory_space<hbm>>) target_semaphore(%run_scoped3A : memref<!tpu.dma_semaphore, #tpu.memory_space<semaphore_mem>>)
      %dma_wait3A_1678 = arith.constant 128 : i32
      %dma_wait3A_1679 = tpu.memref_slice %arg27[%dma_wait3A_1678] : memref<256xf32, #tpu.memory_space<vmem>> -> memref<128xf32, #tpu.memory_space<vmem>>
      %dma_wait3A_1680 = tpu.memref_slice %arg10[%add3A_1671] : memref<8192xf32, #tpu.memory_space<hbm>> -> memref<128xf32, #tpu.memory_space<hbm>>
      %dma_wait3A_1681 = tpu.memref_slice %arg10[%add3A_1671] : memref<8192xf32, #tpu.memory_space<hbm>> -> memref<128xf32, #tpu.memory_space<hbm>>
      %dma_wait3A_1682 = arith.constant 128 : i32
      %dma_wait3A_1683 = tpu.memref_slice %arg27[%dma_wait3A_1682] : memref<256xf32, #tpu.memory_space<vmem>> -> memref<128xf32, #tpu.memory_space<vmem>>
      tpu.wait_dma2 semaphore(%run_scoped3A : memref<!tpu.dma_semaphore, #tpu.memory_space<semaphore_mem>>) src(%dma_wait3A_1683 : memref<128xf32, #tpu.memory_space<vmem>>) dst(%dma_wait3A_1681 : memref<128xf32, #tpu.memory_space<hbm>>)
      tpu.yield
    }) : () -> ()
    return
  }
}

module attributes {stable_mosaic.version = 14 : i64} {
  func.func @_tc_argmax_copy(%arg0: i32, %arg1: i32, %arg2: memref<128x2048xf32, #tpu.memory_space<vmem>>, %arg3: memref<128x2048xf32, #tpu.memory_space<vmem>>, %arg4: memref<128xi32, #tpu.memory_space<vmem>>, %arg5: memref<128xf32, #tpu.memory_space<vmem>>, %arg6: memref<128xi32, #tpu.memory_space<vmem>>) attributes {dimension_semantics = [#tpu.dimension_semantics<parallel>, #tpu.dimension_semantics<arbitrary>], iteration_bounds = array<i64: 32, 5>, scalar_prefetch = 0 : i64, scratch_operands = 2 : i64, tpu.core_type = #tpu.core_type<tc>, window_params = [{transform_indices = @transform_0, window_bounds = array<i64: 128, 2048>}, {transform_indices = @transform_1, window_bounds = array<i64: 128, 2048>}, {transform_indices = @transform_2, window_bounds = array<i64: 128>}]} {
    %get3A = arith.constant 0 : index
    %get3A_0 = arith.constant 0 : index
    %get3A_1 = vector.load %arg2[%get3A, %get3A_0] : memref<128x2048xf32, #tpu.memory_space<vmem>>, vector<128x2048xf32>
    %swap3A = arith.constant 0 : index
    %swap3A_2 = arith.constant 0 : index
    %swap3A_3 = vector.load %arg3[%swap3A, %swap3A_2] : memref<128x2048xf32, #tpu.memory_space<vmem>>, vector<128x2048xf32>
    tpu.vector_store %arg3[%swap3A, %swap3A_2], %get3A_1 {strides = array<i32>} : memref<128x2048xf32, #tpu.memory_space<vmem>>, vector<128x2048xf32>,
    %mul3A = arith.constant 2048 : i32
    %mul3A_4 = arith.muli %arg1, %mul3A : i32
    %iota3A = tpu.iota {dimensions = array<i32: 1>} : vector<128x2048xi32>
    %add3A = vector.broadcast %mul3A_4 : i32 to vector<128x2048xi32>
    %add3A_5 = arith.addi %add3A, %iota3A : vector<128x2048xi32>
    %lt3A = arith.constant 10000 : i32
    %lt3A_6 = vector.broadcast %lt3A : i32 to vector<128x2048xi32>
    %lt3A_7 = arith.cmpi slt, %add3A_5, %lt3A_6 : vector<128x2048xi32>
    %jit3A = arith.constant 0xFF800000 : f32
    %broadcast_in_dim3A = vector.broadcast %jit3A : f32 to vector<128x2048xf32>
    %select_n3A = arith.select %lt3A_7, %get3A_1, %broadcast_in_dim3A : vector<128x2048xi1>, vector<128x2048xf32>
    %reduce_max3A = arith.constant dense<0xFF800000> : vector<128xf32>
    %reduce_max3A_8 = vector.multi_reduction <maximumf>, %select_n3A, %reduce_max3A [1] : vector<128x2048xf32> to vector<128xf32>
    %broadcast_in_dim3A_9 = vector.shape_cast %reduce_max3A_8 : vector<128xf32> to vector<128x1xf32>
    %eq3A = vector.broadcast %broadcast_in_dim3A_9 : vector<128x1xf32> to vector<128x2048xf32>
    %eq3A_10 = arith.cmpf oeq, %select_n3A, %eq3A : vector<128x2048xf32>
    %jit3A_11 = arith.constant 9999 : i32
    %broadcast_in_dim3A_12 = vector.broadcast %jit3A_11 : i32 to vector<128x2048xi32>
    %select_n3A_13 = arith.select %eq3A_10, %add3A_5, %broadcast_in_dim3A_12 : vector<128x2048xi1>, vector<128x2048xi32>
    %reduce_min3A = arith.constant dense<2147483647> : vector<128xi32>
    %reduce_min3A_14 = vector.multi_reduction <minsi>, %select_n3A_13, %reduce_min3A [1] : vector<128x2048xi32> to vector<128xi32>
    %eq3A_15 = arith.constant 0 : i32
    %eq3A_16 = arith.cmpi eq, %arg1, %eq3A_15 : i32
    %convert_element_type3A = arith.extui %eq3A_16 : i1 to i32
    %cond3A = arith.constant 0 : i32
    %cond3A_17 = arith.cmpi ne, %convert_element_type3A, %cond3A : i32
    scf.if %cond3A_17 {
      %swap3A_27 = arith.constant 0 : index
      %swap3A_28 = vector.load %arg5[%swap3A_27] : memref<128xf32, #tpu.memory_space<vmem>>, vector<128xf32>
      tpu.vector_store %arg5[%swap3A_27], %reduce_max3A_8 {strides = array<i32>} : memref<128xf32, #tpu.memory_space<vmem>>, vector<128xf32>,
      %swap3A_29 = arith.constant 0 : index
      %swap3A_30 = vector.load %arg6[%swap3A_29] : memref<128xi32, #tpu.memory_space<vmem>>, vector<128xi32>
      tpu.vector_store %arg6[%swap3A_29], %reduce_min3A_14 {strides = array<i32>} : memref<128xi32, #tpu.memory_space<vmem>>, vector<128xi32>,
    } else {
    }
    %gt3A = arith.constant 0 : i32
    %gt3A_18 = arith.cmpi sgt, %arg1, %gt3A : i32
    %convert_element_type3A_19 = arith.extui %gt3A_18 : i1 to i32
    %cond3A_20 = arith.constant 0 : i32
    %cond3A_21 = arith.cmpi ne, %convert_element_type3A_19, %cond3A_20 : i32
    scf.if %cond3A_21 {
      %get3A_27 = arith.constant 0 : index
      %get3A_28 = vector.load %arg5[%get3A_27] : memref<128xf32, #tpu.memory_space<vmem>>, vector<128xf32>
      %gt3A_29 = arith.cmpf ogt, %reduce_max3A_8, %get3A_28 : vector<128xf32>
      %get3A_30 = arith.constant 0 : index
      %get3A_31 = vector.load %arg5[%get3A_30] : memref<128xf32, #tpu.memory_space<vmem>>, vector<128xf32>
      %select_n3A_32 = arith.select %gt3A_29, %reduce_max3A_8, %get3A_31 : vector<128xi1>, vector<128xf32>
      %swap3A_33 = arith.constant 0 : index
      %swap3A_34 = vector.load %arg5[%swap3A_33] : memref<128xf32, #tpu.memory_space<vmem>>, vector<128xf32>
      tpu.vector_store %arg5[%swap3A_33], %select_n3A_32 {strides = array<i32>} : memref<128xf32, #tpu.memory_space<vmem>>, vector<128xf32>,
      %get3A_35 = arith.constant 0 : index
      %get3A_36 = vector.load %arg6[%get3A_35] : memref<128xi32, #tpu.memory_space<vmem>>, vector<128xi32>
      %select_n3A_37 = arith.select %gt3A_29, %reduce_min3A_14, %get3A_36 : vector<128xi1>, vector<128xi32>
      %swap3A_38 = arith.constant 0 : index
      %swap3A_39 = vector.load %arg6[%swap3A_38] : memref<128xi32, #tpu.memory_space<vmem>>, vector<128xi32>
      tpu.vector_store %arg6[%swap3A_38], %select_n3A_37 {strides = array<i32>} : memref<128xi32, #tpu.memory_space<vmem>>, vector<128xi32>,
    } else {
    }
    %eq3A_22 = arith.constant 4 : i32
    %eq3A_23 = arith.cmpi eq, %arg1, %eq3A_22 : i32
    %convert_element_type3A_24 = arith.extui %eq3A_23 : i1 to i32
    %cond3A_25 = arith.constant 0 : i32
    %cond3A_26 = arith.cmpi ne, %convert_element_type3A_24, %cond3A_25 : i32
    scf.if %cond3A_26 {
      %get3A_27 = arith.constant 0 : index
      %get3A_28 = vector.load %arg6[%get3A_27] : memref<128xi32, #tpu.memory_space<vmem>>, vector<128xi32>
      %swap3A_29 = arith.constant 0 : index
      %swap3A_30 = vector.load %arg4[%swap3A_29] : memref<128xi32, #tpu.memory_space<vmem>>, vector<128xi32>
      tpu.vector_store %arg4[%swap3A_29], %get3A_28 {strides = array<i32>} : memref<128xi32, #tpu.memory_space<vmem>>, vector<128xi32>,
    } else {
    }
    return
  }
  func.func @transform_0(%arg0: i32, %arg1: i32) -> (i32, i32) {
    %c0_i32 = arith.constant 0 : i32
    return %arg0, %arg1 : i32, i32
  }
  func.func @transform_1(%arg0: i32, %arg1: i32) -> (i32, i32) {
    %c0_i32 = arith.constant 0 : i32
    return %arg0, %arg1 : i32, i32
  }
  func.func @transform_2(%arg0: i32, %arg1: i32) -> i32 {
    %c0_i32 = arith.constant 0 : i32
    return %arg0 : i32
  }
}

</mosaic_0001>

<sc_bundles>
// kernel: kernel.4.cloned.1.call-start
scs
__scs_entry_jumppad:
0x0: {  	(pc) =	sbr.rel $0x88, $3  }
0x1: {  	(tag) =	ssettag $0x0;
	lr =	simm.s32 $0x1  }
0x2: {  	[smem:$0x3F9D] =	sst lr;
	_ =	strace $0xD0000000  }
0x3: {  	_ = 	snop  }
0x4: {  	_ = 	snop  }
0x5: {  	_ = 	snop  }
0x6: {  	_ = 	snop  }
0x7: {  	_ = 	snop  }
__scs_overlays_trampoline_lowered:
0x8: {  	[smem:$0x3FAC] =	sst s0  }
0x9: {  	[smem:$0x3FAD] =	sst s1  }
0xa: {  	[smem:$0x3FAE] =	sst s2  }
0xb: {  	[smem:$0x3FAF] =	sst s3  }
0xc: {  	[smem:$0x3FB0] =	sst s4  }
0xd: {  	[smem:$0x3FB1] =	sst s5  }
0xe: {  	[smem:$0x3FB2] =	sst s6  }
0xf: {  	[smem:$0x3FB3] =	sst s7  }
0x10: {  	[smem:$0x3FB4] =	sst s8  }
0x11: {  	[smem:$0x3FB5] =	sst s9;
	s0 =	simm.s32 @!p0 $0x0  }
0x12: {  	s1 =	sld [smem:$0x3F9B];
	s0 =	simm.s32 @p0 $0x1  }
0x13: {  	[smem:$0x3FB6] =	sst s0;
	s0 =	simm.s32 @!p1 $0x0  }
0x14: {  	s2 =	sld [smem:$0x3F9A];
	s0 =	simm.s32 @p1 $0x1  }
0x15: {  	[smem:$0x3FB7] =	sst s0;
	s0 =	simm.s32 @!p2 $0x0  }
0x16: {  	s3 =	sld [smem:$0x3FDB];
	s0 =	simm.s32 @p2 $0x1  }
0x17: {  	s4 =	simm.s32 $0x1BF5;
	[smem:$0x3FB9] =	sst s0  }
0x18: {  	s0 =	sld [smem:$0x3F9C];
	_ =	swait.ge [sflag:s4], $0x0  }
0x19: {  	s7 =	sld [smem:$0x3F9D]  }
0x1a: {  	s8 =	sadd.s32 $0xFFFFE003, lr  }
0x1b: {  	s9 =	sadd.s32 $0xFFFFFEF7, lr;
	s5 =	simm.s32 $0xFFFFFFFF;
	p2 =	slt.u32 s8, $0xFFFFF086  }
0x1c: {  	p1 =	slt.u32 s9, $0xF7A;
	s5 =	simm.s32 @!p2 $0x0  }
0x1d: {  	s5 =	simm.s32 @p1 $0x1;
	p0 =	seq.s32 s7, s2  }
0x1e: {  	s7 =	smul.u32 @!p0 $0xF7A, s2;
	p2 =	seq.s32 @!p0 s5, $0x0  }
0x1f: {  	s9 =	smul.u32 $0xF7A, s1;
	s8 =	simm.s32 @!p0 $0x1BF5;
	p2 =	por !p2, p0  }
0x20: {  	[sflag:s8] =	ssyncset.s32 @!p0 $0xFFFFF086;
	s6 =	sadd.s32 @!p0 s3, s7;
	s7 =	simm.s32 @!p0 $0x108  }
0x21: {  	s3 =	sadd.s32 s3, s9;
	s6 =	sadd.s32 @!p0 $0x88, s6;
	s7 =	simm.s32 @p2 $0x1082  }
0x22: {  	[simem:s7], [sflag:s8] =	dma.local @!p0 [hbm:s6], $0xF7A  }
0x23: {  	s9 =	sor.u32 $0xD0000000, s2;
	s6 =	simm.s32 $0x108;
	_ =	swait.ge @!p0 [sflag:s8], $0x0  }
0x24: {  	s3 =	sadd.s32 $0x88, s3;
	s6 =	simm.s32 @!p1 $0x1082;
	[sflag:s4] =	ssyncset.s32 $0xFFFFF086  }
0x25: {  	[simem:s6], [sflag:s4] =	dma.local [hbm:s3], $0xF7A  }
0x26: {  	[smem:$0x3F9D] =	sst s1;
	(tag) =	ssettag s2;
	_ =	strace s9  }
0x27: {  	s1 =	sld [smem:$0x3FAD]  }
0x28: {  	s2 =	sld [smem:$0x3FAE]  }
0x29: {  	s4 =	sld [smem:$0x3FB0]  }
0x2a: {  	p0 =	seq.s32 s5, $0x0;
	s5 =	sld [smem:$0x3FB1]  }
0x2b: {  	s6 =	sld [smem:$0x3FB2]  }
0x2c: {  	s7 =	sld [smem:$0x3FB3]  }
0x2d: {  	s3 =	simm.s32 $0x108;
	s8 =	sld [smem:$0x3FB4]  }
0x2e: {  	s3 =	simm.s32 @!p0 $0x1082;
	s9 =	sld [smem:$0x3FB5]  }
0x2f: {  	lr =	sadd.s32 s0, s3;
	s0 =	sld [smem:$0x3FAC]  }
0x30: {  	s3 =	sld [smem:$0x3FAF]  }
0x31: {  	[smem:$0x3FB8] =	sst s10  }
0x32: {  	s10 =	sld [smem:$0x3FB6];
	_ =	sdelay $0x3  }
0x33: {  	p0 =	seq.s32 s10, $0x1;
	s10 =	sld [smem:$0x3FB8];
	_ =	sdelay $0x3  }
0x34: {  	[smem:$0x3FB8] =	sst s10  }
0x35: {  	s10 =	sld [smem:$0x3FB7];
	_ =	sdelay $0x3  }
0x36: {  	p1 =	seq.s32 s10, $0x1;
	s10 =	sld [smem:$0x3FB8];
	_ =	sdelay $0x3  }
0x37: {  	[smem:$0x3FB8] =	sst s10  }
0x38: {  	s10 =	sld [smem:$0x3FB9]  }
0x39: {  	_ = 	snop;
	(pc) =	sbr.ind lr, $3  }
0x3a: {  	_ = 	snop  }
0x3b: {  	_ = 	snop  }
0x3c: {  	p2 =	seq.s32 s10, $0x1;
	s10 =	sld [smem:$0x3FB8]  }
0x3d: {  	_ =	shalt  }
0x3e: {  	_ =	shalt  }
0x3f: {  	_ =	shalt  }
0x40: {  	_ =	shalt  }
0x41: {  	_ =	shalt  }
0x42: {  	_ =	shalt  }
0x43: {  	_ =	shalt  }
0x44: {  	_ =	shalt  }
0x45: {  	_ =	shalt  }
0x46: {  	_ =	shalt  }
0x47: {  	_ =	shalt  }
0x48: {  	_ =	shalt  }
0x49: {  	_ =	shalt  }
0x4a: {  	_ =	shalt  }
0x4b: {  	_ =	shalt  }
0x4c: {  	_ =	shalt  }
0x4d: {  	_ =	shalt  }
0x4e: {  	_ =	shalt  }
0x4f: {  	_ =	shalt  }
0x50: {  	_ =	shalt  }
0x51: {  	_ =	shalt  }
0x52: {  	_ =	shalt  }
0x53: {  	_ =	shalt  }
0x54: {  	_ =	shalt  }
0x55: {  	_ =	shalt  }
0x56: {  	_ =	shalt  }
0x57: {  	_ =	shalt  }
0x58: {  	_ =	shalt  }
0x59: {  	_ =	shalt  }
0x5a: {  	_ =	shalt  }
0x5b: {  	_ =	shalt  }
0x5c: {  	_ =	shalt  }
0x5d: {  	_ =	shalt  }
0x5e: {  	_ =	shalt  }
0x5f: {  	_ =	shalt  }
0x60: {  	_ =	shalt  }
0x61: {  	_ =	shalt  }
0x62: {  	_ =	shalt  }
0x63: {  	_ =	shalt  }
0x64: {  	_ =	shalt  }
0x65: {  	_ =	shalt  }
0x66: {  	_ =	shalt  }
0x67: {  	_ =	shalt  }
0x68: {  	_ =	shalt  }
0x69: {  	_ =	shalt  }
0x6a: {  	_ =	shalt  }
0x6b: {  	_ =	shalt  }
0x6c: {  	_ =	shalt  }
0x6d: {  	_ =	shalt  }
0x6e: {  	_ =	shalt  }
0x6f: {  	_ =	shalt  }
0x70: {  	_ =	shalt  }
0x71: {  	_ =	shalt  }
0x72: {  	_ =	shalt  }
0x73: {  	_ =	shalt  }
0x74: {  	_ =	shalt  }
0x75: {  	_ =	shalt  }
0x76: {  	_ =	shalt  }
0x77: {  	_ =	shalt  }
0x78: {  	_ =	shalt  }
0x79: {  	_ =	shalt  }
0x7a: {  	_ =	shalt  }
0x7b: {  	_ =	shalt  }
0x7c: {  	_ =	shalt  }
0x7d: {  	_ =	shalt  }
0x7e: {  	_ =	shalt  }
0x7f: {  	_ =	shalt  }
0x80: {  	_ =	shalt  }
0x81: {  	_ =	shalt  }
0x82: {  	_ =	shalt  }
0x83: {  	_ =	shalt  }
0x84: {  	_ =	shalt  }
0x85: {  	_ =	shalt  }
0x86: {  	_ =	shalt  }
0x87: {  	_ =	shalt  }
.Lfunc_end0:
.L_simem_size_0:
called_computation_lowered:
.L_overlay_start_0:
0x88: {  	s2 =	sld [smem:$0x3FD9]  }
0x89: {  	s3 =	sld [smem:$0x3FFE];
	_ =	sdelay $0x1  }
0x8a: {  	s1 =	srdreg.scid  }
0x8b: {  	s0 =	sand.u32 $0x1, s1  }
0x8c: {  	s14 =	sshll.u32 s0, $0xA;
	s2 =	sadd.s32 s3, s2  }
0x8d: {  	s2 =	sadd.s32 s2, s14  }
0x8e: {  	[smem:$0x3FC4] =	sst s2  }
0x8f: {  	_ = 	snop  }
0x90: {  	s2 =	sld [smem:$0x3FD0];
	_ =	sdelay $0x2  }
0x91: {  	s15 =	simm.s32 $0xA;
	s4 =	simm.s32 $0x10  }
0x92: {  	[smem:s4], [sflag:s15] =	dma.local [hbm:s2], $0x1  }
0x93: {  	_ =	swait.eq [sflag:s15], $0x1  }
0x94: {  	s16 =	sld [smem:$0x12];
	[sflag:s15] =	ssyncset.done $0x0  }
0x95: {  	s17 =	sld [smem:$0x13];
	[sflag:s15] =	ssyncadd.s32 $0xFFFFFFFF  }
0x96: {  	s18 =	sld [smem:$0x14];
	(tm) =	ssettm $0x1  }
0x97: {  	s5 =	sld [smem:$0x3FFB];
	_ =	sdelay $0x3  }
0x98: {  	_ =	strace s5  }
0x99: {  	s5 =	sld [smem:$0x3FFC];
	_ =	sdelay $0x3  }
0x9a: {  	_ =	strace s5  }
0x9b: {  	s5 =	sld [smem:$0x3FFD];
	_ =	sdelay $0x3  }
0x9c: {  	_ =	strace s5  }
0x9d: {  	_ =	strace $0x8FFFFFFF  }
0x9e: {  	s19 =	sld [smem:$0x3FDB];
	_ =	sdelay $0x1  }
0x9f: {  	s6 =	simm.s32 $_scs_section_size  }
0xa0: {  	s7 =	simm.s32 $_size__tile_overlayer_lowered;
	s8 =	simm.s32 $_tile_overlayer_lowered  }
0xa1: {  	s22 =	simm.s32 $0x1BFF;
	s21 =	sshll.u32 s8, $0x1;
	s5 =	sadd.s32 s6, s19  }
0xa2: {  	s9 =	simm.s32 $0x0;
	s20 =	sshll.u32 s7, $0x1;
	s7 =	sadd.s32 s21, s5  }
0xa3: {  	[timem:s9], [sflag:s22] =	dma.local [hbm:s7], s20  }
0xa4: {  	_ =	swait.ge [sflag:s22], s20  }
0xa5: {  	s6 =	ssub.s32 $0x0, s20;
	[sflag:s22] =	ssyncset.done $0x0  }
0xa6: {  	[sflag:s22] =	ssyncadd.s32 s6;
	_ =	sdelay $0x1  }
0xa7: {  	s23 =	simm.s32 $0x1B8B  }
0xa8: {  	_ =	swait.ge [sflag:s23], $0x1  }
0xa9: {  	[sflag:s23] =	ssyncset.done $0x0  }
0xaa: {  	s25 =	simm.s32 $0x1B8E;
	s24 =	sld [smem:$0x3FFE];
	[sflag:s23] =	ssyncadd.s32 $0xFFFFFFFF  }
0xab: {  	s26 =	simm.s32 $execute0_lowered;
	[smem:$0x3FD2] =	sst s25  }
0xac: {  	s7 =	sshll.u32 s26, $0x1;
	_ =	strace $0x80000046;
	[dreg:$0x1] =	wrdreg $0xFFFFFFFF  }
0xad: {  	s28 =	simm.s32 $_size_execute0_lowered;
	s5 =	sadd.s32 s5, s7;
	[dreg:$0x0] =	wrdreg $0x0  }
0xae: {  	s7 =	sshll.u32 s28, $0x1;
	[dreg:$0x2] =	wrdreg s5  }
0xaf: {  	[dreg:$0x3] =	wrdreg s7  }
0xb0: {  	[dreg:$0x4] =	wrdreg $0xC0  }
0xb1: {  	_ =	task [dreg:s9], $0x5FFFF  }
0xb2: {  	[dreg:$0x1] =	wrdreg $0xFFFFFFFF  }
0xb3: {  	[dreg:$0x0] =	wrdreg $0x60  }
0xb4: {  	[dreg:$0x2] =	wrdreg s24  }
0xb5: {  	[dreg:$0x3] =	wrdreg s16  }
0xb6: {  	[dreg:$0x4] =	wrdreg s18  }
0xb7: {  	[dreg:$0x5] =	wrdreg s17  }
0xb8: {  	[dreg:$0x6] =	wrdreg $0x9  }
0xb9: {  	_ =	task.clear_ibuf [dreg:s9], $0x7FFFF;
	_ =	strace $0x90000046  }
0xba: {  	s29 =	simm.s32 $0x9;
	_ =	strace $0x80000048  }
0xbb: {  	_ =	swait.ge [sflag:s29], $0x1  }
0xbc: {  	[sflag:s29] =	ssyncadd.s32 $0xFFFFFFFF  }
0xbd: {  	_ =	strace $0x90000048  }
0xbe: {  	_ =	sfence  }
0xbf: {  	s30 =	sld [smem:$0x0];
	_ =	sdelay $0x2  }
0xc0: {  	s31 =	sshll.u32 s1, $0xD;
	s1 =	sshrl.u32 s1, $0x2  }
0xc1: {  	s3 =	sand.u32 $0x4000, s31;
	s1 =	sadd.s32 s1, s30  }
0xc2: {  	s0 =	sor.u32 s3, s0;
	s1 =	sshll.u32 s1, $0x11  }
0xc3: {  	s0 =	sor.u32 s1, s0  }
0xc4: {  	s0 =	sadd.s32 $0x8F2B, s0  }
0xc5: {  	[sflag:s0] =	ssyncadd.remote.s32 $0x1  }
0xc6: {  	_ =	sfence.sel $0xFFFF  }
0xc7: {  	[dreg:$0x0] =	wrdreg $0xFFFFFFFF;
	(pc) =	sbr.abs _section_cstart, $3  }
0xc8: {  	[dreg:$0x1] =	wrdreg $0xFFFFFFFF  }
0xc9: {  	_ =	task.clear_ibuf [dreg:s9], $0x2FFFF;
	_ =	strace $0x9FFFFFFF  }
0xca: {  	(tm) =	ssettm $0x7FFFFFFF  }
0xcb: {  	_ =	shalt  }
tec
execute0_lowered:
.L_overlay_start_1:
0x0: {  	(tag) =	ssettag $0x1  }
0x1: {  	s0 =	rddreg [dreg:$0x0]  }
0x2: {  	s7 =	rddreg [dreg:$0x1]  }
0x3: {  	s8 =	rddreg [dreg:$0x2]  }
0x4: {  	s9 =	rddreg [dreg:$0x3]  }
0x5: {  	s2 =	simm.s32 $0x0;
	s3 =	srdreg.scid;
	s1 =	stileid.u32  }
0x6: {  	s28 =	simm.s32 $0x980;
	s29 =	simm.s32 $0x700;
	s30 =	simm.s32 $0x800  }
0x7: {  	s31 =	simm.s32 $0x900;
	[smem:$0x7FF] =	sst s2;
	s10 =	sand.u32 $0x1, s3  }
0x8: {  	s3 =	sadd.s32 $0x13A1200, s0;
	s6 =	sshll.u32 s1, $0x8;
	s4 =	sadd.s32 $0x1200, s0  }
0x9: {  	s5 =	sadd.s32 $0x1C00, s0;
	s13 =	sadd.s32 $0x3000, s0;
	s11 =	sshll.u32 s10, $0x7  }
0xa: {  	_ =	strace $0x80000047;
	s10 =	ssub.s32 $0x2, s10;
	s11 =	sor.u32 s11, s6  }
0xb: {  	s6 =	sadd.s32 $0x2600, s0;
	s14 =	sshrl.u32 s10, $0x1;
	s0 =	sadd.s32 $0x3400, s0  }
0xc: {  	s12 =	sshrl.u32 s11, $0x3;
	s10 =	ssub.s32 s10, s14;
	s18 =	sor.u32 $0x10, s11  }
0xd: {  	v2 =	vlaneseq.u32;
	s19 =	sor.u32 $0x20, s11;
	s16 =	sor.u32 $0x30, s11;
	s21 =	sor.u32 $0x40, s11  }
0xe: {  	v2 =	vmul.u32 $0x7530, v2;
	s24 =	sor.u32 $0x50, s11;
	s17 =	sor.u32 $0x60, s11;
	s14 =	simm.s32 $0x300  }
0xf: {  	v9 =	vimm.f32 $1.000000000e+00;
	v0 =	vmov s11;
	s7 =	sadd.s32 s7, s12;
	s15 =	sadd.s32 s8, s12;
	s20 =	sadd.s32 s9, s12  }
0x10: {  	v7 =	vadd.s32 $0x2710, v2;
	v1 =	vmov s18;
	v0 =	vmul.u32 $0x7530, v0;
	s22 =	sadd.s32 s13, s12;
	s23 =	sadd.s32 s0, s12;
	[dreg:$0x5] =	wrdreg s7  }
0x11: {  	s12 =	sor.u32 $0x200, s12;
	v3 =	vmov s19;
	s18 =	sor.u32 $0x70, s11;
	v4 =	vmov s21;
	v5 =	vmov s24;
	[dreg:$0x6] =	wrdreg s15  }
0x12: {  	s11 =	simm.s32 $0x80;
	v6 =	vmov s17;
	s17 =	simm.s32 $0x200;
	v1 =	vmul.u32 $0x7530, v1;
	[dreg:$0x7] =	wrdreg s20;
	v2 =	vmul.u32 $0x7530, v3  }
0x13: {  	s19 =	simm.s32 $0x480;
	s21 =	simm.s32 $0x580;
	[dreg:$0x8] =	wrdreg s22;
	v3 =	vmov s16;
	v4 =	vmul.u32 $0x7530, v4;
	v5 =	vmul.u32 $0x7530, v5  }
0x14: {  	s24 =	simm.s32 $0x680;
	[dreg:$0x9] =	wrdreg s23;
	s25 =	sadd.s32 s8, s12;
	v8 =	vmov s18;
	v6 =	vmul.u32 $0x7530, v6;
	v0 =	vbroadcast v0, $0x0  }
0x15: {  	s26 =	sadd.s32 s9, s12;
	s7 =	sadd.s32 s13, s12;
	s8 =	sadd.s32 s0, s12;
	v3 =	vmul.u32 $0x7530, v3;
	v1 =	vbroadcast v1, $0x0;
	v2 =	vbroadcast v2, $0x0  }
0x16: {  	s9 =	smax.u32 s10, $0x1;
	s10 =	simm.s32 $0x2;
	s12 =	simm.s32 $0x280;
	v8 =	vmul.u32 $0x7530, v8;
	v4 =	vbroadcast v4, $0x0;
	v5 =	vbroadcast v5, $0x0  }
0x17: {  	s13 =	simm.s32 $0x100;
	s15 =	simm.s32 $0x180;
	s16 =	simm.s32 $0x380;
	v6 =	vbroadcast v6, $0x0;
	v0 =	vadd.s32 v7, v0;
	v3 =	vbroadcast v3, $0x0  }
0x18: {  	s18 =	simm.s32 $0x400;
	s20 =	simm.s32 $0x500;
	s22 =	simm.s32 $0x600;
	v8 =	vbroadcast v8, $0x0;
	v1 =	vadd.s32 v7, v1;
	v2 =	vadd.s32 v7, v2  }
0x19: {  	s23 =	simm.s32 $0x1;
	s0 =	simm.s32 $0xA00;
	[dreg:$0xa] =	wrdreg s25;
	v4 =	vadd.s32 v7, v4;
	v5 =	vadd.s32 v7, v5;
	v6 =	vadd.s32 v7, v6  }
0x1a: {  	[dreg:$0xb] =	wrdreg s26;
	s25 =	simm.s32 $0x780;
	s26 =	simm.s32 $0x880;
	v3 =	vadd.s32 v7, v3;
	v7 =	vadd.s32 v7, v8;
	v8 =	vand.u32 $0x7FFFFFFF, v9  }
.LBB2_1:
0x1b: {  	s1 =	rddreg [dreg:$0x5]  }
0x1c: {  	[tilespmem:s2], [sflag:$0x2] =	stream.linear.gather [hbm4b:s1+s2], $0x80, $0x38;
	[tilespmem:$0xA80] =	vst v63  }
0x1d: {  	_ =	swait.ge [sflag:s10], $0x80  }
0x1e: {  	[sflag:s10] =	ssyncset.done $0x0  }
0x1f: {  	[sflag:s10] =	ssyncadd.s32 $0xFFFFFF80  }
0x20: {  	v9 =	vld [tilespmem:$0x0];
	_ =	sdelay $0x2  }
0x21: {  	v10 =	vld [tilespmem:$0x10];
	_ =	sdelay $0x1  }
0x22: {  	v9 =	vshll.u32 v9, $0x1  }
0x23: {  	v11 =	vadd.s32 v9, v0;
	[tilespmem:$0x180] =	vst v9  }
0x24: {  	[tilespmem:$0x80] =	vst v11;
	v11 =	vor.u32 $0x1, v11  }
0x25: {  	v10 =	vshll.u32 v10, $0x1;
	v9 =	vor.u32 $0x1, v9;
	[tilespmem:$0x100] =	vst v11;
	v11 =	vld [tilespmem:$0x20]  }
0x26: {  	[tilespmem:$0x200] =	vst v9;
	v9 =	vadd.s32 v10, v1  }
0x27: {  	[tilespmem:$0x90] =	vst v9;
	v9 =	vor.u32 $0x1, v9  }
0x28: {  	[tilespmem:$0x110] =	vst v9;
	v9 =	vld [tilespmem:$0x30]  }
0x29: {  	[tilespmem:$0x190] =	vst v10;
	v10 =	vor.u32 $0x1, v10  }
0x2a: {  	[tilespmem:$0x210] =	vst v10;
	v11 =	vshll.u32 v11, $0x1  }
0x2b: {  	v10 =	vadd.s32 v11, v2;
	[tilespmem:$0x1A0] =	vst v11  }
0x2c: {  	[tilespmem:$0xA0] =	vst v10;
	v10 =	vor.u32 $0x1, v10  }
0x2d: {  	v11 =	vor.u32 $0x1, v11;
	v9 =	vshll.u32 v9, $0x1;
	[tilespmem:$0x120] =	vst v10;
	v10 =	vld [tilespmem:$0x40]  }
0x2e: {  	[tilespmem:$0x220] =	vst v11;
	v11 =	vadd.s32 v9, v3  }
0x2f: {  	[tilespmem:$0xB0] =	vst v11;
	v11 =	vor.u32 $0x1, v11  }
0x30: {  	[tilespmem:$0x130] =	vst v11;
	v11 =	vld [tilespmem:$0x50]  }
0x31: {  	[tilespmem:$0x1B0] =	vst v9;
	v9 =	vor.u32 $0x1, v9  }
0x32: {  	[tilespmem:$0x230] =	vst v9;
	v10 =	vshll.u32 v10, $0x1  }
0x33: {  	v9 =	vadd.s32 v10, v4;
	[tilespmem:$0x1C0] =	vst v10  }
0x34: {  	[tilespmem:$0xC0] =	vst v9;
	v9 =	vor.u32 $0x1, v9  }
0x35: {  	v10 =	vor.u32 $0x1, v10;
	v11 =	vshll.u32 v11, $0x1;
	[tilespmem:$0x140] =	vst v9;
	v9 =	vld [tilespmem:$0x60]  }
0x36: {  	[tilespmem:$0x240] =	vst v10;
	v10 =	vadd.s32 v11, v5  }
0x37: {  	[tilespmem:$0xD0] =	vst v10;
	v10 =	vor.u32 $0x1, v10  }
0x38: {  	[tilespmem:$0x150] =	vst v10;
	v10 =	vld [tilespmem:$0x70]  }
0x39: {  	[tilespmem:$0x1D0] =	vst v11;
	v11 =	vor.u32 $0x1, v11  }
0x3a: {  	[tilespmem:$0x250] =	vst v11;
	v9 =	vshll.u32 v9, $0x1  }
0x3b: {  	v11 =	vadd.s32 v9, v6;
	[tilespmem:$0x1E0] =	vst v9  }
0x3c: {  	v9 =	vor.u32 $0x1, v9;
	[tilespmem:$0xE0] =	vst v11  }
0x3d: {  	v10 =	vshll.u32 v10, $0x1;
	[tilespmem:$0x260] =	vst v9  }
0x3e: {  	v11 =	vor.u32 $0x1, v11;
	[tilespmem:$0x1F0] =	vst v10  }
0x3f: {  	v9 =	vadd.s32 v10, v7;
	[tilespmem:$0x160] =	vst v11  }
0x40: {  	[tilespmem:$0xF0] =	vst v9;
	v9 =	vor.u32 $0x1, v9  }
0x41: {  	[tilespmem:$0x170] =	vst v9;
	v9 =	vor.u32 $0x1, v10  }
0x42: {  	[tilespmem:$0x270] =	vst v9  }
0x43: {  	[tilespmem:s12], [sflag:$0x1] =	stream.indirect.gather [hbm4b:s3+s11], $0x1, s11, s11, $0xb8;
	[tilespmem:$0xA80] =	vst v63  }
0x44: {  	_ = 	snop  }
0x45: {  	[tilespmem:s14], [sflag:$0x1] =	stream.indirect.gather [hbm4b:s3+s11], $0x1, s13, s11, $0xb8;
	[tilespmem:$0xA80] =	vst v63  }
0x46: {  	_ = 	snop  }
0x47: {  	[tilespmem:s16], [sflag:$0x1] =	stream.indirect.gather [hbm4b:s4+s11], $0x1, s15, s11, $0xb8;
	[tilespmem:$0xA80] =	vst v63  }
0x48: {  	_ = 	snop  }
0x49: {  	[tilespmem:s18], [sflag:$0x1] =	stream.indirect.gather [hbm4b:s4+s11], $0x1, s17, s11, $0xb8;
	[tilespmem:$0xA80] =	vst v63  }
0x4a: {  	_ = 	snop  }
0x4b: {  	[tilespmem:s19], [sflag:$0x1] =	stream.indirect.gather [hbm4b:s5+s11], $0x1, s15, s11, $0xb8;
	[tilespmem:$0xA80] =	vst v63  }
0x4c: {  	_ = 	snop  }
0x4d: {  	[tilespmem:s20], [sflag:$0x1] =	stream.indirect.gather [hbm4b:s5+s11], $0x1, s17, s11, $0xb8;
	[tilespmem:$0xA80] =	vst v63  }
0x4e: {  	_ = 	snop  }
0x4f: {  	[tilespmem:s21], [sflag:$0x1] =	stream.indirect.gather [hbm4b:s6+s11], $0x1, s15, s11, $0xb8;
	[tilespmem:$0xA80] =	vst v63  }
0x50: {  	_ = 	snop  }
0x51: {  	[tilespmem:s22], [sflag:$0x1] =	stream.indirect.gather [hbm4b:s6+s11], $0x1, s17, s11, $0xb8;
	[tilespmem:$0xA80] =	vst v63  }
0x52: {  	_ =	swait.ge [sflag:s23], $0x80  }
0x53: {  	[sflag:s23] =	ssyncset.done $0x0  }
0x54: {  	[sflag:s23] =	ssyncadd.s32 $0xFFFFFF80  }
0x55: {  	_ =	swait.ge [sflag:s23], $0x80  }
0x56: {  	[sflag:s23] =	ssyncset.done $0x0  }
0x57: {  	[sflag:s23] =	ssyncadd.s32 $0xFFFFFF80  }
0x58: {  	_ =	swait.ge [sflag:s23], $0x80  }
0x59: {  	[sflag:s23] =	ssyncset.done $0x0  }
0x5a: {  	[sflag:s23] =	ssyncadd.s32 $0xFFFFFF80  }
0x5b: {  	_ =	swait.ge [sflag:s23], $0x80  }
0x5c: {  	[sflag:s23] =	ssyncset.done $0x0  }
0x5d: {  	[sflag:s23] =	ssyncadd.s32 $0xFFFFFF80  }
0x5e: {  	_ =	swait.ge [sflag:s23], $0x80  }
0x5f: {  	[sflag:s23] =	ssyncset.done $0x0  }
0x60: {  	[sflag:s23] =	ssyncadd.s32 $0xFFFFFF80  }
0x61: {  	_ =	swait.ge [sflag:s23], $0x80  }
0x62: {  	[sflag:s23] =	ssyncset.done $0x0  }
0x63: {  	[sflag:s23] =	ssyncadd.s32 $0xFFFFFF80  }
0x64: {  	_ =	swait.ge [sflag:s23], $0x80  }
0x65: {  	[sflag:s23] =	ssyncset.done $0x0  }
0x66: {  	[sflag:s23] =	ssyncadd.s32 $0xFFFFFF80  }
0x67: {  	_ =	swait.ge [sflag:s23], $0x80  }
0x68: {  	[sflag:s23] =	ssyncset.done $0x0  }
0x69: {  	[sflag:s23] =	ssyncadd.s32 $0xFFFFFF80  }
0x6a: {  	v9 =	vld [tilespmem:$0x280];
	_ =	sdelay $0x4  }
0x6b: {  	v10 =	vand.u32 $0x7FFFFFFF, v9  }
0x6c: {  	v10 =	vmin.f32 v10, $3.000000000e+01  }
0x6d: {  	v10 =	vadd.f32 v10, v10;
	_ =	sdelay $0x1  }
0x6e: {  	v10 =	vmul.f32 $1.442695020e+00, v10;
	_ =	sdelay $0x1  }
0x6f: {  	(erf) = vpow2.f32 v10;
	_ =	sdelay $0x8  }
0x70: {  	v10 =	vpop (erf)  }
0x71: {  	v10 =	vadd.f32 $1.000000000e+00, v10;
	_ =	sdelay $0x1  }
0x72: {  	(erf) = vrcp.f32 v10;
	_ =	sdelay $0x7  }
0x73: {  	v11 =	vld [tilespmem:$0x290]  }
0x74: {  	v12 =	vand.u32 $0x80000000, v9;
	vm0 =	vlt.f32 v9, $0.0e+00;
	vm1 =	vgt.f32 v9, $0.0e+00;
	v10 =	vpop (erf)  }
0x75: {  	v12 =	vor.u32 v12, v8;
	vm0 =	vmor vm1, vm0;
	v10 =	vadd.f32 v10, v10  }
0x76: {  	v29 =	vld [tilespmem:$0x480];
	v9 =	vsel vm0, v12, v9  }
0x77: {  	v13 =	vld [tilespmem:$0x580];
	v9 =	vmul.f32 $1.200000050e+00, v9;
	v10 =	vsub.f32 $1.000000000e+00, v10  }
0x78: {  	v14 =	vand.u32 $0x7FFFFFFF, v11  }
0x79: {  	v9 =	vmul.f32 v10, v9;
	v10 =	vmin.f32 v14, $3.000000000e+01  }
0x7a: {  	v10 =	vadd.f32 v10, v10  }
0x7b: {  	vm6 =	vgt.f32 v9, $0.0e+00  }
0x7c: {  	v12 =	vsel vm6, v29, v13;
	v10 =	vmul.f32 $1.442695020e+00, v10  }
0x7d: {  	(erf) = vrcp.f32 v12  }
0x7e: {  	(erf) = vpow2.f32 v10;
	_ =	sdelay $0x7  }
0x7f: {  	v10 =	vpop (erf)  }
0x80: {  	v30 =	vpop (erf)  }
0x81: {  	v13 =	vadd.f32 $1.000000000e+00, v30;
	_ =	sdelay $0x1  }
0x82: {  	(erf) = vrcp.f32 v13;
	_ =	sdelay $0x7  }
0x83: {  	v31 =	vld [tilespmem:$0x2A0]  }
0x84: {  	v15 =	vand.u32 $0x80000000, v11;
	vm7 =	vlt.f32 v11, $0.0e+00;
	vm8 =	vgt.f32 v11, $0.0e+00;
	v32 =	vpop (erf)  }
0x85: {  	v15 =	vor.u32 v15, v8;
	vm0 =	vmor vm8, vm7;
	v14 =	vadd.f32 v32, v32  }
0x86: {  	v33 =	vld [tilespmem:$0x490];
	v11 =	vsel vm0, v15, v11  }
0x87: {  	v16 =	vld [tilespmem:$0x590];
	v11 =	vmul.f32 $1.200000050e+00, v11;
	v14 =	vsub.f32 $1.000000000e+00, v14  }
0x88: {  	v17 =	vand.u32 $0x7FFFFFFF, v31  }
0x89: {  	v34 =	vmin.f32 v17, $3.000000000e+01;
	v11 =	vmul.f32 v14, v11  }
0x8a: {  	v14 =	vadd.f32 v34, v34  }
0x8b: {  	vm9 =	vgt.f32 v11, $0.0e+00  }
0x8c: {  	v14 =	vmul.f32 $1.442695020e+00, v14;
	v18 =	vsel vm9, v33, v16  }
0x8d: {  	(erf) = vrcp.f32 v18  }
0x8e: {  	(erf) = vpow2.f32 v14;
	_ =	sdelay $0x7  }
0x8f: {  	v14 =	vpop (erf)  }
0x90: {  	v35 =	vpop (erf)  }
0x91: {  	v15 =	vadd.f32 $1.000000000e+00, v35;
	_ =	sdelay $0x1  }
0x92: {  	(erf) = vrcp.f32 v15;
	_ =	sdelay $0x7  }
0x93: {  	v36 =	vld [tilespmem:$0x2B0]  }
0x94: {  	v38 =	vand.u32 $0x80000000, v31;
	vm10 =	vlt.f32 v31, $0.0e+00;
	vm11 =	vgt.f32 v31, $0.0e+00;
	v37 =	vpop (erf)  }
0x95: {  	v17 =	vor.u32 v38, v8;
	vm0 =	vmor vm11, vm10;
	v16 =	vadd.f32 v37, v37  }
0x96: {  	v39 =	vld [tilespmem:$0x4A0];
	v13 =	vsel vm0, v17, v31  }
0x97: {  	v19 =	vld [tilespmem:$0x5A0];
	v13 =	vmul.f32 $1.200000050e+00, v13;
	v16 =	vsub.f32 $1.000000000e+00, v16  }
0x98: {  	v20 =	vand.u32 $0x7FFFFFFF, v36  }
0x99: {  	v40 =	vmin.f32 v20, $3.000000000e+01;
	v13 =	vmul.f32 v16, v13  }
0x9a: {  	v16 =	vadd.f32 v40, v40  }
0x9b: {  	vm12 =	vgt.f32 v13, $0.0e+00  }
0x9c: {  	v16 =	vmul.f32 $1.442695020e+00, v16;
	v22 =	vsel vm12, v39, v19  }
0x9d: {  	(erf) = vrcp.f32 v22  }
0x9e: {  	(erf) = vpow2.f32 v16;
	_ =	sdelay $0x7  }
0x9f: {  	v16 =	vpop (erf)  }
0xa0: {  	v41 =	vpop (erf)  }
0xa1: {  	v17 =	vadd.f32 $1.000000000e+00, v41;
	_ =	sdelay $0x1  }
0xa2: {  	(erf) = vrcp.f32 v17;
	_ =	sdelay $0x7  }
0xa3: {  	v42 =	vld [tilespmem:$0x2C0]  }
0xa4: {  	v44 =	vand.u32 $0x80000000, v36;
	vm13 =	vlt.f32 v36, $0.0e+00;
	vm14 =	vgt.f32 v36, $0.0e+00;
	v43 =	vpop (erf)  }
0xa5: {  	v20 =	vor.u32 v44, v8;
	vm0 =	vmor vm14, vm13;
	v19 =	vadd.f32 v43, v43  }
0xa6: {  	v45 =	vld [tilespmem:$0x4B0];
	v15 =	vsel vm0, v20, v36  }
0xa7: {  	v21 =	vld [tilespmem:$0x5B0];
	v15 =	vmul.f32 $1.200000050e+00, v15;
	v19 =	vsub.f32 $1.000000000e+00, v19  }
0xa8: {  	v23 =	vand.u32 $0x7FFFFFFF, v42  }
0xa9: {  	v46 =	vmin.f32 v23, $3.000000000e+01;
	v15 =	vmul.f32 v19, v15  }
0xaa: {  	v19 =	vadd.f32 v46, v46  }
0xab: {  	vm15 =	vgt.f32 v15, $0.0e+00  }
0xac: {  	v19 =	vmul.f32 $1.442695020e+00, v19;
	v25 =	vsel vm15, v45, v21  }
0xad: {  	(erf) = vrcp.f32 v25  }
0xae: {  	(erf) = vpow2.f32 v19;
	_ =	sdelay $0x7  }
0xaf: {  	v19 =	vpop (erf)  }
0xb0: {  	v47 =	vpop (erf)  }
0xb1: {  	v20 =	vadd.f32 $1.000000000e+00, v47;
	_ =	sdelay $0x1  }
0xb2: {  	(erf) = vrcp.f32 v20;
	_ =	sdelay $0x7  }
0xb3: {  	v48 =	vld [tilespmem:$0x2D0]  }
0xb4: {  	v50 =	vand.u32 $0x80000000, v42;
	vm4 =	vlt.f32 v42, $0.0e+00;
	vm5 =	vgt.f32 v42, $0.0e+00;
	v49 =	vpop (erf)  }
0xb5: {  	v23 =	vor.u32 v50, v8;
	vm0 =	vmor vm5, vm4;
	v21 =	vadd.f32 v49, v49  }
0xb6: {  	v51 =	vld [tilespmem:$0x4C0];
	v17 =	vsel vm0, v23, v42  }
0xb7: {  	v24 =	vld [tilespmem:$0x5C0];
	v17 =	vmul.f32 $1.200000050e+00, v17;
	v21 =	vsub.f32 $1.000000000e+00, v21  }
0xb8: {  	v26 =	vand.u32 $0x7FFFFFFF, v48  }
0xb9: {  	v52 =	vmin.f32 v26, $3.000000000e+01;
	v17 =	vmul.f32 v21, v17  }
0xba: {  	v21 =	vadd.f32 v52, v52  }
0xbb: {  	vm6 =	vgt.f32 v17, $0.0e+00  }
0xbc: {  	v21 =	vmul.f32 $1.442695020e+00, v21;
	v28 =	vsel vm6, v51, v24  }
0xbd: {  	(erf) = vrcp.f32 v28  }
0xbe: {  	(erf) = vpow2.f32 v21;
	_ =	sdelay $0x7  }
0xbf: {  	v21 =	vpop (erf)  }
0xc0: {  	v53 =	vpop (erf)  }
0xc1: {  	v23 =	vadd.f32 $1.000000000e+00, v53;
	_ =	sdelay $0x1  }
0xc2: {  	(erf) = vrcp.f32 v23;
	_ =	sdelay $0x7  }
0xc3: {  	v54 =	vld [tilespmem:$0x2E0]  }
0xc4: {  	v55 =	vand.u32 $0x80000000, v48;
	vm7 =	vlt.f32 v48, $0.0e+00;
	vm8 =	vgt.f32 v48, $0.0e+00;
	v23 =	vpop (erf)  }
0xc5: {  	v26 =	vor.u32 v55, v8;
	vm0 =	vmor vm8, vm7;
	v23 =	vadd.f32 v23, v23  }
0xc6: {  	v56 =	vld [tilespmem:$0x4D0];
	v20 =	vsel vm0, v26, v48  }
0xc7: {  	v27 =	vld [tilespmem:$0x5D0];
	v20 =	vmul.f32 $1.200000050e+00, v20;
	v23 =	vsub.f32 $1.000000000e+00, v23  }
0xc8: {  	v29 =	vand.u32 $0x7FFFFFFF, v54  }
0xc9: {  	v57 =	vmin.f32 v29, $3.000000000e+01;
	v20 =	vmul.f32 v23, v20  }
0xca: {  	v23 =	vadd.f32 v57, v57  }
0xcb: {  	vm9 =	vgt.f32 v20, $0.0e+00  }
0xcc: {  	v23 =	vmul.f32 $1.442695020e+00, v23;
	v29 =	vsel vm9, v56, v27  }
0xcd: {  	(erf) = vrcp.f32 v29  }
0xce: {  	(erf) = vpow2.f32 v23;
	_ =	sdelay $0x7  }
0xcf: {  	v23 =	vpop (erf)  }
0xd0: {  	v58 =	vpop (erf)  }
0xd1: {  	v26 =	vadd.f32 $1.000000000e+00, v58;
	_ =	sdelay $0x1  }
0xd2: {  	(erf) = vrcp.f32 v26;
	_ =	sdelay $0x7  }
0xd3: {  	v59 =	vld [tilespmem:$0x2F0]  }
0xd4: {  	vm10 =	vlt.f32 v54, $0.0e+00;
	vm11 =	vgt.f32 v54, $0.0e+00;
	v30 =	vand.u32 $0x80000000, v54;
	v26 =	vpop (erf)  }
0xd5: {  	v30 =	vor.u32 v30, v8;
	vm0 =	vmor vm11, vm10;
	v26 =	vadd.f32 v26, v26  }
0xd6: {  	v60 =	vld [tilespmem:$0x4E0];
	v24 =	vsel vm0, v30, v54  }
0xd7: {  	v31 =	vld [tilespmem:$0x5E0];
	v24 =	vmul.f32 $1.200000050e+00, v24;
	v26 =	vsub.f32 $1.000000000e+00, v26  }
0xd8: {  	v32 =	vand.u32 $0x7FFFFFFF, v59  }
0xd9: {  	v61 =	vmin.f32 v32, $3.000000000e+01;
	v24 =	vmul.f32 v26, v24  }
0xda: {  	v26 =	vadd.f32 v61, v61  }
0xdb: {  	vm12 =	vgt.f32 v24, $0.0e+00  }
0xdc: {  	v26 =	vmul.f32 $1.442695020e+00, v26;
	v32 =	vsel vm12, v60, v31  }
0xdd: {  	(erf) = vrcp.f32 v32  }
0xde: {  	(erf) = vpow2.f32 v26;
	_ =	sdelay $0x7  }
0xdf: {  	v26 =	vpop (erf)  }
0xe0: {  	v62 =	vpop (erf)  }
0xe1: {  	v30 =	vadd.f32 $1.000000000e+00, v62;
	_ =	sdelay $0x1  }
0xe2: {  	(erf) = vrcp.f32 v30;
	_ =	sdelay $0x7  }
0xe3: {  	v63 =	vld [tilespmem:$0x300]  }
0xe4: {  	vm13 =	vlt.f32 v59, $0.0e+00;
	vm14 =	vgt.f32 v59, $0.0e+00;
	v33 =	vand.u32 $0x80000000, v59;
	v39 =	vpop (erf)  }
0xe5: {  	v33 =	vor.u32 v33, v8;
	vm0 =	vmor vm14, vm13;
	v31 =	vadd.f32 v39, v39  }
0xe6: {  	v34 =	vld [tilespmem:$0x5F0];
	v27 =	vsel vm0, v33, v59  }
0xe7: {  	v40 =	vld [tilespmem:$0x4F0];
	v27 =	vmul.f32 $1.200000050e+00, v27;
	v31 =	vsub.f32 $1.000000000e+00, v31  }
0xe8: {  	v35 =	vand.u32 $0x7FFFFFFF, v63  }
0xe9: {  	v41 =	vmin.f32 v35, $3.000000000e+01;
	v27 =	vmul.f32 v31, v27  }
0xea: {  	v31 =	vadd.f32 v41, v41  }
0xeb: {  	vm15 =	vgt.f32 v27, $0.0e+00  }
0xec: {  	v31 =	vmul.f32 $1.442695020e+00, v31;
	v35 =	vsel vm15, v40, v34  }
0xed: {  	(erf) = vrcp.f32 v35  }
0xee: {  	(erf) = vpow2.f32 v31;
	_ =	sdelay $0x7  }
0xef: {  	v31 =	vpop (erf)  }
0xf0: {  	v42 =	vpop (erf)  }
0xf1: {  	v33 =	vadd.f32 $1.000000000e+00, v42;
	_ =	sdelay $0x1  }
0xf2: {  	(erf) = vrcp.f32 v33;
	_ =	sdelay $0x7  }
0xf3: {  	v43 =	vld [tilespmem:$0x310]  }
0xf4: {  	v36 =	vand.u32 $0x80000000, v63;
	vm4 =	vlt.f32 v63, $0.0e+00;
	vm5 =	vgt.f32 v63, $0.0e+00;
	v33 =	vpop (erf)  }
0xf5: {  	v36 =	vor.u32 v36, v8;
	vm0 =	vmor vm5, vm4;
	v33 =	vadd.f32 v33, v33  }
0xf6: {  	v44 =	vld [tilespmem:$0x500];
	v30 =	vsel vm0, v36, v63  }
0xf7: {  	v37 =	vld [tilespmem:$0x600];
	v30 =	vmul.f32 $1.200000050e+00, v30;
	v33 =	vsub.f32 $1.000000000e+00, v33  }
0xf8: {  	v38 =	vand.u32 $0x7FFFFFFF, v43  }
0xf9: {  	v45 =	vmin.f32 v38, $3.000000000e+01;
	v30 =	vmul.f32 v33, v30  }
0xfa: {  	v33 =	vadd.f32 v45, v45  }
0xfb: {  	vm6 =	vgt.f32 v30, $0.0e+00  }
0xfc: {  	v33 =	vmul.f32 $1.442695020e+00, v33;
	v38 =	vsel vm6, v44, v37  }
0xfd: {  	(erf) = vrcp.f32 v38  }
0xfe: {  	(erf) = vpow2.f32 v33;
	_ =	sdelay $0x7  }
0xff: {  	v33 =	vpop (erf)  }
0x100: {  	v46 =	vpop (erf)  }
0x101: {  	v36 =	vadd.f32 $1.000000000e+00, v46;
	_ =	sdelay $0x1  }
0x102: {  	(erf) = vrcp.f32 v36;
	_ =	sdelay $0x7  }
0x103: {  	v47 =	vld [tilespmem:$0x320]  }
0x104: {  	vm7 =	vlt.f32 v43, $0.0e+00;
	vm8 =	vgt.f32 v43, $0.0e+00;
	v39 =	vand.u32 $0x80000000, v43;
	v48 =	vpop (erf)  }
0x105: {  	vm0 =	vmor vm8, vm7;
	v39 =	vor.u32 v39, v8;
	v37 =	vadd.f32 v48, v48  }
0x106: {  	v49 =	vld [tilespmem:$0x510];
	v34 =	vsel vm0, v39, v43  }
0x107: {  	v40 =	vld [tilespmem:$0x610];
	v34 =	vmul.f32 $1.200000050e+00, v34;
	v37 =	vsub.f32 $1.000000000e+00, v37  }
0x108: {  	v41 =	vand.u32 $0x7FFFFFFF, v47  }
0x109: {  	v50 =	vmin.f32 v41, $3.000000000e+01;
	v34 =	vmul.f32 v37, v34  }
0x10a: {  	v37 =	vadd.f32 v50, v50  }
0x10b: {  	vm9 =	vgt.f32 v34, $0.0e+00  }
0x10c: {  	v37 =	vmul.f32 $1.442695020e+00, v37;
	v42 =	vsel vm9, v49, v40  }
0x10d: {  	(erf) = vrcp.f32 v42  }
0x10e: {  	(erf) = vpow2.f32 v37;
	_ =	sdelay $0x7  }
0x10f: {  	v37 =	vpop (erf)  }
0x110: {  	v51 =	vpop (erf)  }
0x111: {  	v39 =	vadd.f32 $1.000000000e+00, v51;
	_ =	sdelay $0x1  }
0x112: {  	(erf) = vrcp.f32 v39;
	_ =	sdelay $0x7  }
0x113: {  	v52 =	vld [tilespmem:$0x330]  }
0x114: {  	vm10 =	vlt.f32 v47, $0.0e+00;
	vm11 =	vgt.f32 v47, $0.0e+00;
	v54 =	vand.u32 $0x80000000, v47;
	v53 =	vpop (erf)  }
0x115: {  	v41 =	vor.u32 v54, v8;
	vm0 =	vmor vm11, vm10;
	v40 =	vadd.f32 v53, v53  }
0x116: {  	v55 =	vld [tilespmem:$0x520];
	v36 =	vsel vm0, v41, v47  }
0x117: {  	v43 =	vld [tilespmem:$0x620];
	v36 =	vmul.f32 $1.200000050e+00, v36;
	v40 =	vsub.f32 $1.000000000e+00, v40  }
0x118: {  	v44 =	vand.u32 $0x7FFFFFFF, v52  }
0x119: {  	v56 =	vmin.f32 v44, $3.000000000e+01;
	v36 =	vmul.f32 v40, v36  }
0x11a: {  	v40 =	vadd.f32 v56, v56  }
0x11b: {  	vm12 =	vgt.f32 v36, $0.0e+00  }
0x11c: {  	v40 =	vmul.f32 $1.442695020e+00, v40;
	v44 =	vsel vm12, v55, v43  }
0x11d: {  	(erf) = vrcp.f32 v44  }
0x11e: {  	(erf) = vpow2.f32 v40;
	_ =	sdelay $0x7  }
0x11f: {  	v40 =	vpop (erf)  }
0x120: {  	v57 =	vpop (erf)  }
0x121: {  	v41 =	vadd.f32 $1.000000000e+00, v57;
	_ =	sdelay $0x1  }
0x122: {  	(erf) = vrcp.f32 v41;
	_ =	sdelay $0x7  }
0x123: {  	v58 =	vld [tilespmem:$0x340]  }
0x124: {  	vm13 =	vlt.f32 v52, $0.0e+00;
	vm14 =	vgt.f32 v52, $0.0e+00;
	v45 =	vand.u32 $0x80000000, v52;
	v59 =	vpop (erf)  }
0x125: {  	v45 =	vor.u32 v45, v8;
	vm0 =	vmor vm14, vm13;
	v43 =	vadd.f32 v59, v59  }
0x126: {  	v60 =	vld [tilespmem:$0x530];
	v39 =	vsel vm0, v45, v52  }
0x127: {  	v46 =	vld [tilespmem:$0x630];
	v39 =	vmul.f32 $1.200000050e+00, v39;
	v43 =	vsub.f32 $1.000000000e+00, v43  }
0x128: {  	v47 =	vand.u32 $0x7FFFFFFF, v58  }
0x129: {  	v61 =	vmin.f32 v47, $3.000000000e+01;
	v39 =	vmul.f32 v43, v39  }
0x12a: {  	v43 =	vadd.f32 v61, v61  }
0x12b: {  	vm15 =	vgt.f32 v39, $0.0e+00  }
0x12c: {  	v43 =	vmul.f32 $1.442695020e+00, v43;
	v47 =	vsel vm15, v60, v46  }
0x12d: {  	(erf) = vrcp.f32 v47  }
0x12e: {  	(erf) = vpow2.f32 v43;
	_ =	sdelay $0x7  }
0x12f: {  	v43 =	vpop (erf)  }
0x130: {  	v62 =	vpop (erf)  }
0x131: {  	v45 =	vadd.f32 $1.000000000e+00, v62;
	_ =	sdelay $0x1  }
0x132: {  	(erf) = vrcp.f32 v45;
	_ =	sdelay $0x7  }
0x133: {  	v63 =	vld [tilespmem:$0x350]  }
0x134: {  	vm4 =	vlt.f32 v58, $0.0e+00;
	vm5 =	vgt.f32 v58, $0.0e+00;
	v48 =	vand.u32 $0x80000000, v58;
	v45 =	vpop (erf)  }
0x135: {  	v48 =	vor.u32 v48, v8;
	vm0 =	vmor vm5, vm4;
	v45 =	vadd.f32 v45, v45  }
0x136: {  	v54 =	vld [tilespmem:$0x540];
	v41 =	vsel vm0, v48, v58  }
0x137: {  	v49 =	vld [tilespmem:$0x640];
	v41 =	vmul.f32 $1.200000050e+00, v41;
	v45 =	vsub.f32 $1.000000000e+00, v45  }
0x138: {  	v50 =	vand.u32 $0x7FFFFFFF, v63  }
0x139: {  	v55 =	vmin.f32 v50, $3.000000000e+01;
	v41 =	vmul.f32 v45, v41  }
0x13a: {  	v45 =	vadd.f32 v55, v55  }
0x13b: {  	vm6 =	vgt.f32 v41, $0.0e+00  }
0x13c: {  	v45 =	vmul.f32 $1.442695020e+00, v45;
	v48 =	vsel vm6, v54, v49  }
0x13d: {  	(erf) = vrcp.f32 v48  }
0x13e: {  	(erf) = vpow2.f32 v45;
	_ =	sdelay $0x7  }
0x13f: {  	v45 =	vpop (erf)  }
0x140: {  	v56 =	vpop (erf)  }
0x141: {  	v49 =	vadd.f32 $1.000000000e+00, v56;
	_ =	sdelay $0x1  }
0x142: {  	(erf) = vrcp.f32 v49;
	_ =	sdelay $0x7  }
0x143: {  	v50 =	vld [tilespmem:$0x360]  }
0x144: {  	vm7 =	vlt.f32 v63, $0.0e+00;
	vm8 =	vgt.f32 v63, $0.0e+00;
	v51 =	vand.u32 $0x80000000, v63;
	v49 =	vpop (erf)  }
0x145: {  	v51 =	vor.u32 v51, v8;
	vm0 =	vmor vm8, vm7;
	v49 =	vadd.f32 v49, v49  }
0x146: {  	v52 =	vld [tilespmem:$0x650];
	v46 =	vsel vm0, v51, v63  }
0x147: {  	v57 =	vld [tilespmem:$0x550];
	v46 =	vmul.f32 $1.200000050e+00, v46;
	v49 =	vsub.f32 $1.000000000e+00, v49  }
0x148: {  	v53 =	vand.u32 $0x7FFFFFFF, v50  }
0x149: {  	v58 =	vmin.f32 v53, $3.000000000e+01;
	v46 =	vmul.f32 v49, v46  }
0x14a: {  	v53 =	vadd.f32 v58, v58  }
0x14b: {  	vm9 =	vgt.f32 v46, $0.0e+00  }
0x14c: {  	v59 =	vmul.f32 $1.442695020e+00, v53;
	v60 =	vld [tilespmem:$0x380];
	v49 =	vsel vm9, v57, v52  }
0x14d: {  	(erf) = vrcp.f32 v49  }
0x14e: {  	(erf) = vpow2.f32 v59  }
0x14f: {  	v12 =	vmul.f32 v12, v9;
	_ =	sdelay $0x1  }
0x150: {  	v12 =	vadd.f32 v12, v60  }
0x151: {  	v61 =	vld [tilespmem:$0x390]  }
0x152: {  	v12 =	vmax.f32 v12, $-1.000000000e+00;
	_ =	sdelay $0x1  }
0x153: {  	v18 =	vmul.f32 v18, v11  }
0x154: {  	[tilespmem:$0x980] =	vst v9;
	v62 =	vmin.f32 v12, $1.000000000e+00;
	v54 =	vld [tilespmem:$0x3A0];
	v12 =	vpop (erf)  }
0x155: {  	[tilespmem:$0x780] =	vst v10;
	v63 =	vld [tilespmem:$0x3B0];
	v18 =	vadd.f32 v18, v61;
	v55 =	vpop (erf)  }
0x156: {  	[tilespmem:$0x990] =	vst v11;
	v55 =	vadd.f32 $1.000000000e+00, v55  }
0x157: {  	[tilespmem:$0x790] =	vst v14;
	v22 =	vmul.f32 v22, v13;
	v9 =	vmul.f32 v25, v15;
	v25 =	vld [tilespmem:$0x3F0];
	v18 =	vmax.f32 v18, $-1.000000000e+00  }
0x158: {  	[tilespmem:$0x9A0] =	vst v13;
	v10 =	vmin.f32 v18, $1.000000000e+00;
	(erf) = vrcp.f32 v55  }
0x159: {  	[tilespmem:$0x7A0] =	vst v16;
	v10 =	vmul.f32 $9.000000000e+01, v10;
	v22 =	vadd.f32 v22, v54  }
0x15a: {  	[tilespmem:$0x9B0] =	vst v15;
	v9 =	vadd.f32 v9, v63;
	v52 =	vld [tilespmem:$0x3C0]  }
0x15b: {  	[tilespmem:$0x690] =	vst v10;
	v10 =	vmax.f32 v22, $-1.000000000e+00  }
0x15c: {  	[tilespmem:$0x8F0] =	vst v25;
	v9 =	vmax.f32 v9, $-1.000000000e+00;
	v10 =	vmin.f32 v10, $1.000000000e+00  }
0x15d: {  	[tilespmem:$0x7B0] =	vst v19;
	v11 =	vmul.f32 v28, v17;
	v9 =	vmin.f32 v9, $1.000000000e+00;
	v10 =	vmul.f32 $9.000000000e+01, v10  }
0x15e: {  	[tilespmem:$0x9C0] =	vst v17;
	v9 =	vmul.f32 $9.000000000e+01, v9  }
0x15f: {  	[tilespmem:$0x6A0] =	vst v10;
	v10 =	vadd.f32 v11, v52;
	v11 =	vld [tilespmem:$0x3D0]  }
0x160: {  	vm10 =	vlt.f32 v50, $0.0e+00;
	vm11 =	vgt.f32 v50, $0.0e+00;
	[tilespmem:$0x6B0] =	vst v9;
	v22 =	vld [tilespmem:$0x370]  }
0x161: {  	vm0 =	vmor vm11, vm10;
	[tilespmem:$0x8A0] =	vst v54;
	v9 =	vmax.f32 v10, $-1.000000000e+00;
	v55 =	vand.u32 $0x80000000, v50;
	v54 =	vpop (erf)  }
0x162: {  	[tilespmem:$0x7C0] =	vst v21;
	v58 =	vld [tilespmem:$0x3E0];
	v10 =	vmul.f32 v29, v20;
	v57 =	vor.u32 v55, v8;
	v56 =	vadd.f32 v54, v54  }
0x163: {  	[tilespmem:$0x890] =	vst v61;
	v61 =	vld [tilespmem:$0x660];
	v9 =	vmin.f32 v9, $1.000000000e+00;
	v14 =	vsel vm0, v57, v50  }
0x164: {  	[tilespmem:$0x9D0] =	vst v20;
	v59 =	vld [tilespmem:$0x560];
	v10 =	vadd.f32 v10, v11;
	v14 =	vmul.f32 $1.200000050e+00, v14;
	v13 =	vsub.f32 $1.000000000e+00, v56  }
0x165: {  	[tilespmem:$0x880] =	vst v60;
	v53 =	vmul.f32 $9.000000000e+01, v62;
	v62 =	vand.u32 $0x7FFFFFFF, v22;
	v60 =	vmul.f32 $9.000000000e+01, v9  }
0x166: {  	[tilespmem:$0x7D0] =	vst v23;
	v10 =	vmax.f32 v10, $-1.000000000e+00;
	v9 =	vmul.f32 v13, v14;
	v13 =	vmin.f32 v62, $3.000000000e+01  }
0x167: {  	[tilespmem:$0x8B0] =	vst v63;
	v63 =	vmul.f32 v32, v24;
	v10 =	vmin.f32 v10, $1.000000000e+00;
	v13 =	vadd.f32 v13, v13  }
0x168: {  	[tilespmem:$0x9E0] =	vst v24;
	v10 =	vmul.f32 $9.000000000e+01, v10;
	vm12 =	vgt.f32 v9, $0.0e+00  }
0x169: {  	[tilespmem:$0x7E0] =	vst v26;
	v14 =	vadd.f32 v63, v58;
	v29 =	vsel vm12, v59, v61;
	v13 =	vmul.f32 $1.442695020e+00, v13  }
0x16a: {  	[tilespmem:$0x9F0] =	vst v27;
	(erf) = vrcp.f32 v29  }
0x16b: {  	v32 =	vmul.f32 v35, v27;
	[tilespmem:$0x6D0] =	vst v10;
	v10 =	vmax.f32 v14, $-1.000000000e+00;
	(erf) = vpow2.f32 v13  }
0x16c: {  	[tilespmem:$0x7F0] =	vst v31;
	v35 =	vld [tilespmem:$0x400];
	v10 =	vmin.f32 v10, $1.000000000e+00  }
0x16d: {  	[tilespmem:$0x8D0] =	vst v11;
	v11 =	vadd.f32 v32, v25;
	v10 =	vmul.f32 $9.000000000e+01, v10  }
0x16e: {  	[tilespmem:$0xA00] =	vst v30  }
0x16f: {  	[tilespmem:$0x6E0] =	vst v10;
	v10 =	vmax.f32 v11, $-1.000000000e+00;
	v11 =	vmul.f32 v38, v30  }
0x170: {  	[tilespmem:$0x800] =	vst v33;
	v38 =	vld [tilespmem:$0x410];
	v10 =	vmin.f32 v10, $1.000000000e+00  }
0x171: {  	[tilespmem:$0xA10] =	vst v34;
	v10 =	vmul.f32 $9.000000000e+01, v10;
	v11 =	vadd.f32 v11, v35  }
0x172: {  	[tilespmem:$0x810] =	vst v37  }
0x173: {  	[tilespmem:$0x6F0] =	vst v10;
	v10 =	vmax.f32 v11, $-1.000000000e+00;
	v11 =	vmul.f32 v42, v34;
	v42 =	vpop (erf)  }
0x174: {  	[tilespmem:$0xA20] =	vst v36;
	v50 =	vld [tilespmem:$0x420];
	v10 =	vmin.f32 v10, $1.000000000e+00;
	v51 =	vpop (erf)  }
0x175: {  	[tilespmem:$0x820] =	vst v40;
	v10 =	vmul.f32 $1.800000000e+02, v10;
	v11 =	vadd.f32 v11, v38;
	v15 =	vadd.f32 $1.000000000e+00, v51  }
0x176: {  	[tilespmem:$0x8C0] =	vst v52  }
0x177: {  	v52 =	vld [tilespmem:$0x430];
	[tilespmem:$0x700] =	vst v10;
	v10 =	vmax.f32 v11, $-1.000000000e+00;
	v11 =	vmul.f32 v44, v36;
	(erf) = vrcp.f32 v15  }
0x178: {  	[tilespmem:$0x8E0] =	vst v58;
	v10 =	vmin.f32 v10, $1.000000000e+00  }
0x179: {  	[tilespmem:$0xA30] =	vst v39;
	v10 =	vmul.f32 $1.800000000e+02, v10;
	v11 =	vadd.f32 v11, v50  }
0x17a: {  	[tilespmem:$0x680] =	vst v53;
	v53 =	vmul.f32 v47, v39  }
0x17b: {  	[tilespmem:$0x710] =	vst v10;
	v10 =	vmax.f32 v11, $-1.000000000e+00;
	v11 =	vld [tilespmem:$0x440]  }
0x17c: {  	[tilespmem:$0x900] =	vst v35;
	v13 =	vadd.f32 v53, v52;
	v10 =	vmin.f32 v10, $1.000000000e+00  }
0x17d: {  	[tilespmem:$0x830] =	vst v43;
	v10 =	vmul.f32 $1.800000000e+02, v10  }
0x17e: {  	[tilespmem:$0xA40] =	vst v41;
	v54 =	vmul.f32 v48, v41;
	v13 =	vmax.f32 v13, $-1.000000000e+00  }
0x17f: {  	vm13 =	vlt.f32 v22, $0.0e+00;
	vm14 =	vgt.f32 v22, $0.0e+00;
	v56 =	vld [tilespmem:$0x450];
	[tilespmem:$0x720] =	vst v10;
	v10 =	vmin.f32 v13, $1.000000000e+00  }
0x180: {  	[tilespmem:$0x840] =	vst v45;
	v57 =	vand.u32 $0x80000000, v22;
	v10 =	vmul.f32 $1.800000000e+02, v10;
	v55 =	vadd.f32 v54, v11;
	v15 =	vpop (erf)  }
0x181: {  	[tilespmem:$0x6C0] =	vst v60;
	v60 =	vld [tilespmem:$0x570];
	vm0 =	vmor vm14, vm13;
	v18 =	vor.u32 v57, v8;
	v15 =	vadd.f32 v15, v15  }
0x182: {  	v18 =	vsel vm0, v18, v22;
	v58 =	vld [tilespmem:$0x460];
	v59 =	vmul.f32 v49, v46;
	[tilespmem:$0x730] =	vst v10;
	v10 =	vmax.f32 v55, $-1.000000000e+00  }
0x183: {  	[tilespmem:$0xA50] =	vst v46;
	v18 =	vmul.f32 $1.200000050e+00, v18;
	v61 =	vld [tilespmem:$0x670];
	v10 =	vmin.f32 v10, $1.000000000e+00;
	v15 =	vsub.f32 $1.000000000e+00, v15  }
0x184: {  	[tilespmem:$0x930] =	vst v52;
	v13 =	vadd.f32 v59, v56;
	v10 =	vmul.f32 $1.800000000e+02, v10  }
0x185: {  	[tilespmem:$0x850] =	vst v12;
	v15 =	vmul.f32 v15, v18  }
0x186: {  	v62 =	vmul.f32 v29, v9;
	[tilespmem:$0x740] =	vst v10;
	v10 =	vmax.f32 v13, $-1.000000000e+00  }
0x187: {  	[tilespmem:$0x920] =	vst v50;
	v63 =	vld [tilespmem:$0x470];
	v10 =	vmin.f32 v10, $1.000000000e+00;
	vm15 =	vgt.f32 v15, $0.0e+00  }
0x188: {  	[tilespmem:$0x940] =	vst v11;
	v13 =	vadd.f32 v62, v58;
	v10 =	vmul.f32 $1.800000000e+02, v10;
	v11 =	vsel vm15, v60, v61  }
0x189: {  	[tilespmem:$0xA60] =	vst v9;
	(erf) = vrcp.f32 v11  }
0x18a: {  	[tilespmem:$0x750] =	vst v10;
	v10 =	vmax.f32 v13, $-1.000000000e+00;
	v11 =	vmul.f32 v11, v15  }
0x18b: {  	[tilespmem:$0x950] =	vst v56;
	v10 =	vmin.f32 v10, $1.000000000e+00  }
0x18c: {  	[tilespmem:$0x960] =	vst v58;
	v10 =	vmul.f32 $1.800000000e+02, v10;
	v11 =	vadd.f32 v11, v63  }
0x18d: {  	[tilespmem:$0x970] =	vst v63  }
0x18e: {  	[tilespmem:$0x760] =	vst v10;
	v10 =	vmax.f32 v11, $-1.000000000e+00  }
0x18f: {  	[tilespmem:$0x910] =	vst v38;
	v10 =	vmin.f32 v10, $1.000000000e+00  }
0x190: {  	[tilespmem:$0x860] =	vst v42;
	v10 =	vmul.f32 $1.800000000e+02, v10  }
0x191: {  	[tilespmem:$0xA70] =	vst v15  }
0x192: {  	[tilespmem:$0x770] =	vst v10;
	v9 =	vpop (erf)  }
0x193: {  	s1 =	rddreg [dreg:$0x6];
	[tilespmem:$0x870] =	vst v9  }
0x194: {  	[hbm4b:s1+s2] =	stream.linear.scatter [tilespmem:s24], [sflag:$0x2], $0x80, $0x38;
	[tilespmem:$0xA80] =	vst v63  }
0x195: {  	_ =	swait.ge [sflag:s10], $0x80  }
0x196: {  	[sflag:s10] =	ssyncset.done $0x0  }
0x197: {  	s1 =	rddreg [dreg:$0x7];
	[sflag:s10] =	ssyncadd.s32 $0xFFFFFF80  }
0x198: {  	[hbm4b:s1+s2] =	stream.linear.scatter [tilespmem:s25], [sflag:$0x2], $0x80, $0x38;
	[tilespmem:$0xA80] =	vst v63  }
0x199: {  	_ =	swait.ge [sflag:s10], $0x80  }
0x19a: {  	[sflag:s10] =	ssyncset.done $0x0  }
0x19b: {  	s1 =	rddreg [dreg:$0x8];
	[sflag:s10] =	ssyncadd.s32 $0xFFFFFF80  }
0x19c: {  	[hbm4b:s1+s2] =	stream.linear.scatter [tilespmem:s26], [sflag:$0x2], $0x80, $0x38;
	[tilespmem:$0xA80] =	vst v63  }
0x19d: {  	_ =	swait.ge [sflag:s10], $0x80  }
0x19e: {  	[sflag:s10] =	ssyncset.done $0x0  }
0x19f: {  	s1 =	rddreg [dreg:$0x9];
	[sflag:s10] =	ssyncadd.s32 $0xFFFFFF80  }
0x1a0: {  	[hbm4b:s1+s2] =	stream.linear.scatter [tilespmem:s28], [sflag:$0x2], $0x80, $0x38;
	[tilespmem:$0xA80] =	vst v63  }
0x1a1: {  	_ =	swait.ge [sflag:s10], $0x80  }
0x1a2: {  	[sflag:s10] =	ssyncset.done $0x0  }
0x1a3: {  	s1 =	rddreg [dreg:$0xa];
	[sflag:s10] =	ssyncadd.s32 $0xFFFFFF80  }
0x1a4: {  	[hbm4b:s1+s2] =	stream.linear.scatter [tilespmem:s29], [sflag:$0x2], $0x80, $0x38;
	[tilespmem:$0xA80] =	vst v63  }
0x1a5: {  	_ =	swait.ge [sflag:s10], $0x80  }
0x1a6: {  	[sflag:s10] =	ssyncset.done $0x0  }
0x1a7: {  	s1 =	rddreg [dreg:$0xb];
	[sflag:s10] =	ssyncadd.s32 $0xFFFFFF80  }
0x1a8: {  	[hbm4b:s1+s2] =	stream.linear.scatter [tilespmem:s30], [sflag:$0x2], $0x80, $0x38;
	[tilespmem:$0xA80] =	vst v63  }
0x1a9: {  	_ =	swait.ge [sflag:s10], $0x80  }
0x1aa: {  	[sflag:s10] =	ssyncset.done $0x0  }
0x1ab: {  	[sflag:s10] =	ssyncadd.s32 $0xFFFFFF80  }
0x1ac: {  	[hbm4b:s7+s2] =	stream.linear.scatter [tilespmem:s31], [sflag:$0x2], $0x80, $0x38;
	[tilespmem:$0xA80] =	vst v63  }
0x1ad: {  	_ =	swait.ge [sflag:s10], $0x80  }
0x1ae: {  	p0 =	sne.s32 s9, $0x1;
	[sflag:s10] =	ssyncset.done $0x0  }
.Ltmp0:
0x1af: {  	[sflag:s10] =	ssyncadd.s32 $0xFFFFFF80;
	(pc) =	sbr.rel @p0 .LBB2_1-.Ltmp0, $4  }
0x1b0: {  	[hbm4b:s8+s2] =	stream.linear.scatter [tilespmem:s0], [sflag:$0x2], $0x80, $0x38;
	[tilespmem:$0xA80] =	vst v63  }
0x1b1: {  	_ =	swait.ge [sflag:s10], $0x80  }
0x1b2: {  	[sflag:s10] =	ssyncset.done $0x0  }
0x1b3: {  	s9 =	sadd.s32 $0xFFFFFFFF, s9;
	[sflag:s10] =	ssyncadd.s32 $0xFFFFFF80  }
0x1b4: {  	_ =	sfence.sel $0x180000  }
0x1b5: {  	[bflag:$0x0] =	sbarrier.arrive $0xFFFF  }
0x1b6: {  	_ =	strace $0x90000047  }
0x1b7: {  	s0 =	stileid.u32;
	[bflag:$0x2] =	sbarrier.arrive $0xFFFF  }
0x1b8: {  	p0 =	sne.s32 s0, $0x0;
	s0 =	rddreg [dreg:$0x4]  }
0x1b9: {  	s0 =	sadd.s32 @!p0 $0x100000, s0  }
0x1ba: {  	[sflag:s0] =	ssyncadd.tile.s32 @!p0 $0x1;
	_ =	shalt  }
.Lfunc_end2:
_tile_overlayer_lowered:
.L_overlay_start_2:
0x1bb: {  	(tag) =	ssettag $0x2  }
0x1bc: {  	s0 =	rddreg [dreg:$0x0];
	s2 =	stileid.u32  }
0x1bd: {  	s1 =	rddreg [dreg:$0x1];
	p0 =	sne.s32 s2, $0x0  }
0x1be: {  	s3 =	rddreg [dreg:$0x2];
	[bflag:$0x3] =	sbarrier.arrive $0xFFFF;
	s2 =	simm.s32 @!p0 $0x1C02  }
0x1bf: {  	[timem:s3], [sflag:s2] =	dma.local @!p0 [hbm:s0], s1  }
0x1c0: {  	s0 =	simm.s32 @!p0 $0x2  }
0x1c1: {  	_ =	swait.ge @!p0 [sflag:s0], s1  }
0x1c2: {  	s1 =	ssub.s32 @!p0 $0x0, s1;
	[sflag:s0] =	ssyncset.done @!p0 $0x0  }
0x1c3: {  	[sflag:s0] =	ssyncadd.s32 @!p0 s1  }
0x1c4: {  	[bflag:$0x3] =	sbarrier.arrive $0xFFFF  }
0x1c5: {  	_ =	shalt  }

</sc_bundles>
